<compile_context>
chip_gen: v7x
topology: tpu7x:2x2x1
jax: 0.10.2.dev20260603
libtpu: 0.0.44.dev20260713+nightly
codegen_flags: <defaults>
</compile_context>

<pallas_src>
import functools

import jax
import jax.numpy as jnp
from jax import lax
from jax.experimental import pallas as pl
from jax.experimental.pallas import tpu as pltpu
from jax.experimental.pallas import tpu_sc as plsc

NUM_EXPERTS = 8
TOP_K = 2
_NEG = -1e30
_TM = 256
_FB = 512


def _pack_bf16(y):
    dh = y.shape[1] // 2

    def rb(v):
        uv = jax.lax.bitcast_convert_type(v, jnp.uint32)
        return (uv + jnp.uint32(0x7FFF) + ((uv >> 16) & jnp.uint32(1))) >> 16

    packed = rb(y[:, :dh]) | (rb(y[:, dh:]) << 16)
    return jax.lax.bitcast_convert_type(packed, jnp.int32)


def _router_body(x_ref, gwp_ref, logits_ref, meta_ref, xp_ref):
    x = x_ref[...]
    xp_ref[...] = _pack_bf16(x)
    logits = jax.lax.dot_general(
        x, gwp_ref[...], (((1,), (1,)), ((), ())),
        preferred_element_type=jnp.float32)
    col = jax.lax.broadcasted_iota(jnp.int32, logits.shape, 1)
    valid = col < NUM_EXPERTS
    l = jnp.where(valid, logits, _NEG)
    m1 = jnp.max(l, axis=1, keepdims=True)
    idx1 = jnp.min(jnp.where(l == m1, col, 128), axis=1, keepdims=True)
    l2 = jnp.where(col == idx1, _NEG, l)
    m2 = jnp.max(l2, axis=1, keepdims=True)
    idx2 = jnp.min(jnp.where(l2 == m2, col, 128), axis=1, keepdims=True)
    b = jnp.exp(m2 - m1)
    w1 = 1.0 / (1.0 + b)
    w2 = b * w1
    logits_ref[...] = logits
    meta_ref[...] = jnp.where(col == 0, idx1.astype(jnp.float32),
                    jnp.where(col == 1, idx2.astype(jnp.float32),
                    jnp.where(col == 2, w1,
                    jnp.where(col == 3, w2, 0.0))))


def _router(x, gate_w):
    T, D = x.shape
    TN = 256
    gwp = jnp.zeros((128, D), jnp.float32).at[:NUM_EXPERTS].set(gate_w)
    return pl.pallas_call(
        _router_body,
        grid=(T // TN,),
        in_specs=[
            pl.BlockSpec((TN, D), lambda t: (t, 0)),
            pl.BlockSpec((128, D), lambda t: (0, 0)),
        ],
        out_specs=(pl.BlockSpec((TN, 128), lambda t: (t, 0)),
                   pl.BlockSpec((TN, 128), lambda t: (t, 0)),
                   pl.BlockSpec((TN, D // 2), lambda t: (t, 0))),
        out_shape=(jax.ShapeDtypeStruct((T, 128), jnp.float32),
                   jax.ShapeDtypeStruct((T, 128), jnp.float32),
                   jax.ShapeDtypeStruct((T, D // 2), jnp.int32)),
    )(x, gwp)


def _meta_body(ep_ref, pos_ref, steps_ref, *, tm):
    ep = ep_ref[...]
    R = ep.shape[0]
    i128 = jax.lax.broadcasted_iota(jnp.int32, (128, 128), 0)
    j128 = jax.lax.broadcasted_iota(jnp.int32, (128, 128), 1)
    ut = (i128 <= j128).astype(jnp.float32)
    iR = jax.lax.broadcasted_iota(jnp.int32, (R, R), 0)
    jR = jax.lax.broadcasted_iota(jnp.int32, (R, R), 1)
    slt = (jR < iR).astype(jnp.float32)

    pos = jnp.zeros(ep.shape, jnp.float32)
    tile_off = jnp.float32(0.0)
    tile_offs = []
    for e in range(NUM_EXPERTS):
        m = (ep == e).astype(jnp.float32)
        pin = jnp.dot(m, ut, preferred_element_type=jnp.float32)
        s_col = pin[:, 127:128]
        carry = jnp.dot(slt, jnp.broadcast_to(s_col, ep.shape),
                        preferred_element_type=jnp.float32)
        rank = pin - m + carry
        cnt = jnp.sum(m)
        pos = pos + m * (tile_off * tm + rank)
        tile_offs.append(tile_off)
        tile_off = tile_off + jnp.ceil(cnt / tm)
    total_tiles = tile_off

    ivec = jax.lax.broadcasted_iota(jnp.int32, (1, 128), 1).astype(jnp.float32)
    icl = jnp.minimum(ivec, total_tiles - 1.0)
    sexp = -jnp.ones((1, 128), jnp.float32)
    for e in range(NUM_EXPERTS):
        sexp = sexp + (icl >= tile_offs[e]).astype(jnp.float32)
    svalid = (ivec < total_tiles).astype(jnp.float32)

    icl_m = jnp.minimum(ivec - 1.0, total_tiles - 1.0)
    eprev = -jnp.ones((1, 128), jnp.float32)
    for e in range(NUM_EXPERTS):
        eprev = eprev + (icl_m >= tile_offs[e]).astype(jnp.float32)
    chg = ((eprev != sexp) & (ivec < total_tiles)).astype(jnp.float32)
    cum = jnp.dot(chg, ut, preferred_element_type=jnp.float32)
    par = cum - 2.0 * jnp.floor(cum * 0.5)
    nxs = jnp.full((1, 128), 999.0, jnp.float32)
    for e in range(NUM_EXPERTS):
        nxs = jnp.minimum(nxs, jnp.where(tile_offs[e] > icl, tile_offs[e], 999.0))
    nxv = (nxs < total_tiles).astype(jnp.float32)
    nxcl = jnp.minimum(nxs, total_tiles - 1.0)
    nx = -jnp.ones((1, 128), jnp.float32)
    for e in range(NUM_EXPERTS):
        nx = nx + (nxcl >= tile_offs[e]).astype(jnp.float32)

    pos_ref[...] = pos.astype(jnp.int32)
    r8 = jax.lax.broadcasted_iota(jnp.int32, (8, 128), 0)
    rows = [sexp, svalid, chg, par, nx, nxv]
    steps = jnp.zeros((8, 128), jnp.float32)
    for k, row in enumerate(rows):
        steps = jnp.where(r8 == k, jnp.broadcast_to(row, (8, 128)), steps)
    steps_ref[...] = steps.astype(jnp.int32)


def _metadata(ep, tm):
    R = ep.shape[0]
    return pl.pallas_call(
        functools.partial(_meta_body, tm=tm),
        out_shape=(jax.ShapeDtypeStruct((R, 128), jnp.int32),
                   jax.ShapeDtypeStruct((8, 128), jnp.int32)),
    )(ep)


def _sc_dispatch(x, tid3, pos3, s_pad):
    T, D = x.shape
    nw = tid3.shape[0]
    nchunk, cb = tid3.shape[1], tid3.shape[2]
    info = plsc.get_sparse_core_info()
    nc = info.num_cores

    @functools.partial(
        pl.kernel,
        mesh=plsc.VectorSubcoreMesh(core_axis_name="c", subcore_axis_name="s"),
        out_type=jax.ShapeDtypeStruct((s_pad, D), jnp.int32),
        scratch_types=[
            pltpu.VMEM((nchunk, cb), jnp.int32),
            pltpu.VMEM((nchunk, cb), jnp.int32),
            pltpu.VMEM((cb, D), jnp.int32),
            pltpu.VMEM((cb, D), jnp.int32),
            pltpu.SemaphoreType.DMA,
            pltpu.SemaphoreType.DMA,
            pltpu.SemaphoreType.DMA,
        ],
    )
    def dispatch(x_hbm, tid_hbm, pos_hbm, xs_hbm, idx_t, idx_p,
                 rows0, rows1, semg, sems0, sems1):
        wid = lax.axis_index("s") * nc + lax.axis_index("c")
        pltpu.sync_copy(tid_hbm.at[wid], idx_t)
        pltpu.sync_copy(pos_hbm.at[wid], idx_p)
        bufs = (rows0, rows1)
        ssems = (sems0, sems1)
        hg = {0: pltpu.async_copy(x_hbm.at[idx_t.at[0]], rows0, semg)}
        hs = {}
        for j in range(nchunk):
            buf = bufs[j % 2]
            hg[j].wait()
            hs[j] = pltpu.async_copy(buf, xs_hbm.at[idx_p.at[j]], ssems[j % 2])
            if j + 1 < nchunk:
                if j - 1 >= 0:
                    hs[j - 1].wait()
                hg[j + 1] = pltpu.async_copy(
                    x_hbm.at[idx_t.at[j + 1]], bufs[(j + 1) % 2], semg)
        if nchunk >= 2:
            hs[nchunk - 2].wait()
        hs[nchunk - 1].wait()

    return dispatch(x, tid3, pos3)


def _gmm_body(es, vs, cg, pr, nx, nv, xs_ref, wg_hbm, wu_hbm, wd_hbm, ys_ref,
              wgb, wub, wdb, sg, su, sd):
    i = pl.program_id(0)
    p = pr[i]

    def _start(e, slot):
        pltpu.make_async_copy(wg_hbm.at[e], wgb.at[slot], sg.at[slot]).start()
        pltpu.make_async_copy(wu_hbm.at[e], wub.at[slot], su.at[slot]).start()
        pltpu.make_async_copy(wd_hbm.at[e], wdb.at[slot], sd.at[slot]).start()

    def _wait(slot):
        pltpu.make_async_copy(wg_hbm.at[0], wgb.at[slot], sg.at[slot]).wait()
        pltpu.make_async_copy(wu_hbm.at[0], wub.at[slot], su.at[slot]).wait()
        pltpu.make_async_copy(wd_hbm.at[0], wdb.at[slot], sd.at[slot]).wait()

    @pl.when((i == 0) & (vs[i] == 1))
    def _first():
        _start(es[i], p)

    @pl.when((cg[i] == 1) & (vs[i] == 1))
    def _boundary():
        _wait(p)

        @pl.when(nv[i] == 1)
        def _prefetch_next():
            _start(nx[i], 1 - p)

    @pl.when(vs[i] == 1)
    def _compute():
        xb = _unpack_bf16(xs_ref[...]).astype(jnp.bfloat16)
        wg = wgb[p].astype(jnp.bfloat16)
        wu = wub[p].astype(jnp.bfloat16)
        wd = wdb[p].astype(jnp.bfloat16)
        g = jnp.dot(xb, wg, preferred_element_type=jnp.float32)
        u = jnp.dot(xb, wu, preferred_element_type=jnp.float32)
        h = (g * jax.lax.logistic(g) * u).astype(jnp.bfloat16)
        y = jnp.dot(h, wd, preferred_element_type=jnp.float32)
        dh = y.shape[1] // 2

        def rb(v):
            uv = jax.lax.bitcast_convert_type(v, jnp.uint32)
            return (uv + jnp.uint32(0x7FFF) + ((uv >> 16) & jnp.uint32(1))) >> 16

        packed = rb(y[:, :dh]) | (rb(y[:, dh:]) << 16)
        ys_ref[...] = jax.lax.bitcast_convert_type(packed, jnp.int32)


def _grouped_mlp(xs, w_gate, w_up, w_down, steps_arrs, tm):
    s_pad, DP = xs.shape
    D = DP * 2
    E, _, F = w_gate.shape
    G = s_pad // tm
    grid_spec = pltpu.PrefetchScalarGridSpec(
        num_scalar_prefetch=6,
        grid=(G,),
        in_specs=[
            pl.BlockSpec((tm, DP), lambda i, *_: (i, 0)),
            pl.BlockSpec(memory_space=pltpu.MemorySpace.HBM),
            pl.BlockSpec(memory_space=pltpu.MemorySpace.HBM),
            pl.BlockSpec(memory_space=pltpu.MemorySpace.HBM),
        ],
        out_specs=pl.BlockSpec((tm, DP), lambda i, *_: (i, 0)),
        scratch_shapes=[
            pltpu.VMEM((2, D, F), jnp.float32),
            pltpu.VMEM((2, D, F), jnp.float32),
            pltpu.VMEM((2, F, D), jnp.float32),
            pltpu.SemaphoreType.DMA((2,)),
            pltpu.SemaphoreType.DMA((2,)),
            pltpu.SemaphoreType.DMA((2,)),
        ],
    )
    return pl.pallas_call(
        _gmm_body,
        grid_spec=grid_spec,
        out_shape=jax.ShapeDtypeStruct((s_pad, DP), jnp.int32),
        compiler_params=pltpu.CompilerParams(
            dimension_semantics=("arbitrary",),
            vmem_limit_bytes=100 * 1024 * 1024),
    )(*steps_arrs, xs, w_gate, w_up, w_down)


def _sc_collect(ys, p03, p13, T):
    s_pad, D = ys.shape
    nchunk, cb = p03.shape[1], p03.shape[2]
    per_w = nchunk * cb
    info = plsc.get_sparse_core_info()
    nc = info.num_cores

    @functools.partial(
        pl.kernel,
        mesh=plsc.VectorSubcoreMesh(core_axis_name="c", subcore_axis_name="s"),
        out_type=(jax.ShapeDtypeStruct((T, D), jnp.int32),
                  jax.ShapeDtypeStruct((T, D), jnp.int32)),
        scratch_types=[
            pltpu.VMEM((nchunk, cb), jnp.int32),
            pltpu.VMEM((nchunk, cb), jnp.int32),
            pltpu.VMEM((cb, D), jnp.int32),
            pltpu.VMEM((cb, D), jnp.int32),
            pltpu.SemaphoreType.DMA,
            pltpu.SemaphoreType.DMA,
            pltpu.SemaphoreType.DMA,
        ],
    )
    def collect(ys_hbm, p0_hbm, p1_hbm, y0_hbm, y1_hbm, idx0, idx1,
                buf0, buf1, semg, semw0, semw1):
        wid = lax.axis_index("s") * nc + lax.axis_index("c")
        base = wid * per_w
        pltpu.sync_copy(p0_hbm.at[wid], idx0)
        pltpu.sync_copy(p1_hbm.at[wid], idx1)
        steps = []
        for j in range(nchunk):
            steps.append((idx0, j, y0_hbm))
            steps.append((idx1, j, y1_hbm))
        ns = len(steps)
        bufs = (buf0, buf1)
        wsems = (semw0, semw1)
        ix0, j0, _ = steps[0]
        hg = {0: pltpu.async_copy(ys_hbm.at[ix0.at[j0]], buf0, semg)}
        hw = {}
        for s in range(ns):
            buf = bufs[s % 2]
            _, j, dst = steps[s]
            hg[s].wait()
            hw[s] = pltpu.async_copy(
                buf, dst.at[pl.ds(base + j * cb, cb)], wsems[s % 2])
            if s + 1 < ns:
                if s - 1 >= 0:
                    hw[s - 1].wait()
                ixn, jn, _ = steps[s + 1]
                hg[s + 1] = pltpu.async_copy(
                    ys_hbm.at[ixn.at[jn]], bufs[(s + 1) % 2], semg)
        if ns >= 2:
            hw[ns - 2].wait()
        hw[ns - 1].wait()

    return collect(ys, p03, p13)


def _unpack_bf16(p):
    u = jax.lax.bitcast_convert_type(p, jnp.uint32)
    lo = jax.lax.bitcast_convert_type(u << 16, jnp.float32)
    hi = jax.lax.bitcast_convert_type(u & jnp.uint32(0xFFFF0000), jnp.float32)
    return jnp.concatenate([lo, hi], axis=1)


def _combine_body(meta_ref, y0_ref, y1_ref, out_ref):
    out_ref[...] = (_unpack_bf16(y0_ref[...]) * meta_ref[:, 2:3]
                    + _unpack_bf16(y1_ref[...]) * meta_ref[:, 3:4])


def _combine(meta, y0, y1):
    T, DP = y0.shape
    TN = 256
    return pl.pallas_call(
        _combine_body,
        grid=(T // TN,),
        in_specs=[
            pl.BlockSpec((TN, 128), lambda t: (t, 0)),
            pl.BlockSpec((TN, DP), lambda t: (t, 0)),
            pl.BlockSpec((TN, DP), lambda t: (t, 0)),
        ],
        out_specs=pl.BlockSpec((TN, DP * 2), lambda t: (t, 0)),
        out_shape=jax.ShapeDtypeStruct((T, DP * 2), jnp.float32),
    )(meta, y0, y1)


def kernel(hidden_states, gate_w, w_gate, w_up, w_down):
    B, S, D = hidden_states.shape
    T = B * S
    E, _, F = w_gate.shape
    x = hidden_states.reshape(T, D)

    logits128, meta, xp = _router(x, gate_w)
    router_logits = logits128[:, :NUM_EXPERTS]

    idx1 = meta[:, 0].astype(jnp.int32)
    idx2 = meta[:, 1].astype(jnp.int32)
    ep = jnp.concatenate([idx1, idx2]).reshape(TOP_K * T // 128, 128)

    G = (TOP_K * T) // _TM + NUM_EXPERTS
    s_pad = G * _TM
    pos, steps = _metadata(ep, _TM)
    pos_flat = pos.reshape(TOP_K * T)
    steps_arrs = [steps[k, :G] for k in range(6)]

    nw = 32
    tid3 = jnp.tile(jnp.arange(T, dtype=jnp.int32), TOP_K).reshape(nw, -1, 16)
    pos3 = pos_flat.reshape(nw, -1, 16)
    xs = _sc_dispatch(xp, tid3, pos3, s_pad)

    ys = _grouped_mlp(xs, w_gate, w_up, w_down, steps_arrs, _TM)

    p03 = pos_flat[:T].reshape(nw, -1, 16)
    p13 = pos_flat[T:].reshape(nw, -1, 16)
    y0, y1 = _sc_collect(ys, p03, p13, T)

    final = _combine(meta, y0, y1)
    return final.reshape(B, S, D), router_logits

# --- scband reference (transcript-rebuilt; emitter-appended) ---
"""Pipeline reference for scband-mini-max-mo-eblock-11227044511759 (READ-ONLY COPY).

The authoritative reference and input builder live on the scoring server;
editing this copy changes nothing except your own understanding.
"""

import jax, jax.numpy as jnp
import numpy as np

NUM_EXPERTS = 8
TOP_K = 2
D_MODEL = 2048
D_FF = 1024
B = 1
S = 2048


def setup_inputs(seed: int = 0) -> dict:
    key = jax.random.key(seed)
    k0, k1, k2, k3, k4 = jax.random.split(key, 5)
    hidden_states = jax.random.normal(k0, (B, S, D_MODEL), dtype=jnp.float32)
    gate_w = jax.random.normal(k1, (NUM_EXPERTS, D_MODEL), dtype=jnp.float32) * 0.02
    w_gate = jax.random.normal(k2, (NUM_EXPERTS, D_MODEL, D_FF), dtype=jnp.float32) * 0.02
    w_up = jax.random.normal(k3, (NUM_EXPERTS, D_MODEL, D_FF), dtype=jnp.float32) * 0.02
    w_down = jax.random.normal(k4, (NUM_EXPERTS, D_FF, D_MODEL), dtype=jnp.float32) * 0.02
    return {
        "hidden_states": hidden_states,
        "gate_w": gate_w,
        "w_gate": w_gate,
        "w_up": w_up,
        "w_down": w_down,
    }


def _topk_softmax(router_logits):
    # lib.topk_softmax: select top-k experts per token, softmax over the
    # selected logits, scatter back into a dense [T, E] weight matrix.
    top_vals, top_idx = jax.lax.top_k(router_logits, TOP_K)
    top_w = jax.nn.softmax(top_vals, axis=-1)
    T = router_logits.shape[0]
    routing_weights_mask = jnp.zeros(router_logits.shape, router_logits.dtype)
    routing_weights_mask = routing_weights_mask.at[jnp.arange(T)[:, None], top_idx].set(top_w)
    router_mask = routing_weights_mask > 0
    return router_mask, routing_weights_mask


def reference(hidden_states, gate_w, w_gate, w_up, w_down):
    batch_size, sequence_length, hidden_dim = hidden_states.shape
    x = hidden_states.reshape(-1, hidden_dim)
    # gate: nn.Linear(hidden_size, num_local_experts, bias=False)
    router_logits = x @ gate_w.T
    router_mask, routing_weights_mask = _topk_softmax(router_logits)
    # expert dispatch/compute: each expert is a SwiGLU MLP; tokens with zero
    # routing weight contribute nothing (masked dense formulation, same math).
    g = jnp.einsum('td,edf->etf', x, w_gate)
    u = jnp.einsum('td,edf->etf', x, w_up)
    h = jax.nn.silu(g) * u
    y = jnp.einsum('etf,efd->etd', h, w_down)
    final = jnp.einsum('te,etd->td', routing_weights_mask, y)
    final_hidden_states = final.reshape(batch_size, sequence_length, hidden_dim).astype(hidden_states.dtype)
    return (final_hidden_states, router_logits)

if __name__ == "__main__":
    import jax
    _d = setup_inputs()
    print(jax.jit(kernel)(*tuple(_d.values())))

</pallas_src>

<mosaic_0001>
#map = affine_map<(d0, d1) -> (0, 0)>
#map1 = affine_map<(d0, d1) -> (0, 0, 0)>
module attributes {stable_mosaic.version = 14 : i64} {
  func.func @collect(%arg0: i32, %arg1: i32, %arg2: memref<6144x1024xi32, #tpu.memory_space<hbm>>, %arg3: memref<32x4x16xi32, #tpu.memory_space<hbm>>, %arg4: memref<32x4x16xi32, #tpu.memory_space<hbm>>, %arg5: memref<2048x1024xi32, #tpu.memory_space<hbm>>, %arg6: memref<2048x1024xi32, #tpu.memory_space<hbm>>, %arg7: memref<4x16xi32, #tpu.memory_space<vmem>>, %arg8: memref<4x16xi32, #tpu.memory_space<vmem>>, %arg9: memref<16x1024xi32, #tpu.memory_space<vmem>>, %arg10: memref<16x1024xi32, #tpu.memory_space<vmem>>, %arg11: memref<!tpu.dma_semaphore, #tpu.memory_space<semaphore_mem>>, %arg12: memref<!tpu.dma_semaphore, #tpu.memory_space<semaphore_mem>>, %arg13: memref<!tpu.dma_semaphore, #tpu.memory_space<semaphore_mem>>) attributes {dimension_semantics = [#tpu.dimension_semantics<core_parallel>, #tpu.dimension_semantics<subcore_parallel>], iteration_bounds = array<i64: 2, 16>, scalar_prefetch = 0 : i64, scratch_operands = 7 : i64, tpu.core_type = #tpu.core_type<sc_vector_subcore>, window_params = [{transform_indices = #map}, {transform_indices = #map1}, {transform_indices = #map1}, {transform_indices = #map}, {transform_indices = #map}]} {
    %mul3A = arith.constant 2 : i32
    %mul3A_0 = arith.muli %arg1, %mul3A : i32
    %add3A = arith.addi %mul3A_0, %arg0 : i32
    %mul3A_1 = arith.constant 64 : i32
    %mul3A_2 = arith.muli %add3A, %mul3A_1 : i32
    "tpu.region"() ({
      %run_scoped3A = tpu.sem_alloc : memref<!tpu.dma_semaphore, #tpu.memory_space<semaphore_mem>>
      %dma_start3A_193 = arith.constant 0 : i32
      %dma_start3A_194 = arith.constant 0 : i32
      %dma_start3A_195 = tpu.memref_slice %arg3[%add3A, %dma_start3A_193, %dma_start3A_194] : memref<32x4x16xi32, #tpu.memory_space<hbm>> -> memref<1x4x16xi32, #tpu.memory_space<hbm>>
      %dma_start3A_196 = tpu.memref_squeeze %dma_start3A_195 : memref<1x4x16xi32, #tpu.memory_space<hbm>> -> memref<4x16xi32, #tpu.memory_space<hbm>>
      %dma_start3A_197 = arith.constant 0 : i32
      %dma_start3A_198 = arith.constant 0 : i32
      %dma_start3A_199 = tpu.memref_slice %arg3[%add3A, %dma_start3A_197, %dma_start3A_198] : memref<32x4x16xi32, #tpu.memory_space<hbm>> -> memref<1x4x16xi32, #tpu.memory_space<hbm>>
      %dma_start3A_200 = tpu.memref_squeeze %dma_start3A_199 : memref<1x4x16xi32, #tpu.memory_space<hbm>> -> memref<4x16xi32, #tpu.memory_space<hbm>>
      tpu.enqueue_dma source(%dma_start3A_200 : memref<4x16xi32, #tpu.memory_space<hbm>>) target(%arg7 : memref<4x16xi32, #tpu.memory_space<vmem>>) target_semaphore(%run_scoped3A : memref<!tpu.dma_semaphore, #tpu.memory_space<semaphore_mem>>)
      %dma_wait3A_201 = arith.constant 0 : i32
      %dma_wait3A_202 = arith.constant 0 : i32
      %dma_wait3A_203 = tpu.memref_slice %arg3[%add3A, %dma_wait3A_201, %dma_wait3A_202] : memref<32x4x16xi32, #tpu.memory_space<hbm>> -> memref<1x4x16xi32, #tpu.memory_space<hbm>>
      %dma_wait3A_204 = tpu.memref_squeeze %dma_wait3A_203 : memref<1x4x16xi32, #tpu.memory_space<hbm>> -> memref<4x16xi32, #tpu.memory_space<hbm>>
      %dma_wait3A_205 = arith.constant 0 : i32
      %dma_wait3A_206 = arith.constant 0 : i32
      %dma_wait3A_207 = tpu.memref_slice %arg3[%add3A, %dma_wait3A_205, %dma_wait3A_206] : memref<32x4x16xi32, #tpu.memory_space<hbm>> -> memref<1x4x16xi32, #tpu.memory_space<hbm>>
      %dma_wait3A_208 = tpu.memref_squeeze %dma_wait3A_207 : memref<1x4x16xi32, #tpu.memory_space<hbm>> -> memref<4x16xi32, #tpu.memory_space<hbm>>
      tpu.wait_dma2 semaphore(%run_scoped3A : memref<!tpu.dma_semaphore, #tpu.memory_space<semaphore_mem>>) src(%dma_wait3A_208 : memref<4x16xi32, #tpu.memory_space<hbm>>) dst(%arg7 : memref<4x16xi32, #tpu.memory_space<vmem>>)
      tpu.yield
    }) : () -> ()
    "tpu.region"() ({
      %run_scoped3A = tpu.sem_alloc : memref<!tpu.dma_semaphore, #tpu.memory_space<semaphore_mem>>
      %dma_start3A_193 = arith.constant 0 : i32
      %dma_start3A_194 = arith.constant 0 : i32
      %dma_start3A_195 = tpu.memref_slice %arg4[%add3A, %dma_start3A_193, %dma_start3A_194] : memref<32x4x16xi32, #tpu.memory_space<hbm>> -> memref<1x4x16xi32, #tpu.memory_space<hbm>>
      %dma_start3A_196 = tpu.memref_squeeze %dma_start3A_195 : memref<1x4x16xi32, #tpu.memory_space<hbm>> -> memref<4x16xi32, #tpu.memory_space<hbm>>
      %dma_start3A_197 = arith.constant 0 : i32
      %dma_start3A_198 = arith.constant 0 : i32
      %dma_start3A_199 = tpu.memref_slice %arg4[%add3A, %dma_start3A_197, %dma_start3A_198] : memref<32x4x16xi32, #tpu.memory_space<hbm>> -> memref<1x4x16xi32, #tpu.memory_space<hbm>>
      %dma_start3A_200 = tpu.memref_squeeze %dma_start3A_199 : memref<1x4x16xi32, #tpu.memory_space<hbm>> -> memref<4x16xi32, #tpu.memory_space<hbm>>
      tpu.enqueue_dma source(%dma_start3A_200 : memref<4x16xi32, #tpu.memory_space<hbm>>) target(%arg8 : memref<4x16xi32, #tpu.memory_space<vmem>>) target_semaphore(%run_scoped3A : memref<!tpu.dma_semaphore, #tpu.memory_space<semaphore_mem>>)
      %dma_wait3A_201 = arith.constant 0 : i32
      %dma_wait3A_202 = arith.constant 0 : i32
      %dma_wait3A_203 = tpu.memref_slice %arg4[%add3A, %dma_wait3A_201, %dma_wait3A_202] : memref<32x4x16xi32, #tpu.memory_space<hbm>> -> memref<1x4x16xi32, #tpu.memory_space<hbm>>
      %dma_wait3A_204 = tpu.memref_squeeze %dma_wait3A_203 : memref<1x4x16xi32, #tpu.memory_space<hbm>> -> memref<4x16xi32, #tpu.memory_space<hbm>>
      %dma_wait3A_205 = arith.constant 0 : i32
      %dma_wait3A_206 = arith.constant 0 : i32
      %dma_wait3A_207 = tpu.memref_slice %arg4[%add3A, %dma_wait3A_205, %dma_wait3A_206] : memref<32x4x16xi32, #tpu.memory_space<hbm>> -> memref<1x4x16xi32, #tpu.memory_space<hbm>>
      %dma_wait3A_208 = tpu.memref_squeeze %dma_wait3A_207 : memref<1x4x16xi32, #tpu.memory_space<hbm>> -> memref<4x16xi32, #tpu.memory_space<hbm>>
      tpu.wait_dma2 semaphore(%run_scoped3A : memref<!tpu.dma_semaphore, #tpu.memory_space<semaphore_mem>>) src(%dma_wait3A_208 : memref<4x16xi32, #tpu.memory_space<hbm>>) dst(%arg8 : memref<4x16xi32, #tpu.memory_space<vmem>>)
      tpu.yield
    }) : () -> ()
    %dma_start3A = arith.constant 0 : i32
    %dma_start3A_3 = arith.constant 0 : i32
    %dma_start3A_4 = tpu.memref_slice %arg7[%dma_start3A, %dma_start3A_3] : memref<4x16xi32, #tpu.memory_space<vmem>> -> memref<1x16xi32, #tpu.memory_space<vmem>>
    %dma_start3A_5 = tpu.memref_squeeze %dma_start3A_4 : memref<1x16xi32, #tpu.memory_space<vmem>> -> memref<16xi32, #tpu.memory_space<vmem>>
    %dma_start3A_6 = arith.constant 0 : i32
    %dma_start3A_7 = arith.constant 0 : i32
    %dma_start3A_8 = tpu.memref_slice %arg2[%dma_start3A_6, %dma_start3A_7] : memref<6144x1024xi32, #tpu.memory_space<hbm>> -> memref<6144x1024xi32, #tpu.memory_space<hbm>>
    tpu.enqueue_indirect_dma source(%dma_start3A_8 : memref<6144x1024xi32, #tpu.memory_space<hbm>>) target(%arg9 : memref<16x1024xi32, #tpu.memory_space<vmem>>) offsets(%dma_start3A_5 : memref<16xi32, #tpu.memory_space<vmem>>) semaphore(%arg11 : memref<!tpu.dma_semaphore, #tpu.memory_space<semaphore_mem>>)
    %dma_wait3A = arith.constant 0 : i32
    %dma_wait3A_9 = arith.constant 0 : i32
    %dma_wait3A_10 = tpu.memref_slice %arg7[%dma_wait3A, %dma_wait3A_9] : memref<4x16xi32, #tpu.memory_space<vmem>> -> memref<1x16xi32, #tpu.memory_space<vmem>>
    %dma_wait3A_11 = tpu.memref_squeeze %dma_wait3A_10 : memref<1x16xi32, #tpu.memory_space<vmem>> -> memref<16xi32, #tpu.memory_space<vmem>>
    %dma_wait3A_12 = arith.constant 0 : i32
    %dma_wait3A_13 = arith.constant 0 : i32
    %dma_wait3A_14 = tpu.memref_slice %arg2[%dma_wait3A_12, %dma_wait3A_13] : memref<6144x1024xi32, #tpu.memory_space<hbm>> -> memref<6144x1024xi32, #tpu.memory_space<hbm>>
    tpu.wait_indirect_dma semaphore(%arg11 : memref<!tpu.dma_semaphore, #tpu.memory_space<semaphore_mem>>) src(%dma_wait3A_14 : memref<6144x1024xi32, #tpu.memory_space<hbm>>) dst(%arg9 : memref<16x1024xi32, #tpu.memory_space<vmem>>)
    %add3A_15 = arith.constant 0 : i32
    %add3A_16 = arith.addi %mul3A_2, %add3A_15 : i32
    %dma_start3A_17 = arith.constant 0 : i32
    %dma_start3A_18 = tpu.memref_slice %arg5[%add3A_16, %dma_start3A_17] : memref<2048x1024xi32, #tpu.memory_space<hbm>> -> memref<16x1024xi32, #tpu.memory_space<hbm>>
    %dma_start3A_19 = arith.constant 0 : i32
    %dma_start3A_20 = tpu.memref_slice %arg5[%add3A_16, %dma_start3A_19] : memref<2048x1024xi32, #tpu.memory_space<hbm>> -> memref<16x1024xi32, #tpu.memory_space<hbm>>
    tpu.enqueue_dma source(%arg9 : memref<16x1024xi32, #tpu.memory_space<vmem>>) target(%dma_start3A_20 : memref<16x1024xi32, #tpu.memory_space<hbm>>) target_semaphore(%arg12 : memref<!tpu.dma_semaphore, #tpu.memory_space<semaphore_mem>>)
    %dma_start3A_21 = arith.constant 0 : i32
    %dma_start3A_22 = arith.constant 0 : i32
    %dma_start3A_23 = tpu.memref_slice %arg8[%dma_start3A_21, %dma_start3A_22] : memref<4x16xi32, #tpu.memory_space<vmem>> -> memref<1x16xi32, #tpu.memory_space<vmem>>
    %dma_start3A_24 = tpu.memref_squeeze %dma_start3A_23 : memref<1x16xi32, #tpu.memory_space<vmem>> -> memref<16xi32, #tpu.memory_space<vmem>>
    %dma_start3A_25 = arith.constant 0 : i32
    %dma_start3A_26 = arith.constant 0 : i32
    %dma_start3A_27 = tpu.memref_slice %arg2[%dma_start3A_25, %dma_start3A_26] : memref<6144x1024xi32, #tpu.memory_space<hbm>> -> memref<6144x1024xi32, #tpu.memory_space<hbm>>
    tpu.enqueue_indirect_dma source(%dma_start3A_27 : memref<6144x1024xi32, #tpu.memory_space<hbm>>) target(%arg10 : memref<16x1024xi32, #tpu.memory_space<vmem>>) offsets(%dma_start3A_24 : memref<16xi32, #tpu.memory_space<vmem>>) semaphore(%arg11 : memref<!tpu.dma_semaphore, #tpu.memory_space<semaphore_mem>>)
    %dma_wait3A_28 = arith.constant 0 : i32
    %dma_wait3A_29 = arith.constant 0 : i32
    %dma_wait3A_30 = tpu.memref_slice %arg8[%dma_wait3A_28, %dma_wait3A_29] : memref<4x16xi32, #tpu.memory_space<vmem>> -> memref<1x16xi32, #tpu.memory_space<vmem>>
    %dma_wait3A_31 = tpu.memref_squeeze %dma_wait3A_30 : memref<1x16xi32, #tpu.memory_space<vmem>> -> memref<16xi32, #tpu.memory_space<vmem>>
    %dma_wait3A_32 = arith.constant 0 : i32
    %dma_wait3A_33 = arith.constant 0 : i32
    %dma_wait3A_34 = tpu.memref_slice %arg2[%dma_wait3A_32, %dma_wait3A_33] : memref<6144x1024xi32, #tpu.memory_space<hbm>> -> memref<6144x1024xi32, #tpu.memory_space<hbm>>
    tpu.wait_indirect_dma semaphore(%arg11 : memref<!tpu.dma_semaphore, #tpu.memory_space<semaphore_mem>>) src(%dma_wait3A_34 : memref<6144x1024xi32, #tpu.memory_space<hbm>>) dst(%arg10 : memref<16x1024xi32, #tpu.memory_space<vmem>>)
    %add3A_35 = arith.constant 0 : i32
    %add3A_36 = arith.addi %mul3A_2, %add3A_35 : i32
    %dma_start3A_37 = arith.constant 0 : i32
    %dma_start3A_38 = tpu.memref_slice %arg6[%add3A_36, %dma_start3A_37] : memref<2048x1024xi32, #tpu.memory_space<hbm>> -> memref<16x1024xi32, #tpu.memory_space<hbm>>
    %dma_start3A_39 = arith.constant 0 : i32
    %dma_start3A_40 = tpu.memref_slice %arg6[%add3A_36, %dma_start3A_39] : memref<2048x1024xi32, #tpu.memory_space<hbm>> -> memref<16x1024xi32, #tpu.memory_space<hbm>>
    tpu.enqueue_dma source(%arg10 : memref<16x1024xi32, #tpu.memory_space<vmem>>) target(%dma_start3A_40 : memref<16x1024xi32, #tpu.memory_space<hbm>>) target_semaphore(%arg13 : memref<!tpu.dma_semaphore, #tpu.memory_space<semaphore_mem>>)
    %dma_wait3A_41 = arith.constant 0 : i32
    %dma_wait3A_42 = tpu.memref_slice %arg5[%add3A_16, %dma_wait3A_41] : memref<2048x1024xi32, #tpu.memory_space<hbm>> -> memref<16x1024xi32, #tpu.memory_space<hbm>>
    %dma_wait3A_43 = arith.constant 0 : i32
    %dma_wait3A_44 = tpu.memref_slice %arg5[%add3A_16, %dma_wait3A_43] : memref<2048x1024xi32, #tpu.memory_space<hbm>> -> memref<16x1024xi32, #tpu.memory_space<hbm>>
    tpu.wait_dma2 semaphore(%arg12 : memref<!tpu.dma_semaphore, #tpu.memory_space<semaphore_mem>>) src(%arg9 : memref<16x1024xi32, #tpu.memory_space<vmem>>) dst(%dma_wait3A_44 : memref<16x1024xi32, #tpu.memory_space<hbm>>)
    %dma_start3A_45 = arith.constant 1 : i32
    %dma_start3A_46 = arith.constant 0 : i32
    %dma_start3A_47 = tpu.memref_slice %arg7[%dma_start3A_45, %dma_start3A_46] : memref<4x16xi32, #tpu.memory_space<vmem>> -> memref<1x16xi32, #tpu.memory_space<vmem>>
    %dma_start3A_48 = tpu.memref_squeeze %dma_start3A_47 : memref<1x16xi32, #tpu.memory_space<vmem>> -> memref<16xi32, #tpu.memory_space<vmem>>
    %dma_start3A_49 = arith.constant 0 : i32
    %dma_start3A_50 = arith.constant 0 : i32
    %dma_start3A_51 = tpu.memref_slice %arg2[%dma_start3A_49, %dma_start3A_50] : memref<6144x1024xi32, #tpu.memory_space<hbm>> -> memref<6144x1024xi32, #tpu.memory_space<hbm>>
    tpu.enqueue_indirect_dma source(%dma_start3A_51 : memref<6144x1024xi32, #tpu.memory_space<hbm>>) target(%arg9 : memref<16x1024xi32, #tpu.memory_space<vmem>>) offsets(%dma_start3A_48 : memref<16xi32, #tpu.memory_space<vmem>>) semaphore(%arg11 : memref<!tpu.dma_semaphore, #tpu.memory_space<semaphore_mem>>)
    %dma_wait3A_52 = arith.constant 1 : i32
    %dma_wait3A_53 = arith.constant 0 : i32
    %dma_wait3A_54 = tpu.memref_slice %arg7[%dma_wait3A_52, %dma_wait3A_53] : memref<4x16xi32, #tpu.memory_space<vmem>> -> memref<1x16xi32, #tpu.memory_space<vmem>>
    %dma_wait3A_55 = tpu.memref_squeeze %dma_wait3A_54 : memref<1x16xi32, #tpu.memory_space<vmem>> -> memref<16xi32, #tpu.memory_space<vmem>>
    %dma_wait3A_56 = arith.constant 0 : i32
    %dma_wait3A_57 = arith.constant 0 : i32
    %dma_wait3A_58 = tpu.memref_slice %arg2[%dma_wait3A_56, %dma_wait3A_57] : memref<6144x1024xi32, #tpu.memory_space<hbm>> -> memref<6144x1024xi32, #tpu.memory_space<hbm>>
    tpu.wait_indirect_dma semaphore(%arg11 : memref<!tpu.dma_semaphore, #tpu.memory_space<semaphore_mem>>) src(%dma_wait3A_58 : memref<6144x1024xi32, #tpu.memory_space<hbm>>) dst(%arg9 : memref<16x1024xi32, #tpu.memory_space<vmem>>)
    %add3A_59 = arith.constant 16 : i32
    %add3A_60 = arith.addi %mul3A_2, %add3A_59 : i32
    %dma_start3A_61 = arith.constant 0 : i32
    %dma_start3A_62 = tpu.memref_slice %arg5[%add3A_60, %dma_start3A_61] : memref<2048x1024xi32, #tpu.memory_space<hbm>> -> memref<16x1024xi32, #tpu.memory_space<hbm>>
    %dma_start3A_63 = arith.constant 0 : i32
    %dma_start3A_64 = tpu.memref_slice %arg5[%add3A_60, %dma_start3A_63] : memref<2048x1024xi32, #tpu.memory_space<hbm>> -> memref<16x1024xi32, #tpu.memory_space<hbm>>
    tpu.enqueue_dma source(%arg9 : memref<16x1024xi32, #tpu.memory_space<vmem>>) target(%dma_start3A_64 : memref<16x1024xi32, #tpu.memory_space<hbm>>) target_semaphore(%arg12 : memref<!tpu.dma_semaphore, #tpu.memory_space<semaphore_mem>>)
    %dma_wait3A_65 = arith.constant 0 : i32
    %dma_wait3A_66 = tpu.memref_slice %arg6[%add3A_36, %dma_wait3A_65] : memref<2048x1024xi32, #tpu.memory_space<hbm>> -> memref<16x1024xi32, #tpu.memory_space<hbm>>
    %dma_wait3A_67 = arith.constant 0 : i32
    %dma_wait3A_68 = tpu.memref_slice %arg6[%add3A_36, %dma_wait3A_67] : memref<2048x1024xi32, #tpu.memory_space<hbm>> -> memref<16x1024xi32, #tpu.memory_space<hbm>>
    tpu.wait_dma2 semaphore(%arg13 : memref<!tpu.dma_semaphore, #tpu.memory_space<semaphore_mem>>) src(%arg10 : memref<16x1024xi32, #tpu.memory_space<vmem>>) dst(%dma_wait3A_68 : memref<16x1024xi32, #tpu.memory_space<hbm>>)
    %dma_start3A_69 = arith.constant 1 : i32
    %dma_start3A_70 = arith.constant 0 : i32
    %dma_start3A_71 = tpu.memref_slice %arg8[%dma_start3A_69, %dma_start3A_70] : memref<4x16xi32, #tpu.memory_space<vmem>> -> memref<1x16xi32, #tpu.memory_space<vmem>>
    %dma_start3A_72 = tpu.memref_squeeze %dma_start3A_71 : memref<1x16xi32, #tpu.memory_space<vmem>> -> memref<16xi32, #tpu.memory_space<vmem>>
    %dma_start3A_73 = arith.constant 0 : i32
    %dma_start3A_74 = arith.constant 0 : i32
    %dma_start3A_75 = tpu.memref_slice %arg2[%dma_start3A_73, %dma_start3A_74] : memref<6144x1024xi32, #tpu.memory_space<hbm>> -> memref<6144x1024xi32, #tpu.memory_space<hbm>>
    tpu.enqueue_indirect_dma source(%dma_start3A_75 : memref<6144x1024xi32, #tpu.memory_space<hbm>>) target(%arg10 : memref<16x1024xi32, #tpu.memory_space<vmem>>) offsets(%dma_start3A_72 : memref<16xi32, #tpu.memory_space<vmem>>) semaphore(%arg11 : memref<!tpu.dma_semaphore, #tpu.memory_space<semaphore_mem>>)
    %dma_wait3A_76 = arith.constant 1 : i32
    %dma_wait3A_77 = arith.constant 0 : i32
    %dma_wait3A_78 = tpu.memref_slice %arg8[%dma_wait3A_76, %dma_wait3A_77] : memref<4x16xi32, #tpu.memory_space<vmem>> -> memref<1x16xi32, #tpu.memory_space<vmem>>
    %dma_wait3A_79 = tpu.memref_squeeze %dma_wait3A_78 : memref<1x16xi32, #tpu.memory_space<vmem>> -> memref<16xi32, #tpu.memory_space<vmem>>
    %dma_wait3A_80 = arith.constant 0 : i32
    %dma_wait3A_81 = arith.constant 0 : i32
    %dma_wait3A_82 = tpu.memref_slice %arg2[%dma_wait3A_80, %dma_wait3A_81] : memref<6144x1024xi32, #tpu.memory_space<hbm>> -> memref<6144x1024xi32, #tpu.memory_space<hbm>>
    tpu.wait_indirect_dma semaphore(%arg11 : memref<!tpu.dma_semaphore, #tpu.memory_space<semaphore_mem>>) src(%dma_wait3A_82 : memref<6144x1024xi32, #tpu.memory_space<hbm>>) dst(%arg10 : memref<16x1024xi32, #tpu.memory_space<vmem>>)
    %add3A_83 = arith.constant 16 : i32
    %add3A_84 = arith.addi %mul3A_2, %add3A_83 : i32
    %dma_start3A_85 = arith.constant 0 : i32
    %dma_start3A_86 = tpu.memref_slice %arg6[%add3A_84, %dma_start3A_85] : memref<2048x1024xi32, #tpu.memory_space<hbm>> -> memref<16x1024xi32, #tpu.memory_space<hbm>>
    %dma_start3A_87 = arith.constant 0 : i32
    %dma_start3A_88 = tpu.memref_slice %arg6[%add3A_84, %dma_start3A_87] : memref<2048x1024xi32, #tpu.memory_space<hbm>> -> memref<16x1024xi32, #tpu.memory_space<hbm>>
    tpu.enqueue_dma source(%arg10 : memref<16x1024xi32, #tpu.memory_space<vmem>>) target(%dma_start3A_88 : memref<16x1024xi32, #tpu.memory_space<hbm>>) target_semaphore(%arg13 : memref<!tpu.dma_semaphore, #tpu.memory_space<semaphore_mem>>)
    %dma_wait3A_89 = arith.constant 0 : i32
    %dma_wait3A_90 = tpu.memref_slice %arg5[%add3A_60, %dma_wait3A_89] : memref<2048x1024xi32, #tpu.memory_space<hbm>> -> memref<16x1024xi32, #tpu.memory_space<hbm>>
    %dma_wait3A_91 = arith.constant 0 : i32
    %dma_wait3A_92 = tpu.memref_slice %arg5[%add3A_60, %dma_wait3A_91] : memref<2048x1024xi32, #tpu.memory_space<hbm>> -> memref<16x1024xi32, #tpu.memory_space<hbm>>
    tpu.wait_dma2 semaphore(%arg12 : memref<!tpu.dma_semaphore, #tpu.memory_space<semaphore_mem>>) src(%arg9 : memref<16x1024xi32, #tpu.memory_space<vmem>>) dst(%dma_wait3A_92 : memref<16x1024xi32, #tpu.memory_space<hbm>>)
    %dma_start3A_93 = arith.constant 2 : i32
    %dma_start3A_94 = arith.constant 0 : i32
    %dma_start3A_95 = tpu.memref_slice %arg7[%dma_start3A_93, %dma_start3A_94] : memref<4x16xi32, #tpu.memory_space<vmem>> -> memref<1x16xi32, #tpu.memory_space<vmem>>
    %dma_start3A_96 = tpu.memref_squeeze %dma_start3A_95 : memref<1x16xi32, #tpu.memory_space<vmem>> -> memref<16xi32, #tpu.memory_space<vmem>>
    %dma_start3A_97 = arith.constant 0 : i32
    %dma_start3A_98 = arith.constant 0 : i32
    %dma_start3A_99 = tpu.memref_slice %arg2[%dma_start3A_97, %dma_start3A_98] : memref<6144x1024xi32, #tpu.memory_space<hbm>> -> memref<6144x1024xi32, #tpu.memory_space<hbm>>
    tpu.enqueue_indirect_dma source(%dma_start3A_99 : memref<6144x1024xi32, #tpu.memory_space<hbm>>) target(%arg9 : memref<16x1024xi32, #tpu.memory_space<vmem>>) offsets(%dma_start3A_96 : memref<16xi32, #tpu.memory_space<vmem>>) semaphore(%arg11 : memref<!tpu.dma_semaphore, #tpu.memory_space<semaphore_mem>>)
    %dma_wait3A_100 = arith.constant 2 : i32
    %dma_wait3A_101 = arith.constant 0 : i32
    %dma_wait3A_102 = tpu.memref_slice %arg7[%dma_wait3A_100, %dma_wait3A_101] : memref<4x16xi32, #tpu.memory_space<vmem>> -> memref<1x16xi32, #tpu.memory_space<vmem>>
    %dma_wait3A_103 = tpu.memref_squeeze %dma_wait3A_102 : memref<1x16xi32, #tpu.memory_space<vmem>> -> memref<16xi32, #tpu.memory_space<vmem>>
    %dma_wait3A_104 = arith.constant 0 : i32
    %dma_wait3A_105 = arith.constant 0 : i32
    %dma_wait3A_106 = tpu.memref_slice %arg2[%dma_wait3A_104, %dma_wait3A_105] : memref<6144x1024xi32, #tpu.memory_space<hbm>> -> memref<6144x1024xi32, #tpu.memory_space<hbm>>
    tpu.wait_indirect_dma semaphore(%arg11 : memref<!tpu.dma_semaphore, #tpu.memory_space<semaphore_mem>>) src(%dma_wait3A_106 : memref<6144x1024xi32, #tpu.memory_space<hbm>>) dst(%arg9 : memref<16x1024xi32, #tpu.memory_space<vmem>>)
    %add3A_107 = arith.constant 32 : i32
    %add3A_108 = arith.addi %mul3A_2, %add3A_107 : i32
    %dma_start3A_109 = arith.constant 0 : i32
    %dma_start3A_110 = tpu.memref_slice %arg5[%add3A_108, %dma_start3A_109] : memref<2048x1024xi32, #tpu.memory_space<hbm>> -> memref<16x1024xi32, #tpu.memory_space<hbm>>
    %dma_start3A_111 = arith.constant 0 : i32
    %dma_start3A_112 = tpu.memref_slice %arg5[%add3A_108, %dma_start3A_111] : memref<2048x1024xi32, #tpu.memory_space<hbm>> -> memref<16x1024xi32, #tpu.memory_space<hbm>>
    tpu.enqueue_dma source(%arg9 : memref<16x1024xi32, #tpu.memory_space<vmem>>) target(%dma_start3A_112 : memref<16x1024xi32, #tpu.memory_space<hbm>>) target_semaphore(%arg12 : memref<!tpu.dma_semaphore, #tpu.memory_space<semaphore_mem>>)
    %dma_wait3A_113 = arith.constant 0 : i32
    %dma_wait3A_114 = tpu.memref_slice %arg6[%add3A_84, %dma_wait3A_113] : memref<2048x1024xi32, #tpu.memory_space<hbm>> -> memref<16x1024xi32, #tpu.memory_space<hbm>>
    %dma_wait3A_115 = arith.constant 0 : i32
    %dma_wait3A_116 = tpu.memref_slice %arg6[%add3A_84, %dma_wait3A_115] : memref<2048x1024xi32, #tpu.memory_space<hbm>> -> memref<16x1024xi32, #tpu.memory_space<hbm>>
    tpu.wait_dma2 semaphore(%arg13 : memref<!tpu.dma_semaphore, #tpu.memory_space<semaphore_mem>>) src(%arg10 : memref<16x1024xi32, #tpu.memory_space<vmem>>) dst(%dma_wait3A_116 : memref<16x1024xi32, #tpu.memory_space<hbm>>)
    %dma_start3A_117 = arith.constant 2 : i32
    %dma_start3A_118 = arith.constant 0 : i32
    %dma_start3A_119 = tpu.memref_slice %arg8[%dma_start3A_117, %dma_start3A_118] : memref<4x16xi32, #tpu.memory_space<vmem>> -> memref<1x16xi32, #tpu.memory_space<vmem>>
    %dma_start3A_120 = tpu.memref_squeeze %dma_start3A_119 : memref<1x16xi32, #tpu.memory_space<vmem>> -> memref<16xi32, #tpu.memory_space<vmem>>
    %dma_start3A_121 = arith.constant 0 : i32
    %dma_start3A_122 = arith.constant 0 : i32
    %dma_start3A_123 = tpu.memref_slice %arg2[%dma_start3A_121, %dma_start3A_122] : memref<6144x1024xi32, #tpu.memory_space<hbm>> -> memref<6144x1024xi32, #tpu.memory_space<hbm>>
    tpu.enqueue_indirect_dma source(%dma_start3A_123 : memref<6144x1024xi32, #tpu.memory_space<hbm>>) target(%arg10 : memref<16x1024xi32, #tpu.memory_space<vmem>>) offsets(%dma_start3A_120 : memref<16xi32, #tpu.memory_space<vmem>>) semaphore(%arg11 : memref<!tpu.dma_semaphore, #tpu.memory_space<semaphore_mem>>)
    %dma_wait3A_124 = arith.constant 2 : i32
    %dma_wait3A_125 = arith.constant 0 : i32
    %dma_wait3A_126 = tpu.memref_slice %arg8[%dma_wait3A_124, %dma_wait3A_125] : memref<4x16xi32, #tpu.memory_space<vmem>> -> memref<1x16xi32, #tpu.memory_space<vmem>>
    %dma_wait3A_127 = tpu.memref_squeeze %dma_wait3A_126 : memref<1x16xi32, #tpu.memory_space<vmem>> -> memref<16xi32, #tpu.memory_space<vmem>>
    %dma_wait3A_128 = arith.constant 0 : i32
    %dma_wait3A_129 = arith.constant 0 : i32
    %dma_wait3A_130 = tpu.memref_slice %arg2[%dma_wait3A_128, %dma_wait3A_129] : memref<6144x1024xi32, #tpu.memory_space<hbm>> -> memref<6144x1024xi32, #tpu.memory_space<hbm>>
    tpu.wait_indirect_dma semaphore(%arg11 : memref<!tpu.dma_semaphore, #tpu.memory_space<semaphore_mem>>) src(%dma_wait3A_130 : memref<6144x1024xi32, #tpu.memory_space<hbm>>) dst(%arg10 : memref<16x1024xi32, #tpu.memory_space<vmem>>)
    %add3A_131 = arith.constant 32 : i32
    %add3A_132 = arith.addi %mul3A_2, %add3A_131 : i32
    %dma_start3A_133 = arith.constant 0 : i32
    %dma_start3A_134 = tpu.memref_slice %arg6[%add3A_132, %dma_start3A_133] : memref<2048x1024xi32, #tpu.memory_space<hbm>> -> memref<16x1024xi32, #tpu.memory_space<hbm>>
    %dma_start3A_135 = arith.constant 0 : i32
    %dma_start3A_136 = tpu.memref_slice %arg6[%add3A_132, %dma_start3A_135] : memref<2048x1024xi32, #tpu.memory_space<hbm>> -> memref<16x1024xi32, #tpu.memory_space<hbm>>
    tpu.enqueue_dma source(%arg10 : memref<16x1024xi32, #tpu.memory_space<vmem>>) target(%dma_start3A_136 : memref<16x1024xi32, #tpu.memory_space<hbm>>) target_semaphore(%arg13 : memref<!tpu.dma_semaphore, #tpu.memory_space<semaphore_mem>>)
    %dma_wait3A_137 = arith.constant 0 : i32
    %dma_wait3A_138 = tpu.memref_slice %arg5[%add3A_108, %dma_wait3A_137] : memref<2048x1024xi32, #tpu.memory_space<hbm>> -> memref<16x1024xi32, #tpu.memory_space<hbm>>
    %dma_wait3A_139 = arith.constant 0 : i32
    %dma_wait3A_140 = tpu.memref_slice %arg5[%add3A_108, %dma_wait3A_139] : memref<2048x1024xi32, #tpu.memory_space<hbm>> -> memref<16x1024xi32, #tpu.memory_space<hbm>>
    tpu.wait_dma2 semaphore(%arg12 : memref<!tpu.dma_semaphore, #tpu.memory_space<semaphore_mem>>) src(%arg9 : memref<16x1024xi32, #tpu.memory_space<vmem>>) dst(%dma_wait3A_140 : memref<16x1024xi32, #tpu.memory_space<hbm>>)
    %dma_start3A_141 = arith.constant 3 : i32
    %dma_start3A_142 = arith.constant 0 : i32
    %dma_start3A_143 = tpu.memref_slice %arg7[%dma_start3A_141, %dma_start3A_142] : memref<4x16xi32, #tpu.memory_space<vmem>> -> memref<1x16xi32, #tpu.memory_space<vmem>>
    %dma_start3A_144 = tpu.memref_squeeze %dma_start3A_143 : memref<1x16xi32, #tpu.memory_space<vmem>> -> memref<16xi32, #tpu.memory_space<vmem>>
    %dma_start3A_145 = arith.constant 0 : i32
    %dma_start3A_146 = arith.constant 0 : i32
    %dma_start3A_147 = tpu.memref_slice %arg2[%dma_start3A_145, %dma_start3A_146] : memref<6144x1024xi32, #tpu.memory_space<hbm>> -> memref<6144x1024xi32, #tpu.memory_space<hbm>>
    tpu.enqueue_indirect_dma source(%dma_start3A_147 : memref<6144x1024xi32, #tpu.memory_space<hbm>>) target(%arg9 : memref<16x1024xi32, #tpu.memory_space<vmem>>) offsets(%dma_start3A_144 : memref<16xi32, #tpu.memory_space<vmem>>) semaphore(%arg11 : memref<!tpu.dma_semaphore, #tpu.memory_space<semaphore_mem>>)
    %dma_wait3A_148 = arith.constant 3 : i32
    %dma_wait3A_149 = arith.constant 0 : i32
    %dma_wait3A_150 = tpu.memref_slice %arg7[%dma_wait3A_148, %dma_wait3A_149] : memref<4x16xi32, #tpu.memory_space<vmem>> -> memref<1x16xi32, #tpu.memory_space<vmem>>
    %dma_wait3A_151 = tpu.memref_squeeze %dma_wait3A_150 : memref<1x16xi32, #tpu.memory_space<vmem>> -> memref<16xi32, #tpu.memory_space<vmem>>
    %dma_wait3A_152 = arith.constant 0 : i32
    %dma_wait3A_153 = arith.constant 0 : i32
    %dma_wait3A_154 = tpu.memref_slice %arg2[%dma_wait3A_152, %dma_wait3A_153] : memref<6144x1024xi32, #tpu.memory_space<hbm>> -> memref<6144x1024xi32, #tpu.memory_space<hbm>>
    tpu.wait_indirect_dma semaphore(%arg11 : memref<!tpu.dma_semaphore, #tpu.memory_space<semaphore_mem>>) src(%dma_wait3A_154 : memref<6144x1024xi32, #tpu.memory_space<hbm>>) dst(%arg9 : memref<16x1024xi32, #tpu.memory_space<vmem>>)
    %add3A_155 = arith.constant 48 : i32
    %add3A_156 = arith.addi %mul3A_2, %add3A_155 : i32
    %dma_start3A_157 = arith.constant 0 : i32
    %dma_start3A_158 = tpu.memref_slice %arg5[%add3A_156, %dma_start3A_157] : memref<2048x1024xi32, #tpu.memory_space<hbm>> -> memref<16x1024xi32, #tpu.memory_space<hbm>>
    %dma_start3A_159 = arith.constant 0 : i32
    %dma_start3A_160 = tpu.memref_slice %arg5[%add3A_156, %dma_start3A_159] : memref<2048x1024xi32, #tpu.memory_space<hbm>> -> memref<16x1024xi32, #tpu.memory_space<hbm>>
    tpu.enqueue_dma source(%arg9 : memref<16x1024xi32, #tpu.memory_space<vmem>>) target(%dma_start3A_160 : memref<16x1024xi32, #tpu.memory_space<hbm>>) target_semaphore(%arg12 : memref<!tpu.dma_semaphore, #tpu.memory_space<semaphore_mem>>)
    %dma_wait3A_161 = arith.constant 0 : i32
    %dma_wait3A_162 = tpu.memref_slice %arg6[%add3A_132, %dma_wait3A_161] : memref<2048x1024xi32, #tpu.memory_space<hbm>> -> memref<16x1024xi32, #tpu.memory_space<hbm>>
    %dma_wait3A_163 = arith.constant 0 : i32
    %dma_wait3A_164 = tpu.memref_slice %arg6[%add3A_132, %dma_wait3A_163] : memref<2048x1024xi32, #tpu.memory_space<hbm>> -> memref<16x1024xi32, #tpu.memory_space<hbm>>
    tpu.wait_dma2 semaphore(%arg13 : memref<!tpu.dma_semaphore, #tpu.memory_space<semaphore_mem>>) src(%arg10 : memref<16x1024xi32, #tpu.memory_space<vmem>>) dst(%dma_wait3A_164 : memref<16x1024xi32, #tpu.memory_space<hbm>>)
    %dma_start3A_165 = arith.constant 3 : i32
    %dma_start3A_166 = arith.constant 0 : i32
    %dma_start3A_167 = tpu.memref_slice %arg8[%dma_start3A_165, %dma_start3A_166] : memref<4x16xi32, #tpu.memory_space<vmem>> -> memref<1x16xi32, #tpu.memory_space<vmem>>
    %dma_start3A_168 = tpu.memref_squeeze %dma_start3A_167 : memref<1x16xi32, #tpu.memory_space<vmem>> -> memref<16xi32, #tpu.memory_space<vmem>>
    %dma_start3A_169 = arith.constant 0 : i32
    %dma_start3A_170 = arith.constant 0 : i32
    %dma_start3A_171 = tpu.memref_slice %arg2[%dma_start3A_169, %dma_start3A_170] : memref<6144x1024xi32, #tpu.memory_space<hbm>> -> memref<6144x1024xi32, #tpu.memory_space<hbm>>
    tpu.enqueue_indirect_dma source(%dma_start3A_171 : memref<6144x1024xi32, #tpu.memory_space<hbm>>) target(%arg10 : memref<16x1024xi32, #tpu.memory_space<vmem>>) offsets(%dma_start3A_168 : memref<16xi32, #tpu.memory_space<vmem>>) semaphore(%arg11 : memref<!tpu.dma_semaphore, #tpu.memory_space<semaphore_mem>>)
    %dma_wait3A_172 = arith.constant 3 : i32
    %dma_wait3A_173 = arith.constant 0 : i32
    %dma_wait3A_174 = tpu.memref_slice %arg8[%dma_wait3A_172, %dma_wait3A_173] : memref<4x16xi32, #tpu.memory_space<vmem>> -> memref<1x16xi32, #tpu.memory_space<vmem>>
    %dma_wait3A_175 = tpu.memref_squeeze %dma_wait3A_174 : memref<1x16xi32, #tpu.memory_space<vmem>> -> memref<16xi32, #tpu.memory_space<vmem>>
    %dma_wait3A_176 = arith.constant 0 : i32
    %dma_wait3A_177 = arith.constant 0 : i32
    %dma_wait3A_178 = tpu.memref_slice %arg2[%dma_wait3A_176, %dma_wait3A_177] : memref<6144x1024xi32, #tpu.memory_space<hbm>> -> memref<6144x1024xi32, #tpu.memory_space<hbm>>
    tpu.wait_indirect_dma semaphore(%arg11 : memref<!tpu.dma_semaphore, #tpu.memory_space<semaphore_mem>>) src(%dma_wait3A_178 : memref<6144x1024xi32, #tpu.memory_space<hbm>>) dst(%arg10 : memref<16x1024xi32, #tpu.memory_space<vmem>>)
    %add3A_179 = arith.constant 48 : i32
    %add3A_180 = arith.addi %mul3A_2, %add3A_179 : i32
    %dma_start3A_181 = arith.constant 0 : i32
    %dma_start3A_182 = tpu.memref_slice %arg6[%add3A_180, %dma_start3A_181] : memref<2048x1024xi32, #tpu.memory_space<hbm>> -> memref<16x1024xi32, #tpu.memory_space<hbm>>
    %dma_start3A_183 = arith.constant 0 : i32
    %dma_start3A_184 = tpu.memref_slice %arg6[%add3A_180, %dma_start3A_183] : memref<2048x1024xi32, #tpu.memory_space<hbm>> -> memref<16x1024xi32, #tpu.memory_space<hbm>>
    tpu.enqueue_dma source(%arg10 : memref<16x1024xi32, #tpu.memory_space<vmem>>) target(%dma_start3A_184 : memref<16x1024xi32, #tpu.memory_space<hbm>>) target_semaphore(%arg13 : memref<!tpu.dma_semaphore, #tpu.memory_space<semaphore_mem>>)
    %dma_wait3A_185 = arith.constant 0 : i32
    %dma_wait3A_186 = tpu.memref_slice %arg5[%add3A_156, %dma_wait3A_185] : memref<2048x1024xi32, #tpu.memory_space<hbm>> -> memref<16x1024xi32, #tpu.memory_space<hbm>>
    %dma_wait3A_187 = arith.constant 0 : i32
    %dma_wait3A_188 = tpu.memref_slice %arg5[%add3A_156, %dma_wait3A_187] : memref<2048x1024xi32, #tpu.memory_space<hbm>> -> memref<16x1024xi32, #tpu.memory_space<hbm>>
    tpu.wait_dma2 semaphore(%arg12 : memref<!tpu.dma_semaphore, #tpu.memory_space<semaphore_mem>>) src(%arg9 : memref<16x1024xi32, #tpu.memory_space<vmem>>) dst(%dma_wait3A_188 : memref<16x1024xi32, #tpu.memory_space<hbm>>)
    %dma_wait3A_189 = arith.constant 0 : i32
    %dma_wait3A_190 = tpu.memref_slice %arg6[%add3A_180, %dma_wait3A_189] : memref<2048x1024xi32, #tpu.memory_space<hbm>> -> memref<16x1024xi32, #tpu.memory_space<hbm>>
    %dma_wait3A_191 = arith.constant 0 : i32
    %dma_wait3A_192 = tpu.memref_slice %arg6[%add3A_180, %dma_wait3A_191] : memref<2048x1024xi32, #tpu.memory_space<hbm>> -> memref<16x1024xi32, #tpu.memory_space<hbm>>
    tpu.wait_dma2 semaphore(%arg13 : memref<!tpu.dma_semaphore, #tpu.memory_space<semaphore_mem>>) src(%arg10 : memref<16x1024xi32, #tpu.memory_space<vmem>>) dst(%dma_wait3A_192 : memref<16x1024xi32, #tpu.memory_space<hbm>>)
    return
  }
}

#map = affine_map<(d0, d1) -> (0, 0)>
#map1 = affine_map<(d0, d1) -> (0, 0, 0)>
module attributes {stable_mosaic.version = 14 : i64} {
  func.func @dispatch(%arg0: i32, %arg1: i32, %arg2: memref<2048x1024xi32, #tpu.memory_space<hbm>>, %arg3: memref<32x8x16xi32, #tpu.memory_space<hbm>>, %arg4: memref<32x8x16xi32, #tpu.memory_space<hbm>>, %arg5: memref<6144x1024xi32, #tpu.memory_space<hbm>>, %arg6: memref<8x16xi32, #tpu.memory_space<vmem>>, %arg7: memref<8x16xi32, #tpu.memory_space<vmem>>, %arg8: memref<16x1024xi32, #tpu.memory_space<vmem>>, %arg9: memref<16x1024xi32, #tpu.memory_space<vmem>>, %arg10: memref<!tpu.dma_semaphore, #tpu.memory_space<semaphore_mem>>, %arg11: memref<!tpu.dma_semaphore, #tpu.memory_space<semaphore_mem>>, %arg12: memref<!tpu.dma_semaphore, #tpu.memory_space<semaphore_mem>>) attributes {dimension_semantics = [#tpu.dimension_semantics<core_parallel>, #tpu.dimension_semantics<subcore_parallel>], iteration_bounds = array<i64: 2, 16>, scalar_prefetch = 0 : i64, scratch_operands = 7 : i64, tpu.core_type = #tpu.core_type<sc_vector_subcore>, window_params = [{transform_indices = #map}, {transform_indices = #map1}, {transform_indices = #map1}, {transform_indices = #map}]} {
    %mul3A = arith.constant 2 : i32
    %mul3A_0 = arith.muli %arg1, %mul3A : i32
    %add3A = arith.addi %mul3A_0, %arg0 : i32
    "tpu.region"() ({
      %run_scoped3A = tpu.sem_alloc : memref<!tpu.dma_semaphore, #tpu.memory_space<semaphore_mem>>
      %dma_start3A_223 = arith.constant 0 : i32
      %dma_start3A_224 = arith.constant 0 : i32
      %dma_start3A_225 = tpu.memref_slice %arg3[%add3A, %dma_start3A_223, %dma_start3A_224] : memref<32x8x16xi32, #tpu.memory_space<hbm>> -> memref<1x8x16xi32, #tpu.memory_space<hbm>>
      %dma_start3A_226 = tpu.memref_squeeze %dma_start3A_225 : memref<1x8x16xi32, #tpu.memory_space<hbm>> -> memref<8x16xi32, #tpu.memory_space<hbm>>
      %dma_start3A_227 = arith.constant 0 : i32
      %dma_start3A_228 = arith.constant 0 : i32
      %dma_start3A_229 = tpu.memref_slice %arg3[%add3A, %dma_start3A_227, %dma_start3A_228] : memref<32x8x16xi32, #tpu.memory_space<hbm>> -> memref<1x8x16xi32, #tpu.memory_space<hbm>>
      %dma_start3A_230 = tpu.memref_squeeze %dma_start3A_229 : memref<1x8x16xi32, #tpu.memory_space<hbm>> -> memref<8x16xi32, #tpu.memory_space<hbm>>
      tpu.enqueue_dma source(%dma_start3A_230 : memref<8x16xi32, #tpu.memory_space<hbm>>) target(%arg6 : memref<8x16xi32, #tpu.memory_space<vmem>>) target_semaphore(%run_scoped3A : memref<!tpu.dma_semaphore, #tpu.memory_space<semaphore_mem>>)
      %dma_wait3A_231 = arith.constant 0 : i32
      %dma_wait3A_232 = arith.constant 0 : i32
      %dma_wait3A_233 = tpu.memref_slice %arg3[%add3A, %dma_wait3A_231, %dma_wait3A_232] : memref<32x8x16xi32, #tpu.memory_space<hbm>> -> memref<1x8x16xi32, #tpu.memory_space<hbm>>
      %dma_wait3A_234 = tpu.memref_squeeze %dma_wait3A_233 : memref<1x8x16xi32, #tpu.memory_space<hbm>> -> memref<8x16xi32, #tpu.memory_space<hbm>>
      %dma_wait3A_235 = arith.constant 0 : i32
      %dma_wait3A_236 = arith.constant 0 : i32
      %dma_wait3A_237 = tpu.memref_slice %arg3[%add3A, %dma_wait3A_235, %dma_wait3A_236] : memref<32x8x16xi32, #tpu.memory_space<hbm>> -> memref<1x8x16xi32, #tpu.memory_space<hbm>>
      %dma_wait3A_238 = tpu.memref_squeeze %dma_wait3A_237 : memref<1x8x16xi32, #tpu.memory_space<hbm>> -> memref<8x16xi32, #tpu.memory_space<hbm>>
      tpu.wait_dma2 semaphore(%run_scoped3A : memref<!tpu.dma_semaphore, #tpu.memory_space<semaphore_mem>>) src(%dma_wait3A_238 : memref<8x16xi32, #tpu.memory_space<hbm>>) dst(%arg6 : memref<8x16xi32, #tpu.memory_space<vmem>>)
      tpu.yield
    }) : () -> ()
    "tpu.region"() ({
      %run_scoped3A = tpu.sem_alloc : memref<!tpu.dma_semaphore, #tpu.memory_space<semaphore_mem>>
      %dma_start3A_223 = arith.constant 0 : i32
      %dma_start3A_224 = arith.constant 0 : i32
      %dma_start3A_225 = tpu.memref_slice %arg4[%add3A, %dma_start3A_223, %dma_start3A_224] : memref<32x8x16xi32, #tpu.memory_space<hbm>> -> memref<1x8x16xi32, #tpu.memory_space<hbm>>
      %dma_start3A_226 = tpu.memref_squeeze %dma_start3A_225 : memref<1x8x16xi32, #tpu.memory_space<hbm>> -> memref<8x16xi32, #tpu.memory_space<hbm>>
      %dma_start3A_227 = arith.constant 0 : i32
      %dma_start3A_228 = arith.constant 0 : i32
      %dma_start3A_229 = tpu.memref_slice %arg4[%add3A, %dma_start3A_227, %dma_start3A_228] : memref<32x8x16xi32, #tpu.memory_space<hbm>> -> memref<1x8x16xi32, #tpu.memory_space<hbm>>
      %dma_start3A_230 = tpu.memref_squeeze %dma_start3A_229 : memref<1x8x16xi32, #tpu.memory_space<hbm>> -> memref<8x16xi32, #tpu.memory_space<hbm>>
      tpu.enqueue_dma source(%dma_start3A_230 : memref<8x16xi32, #tpu.memory_space<hbm>>) target(%arg7 : memref<8x16xi32, #tpu.memory_space<vmem>>) target_semaphore(%run_scoped3A : memref<!tpu.dma_semaphore, #tpu.memory_space<semaphore_mem>>)
      %dma_wait3A_231 = arith.constant 0 : i32
      %dma_wait3A_232 = arith.constant 0 : i32
      %dma_wait3A_233 = tpu.memref_slice %arg4[%add3A, %dma_wait3A_231, %dma_wait3A_232] : memref<32x8x16xi32, #tpu.memory_space<hbm>> -> memref<1x8x16xi32, #tpu.memory_space<hbm>>
      %dma_wait3A_234 = tpu.memref_squeeze %dma_wait3A_233 : memref<1x8x16xi32, #tpu.memory_space<hbm>> -> memref<8x16xi32, #tpu.memory_space<hbm>>
      %dma_wait3A_235 = arith.constant 0 : i32
      %dma_wait3A_236 = arith.constant 0 : i32
      %dma_wait3A_237 = tpu.memref_slice %arg4[%add3A, %dma_wait3A_235, %dma_wait3A_236] : memref<32x8x16xi32, #tpu.memory_space<hbm>> -> memref<1x8x16xi32, #tpu.memory_space<hbm>>
      %dma_wait3A_238 = tpu.memref_squeeze %dma_wait3A_237 : memref<1x8x16xi32, #tpu.memory_space<hbm>> -> memref<8x16xi32, #tpu.memory_space<hbm>>
      tpu.wait_dma2 semaphore(%run_scoped3A : memref<!tpu.dma_semaphore, #tpu.memory_space<semaphore_mem>>) src(%dma_wait3A_238 : memref<8x16xi32, #tpu.memory_space<hbm>>) dst(%arg7 : memref<8x16xi32, #tpu.memory_space<vmem>>)
      tpu.yield
    }) : () -> ()
    %dma_start3A = arith.constant 0 : i32
    %dma_start3A_1 = arith.constant 0 : i32
    %dma_start3A_2 = tpu.memref_slice %arg6[%dma_start3A, %dma_start3A_1] : memref<8x16xi32, #tpu.memory_space<vmem>> -> memref<1x16xi32, #tpu.memory_space<vmem>>
    %dma_start3A_3 = tpu.memref_squeeze %dma_start3A_2 : memref<1x16xi32, #tpu.memory_space<vmem>> -> memref<16xi32, #tpu.memory_space<vmem>>
    %dma_start3A_4 = arith.constant 0 : i32
    %dma_start3A_5 = arith.constant 0 : i32
    %dma_start3A_6 = tpu.memref_slice %arg2[%dma_start3A_4, %dma_start3A_5] : memref<2048x1024xi32, #tpu.memory_space<hbm>> -> memref<2048x1024xi32, #tpu.memory_space<hbm>>
    tpu.enqueue_indirect_dma source(%dma_start3A_6 : memref<2048x1024xi32, #tpu.memory_space<hbm>>) target(%arg8 : memref<16x1024xi32, #tpu.memory_space<vmem>>) offsets(%dma_start3A_3 : memref<16xi32, #tpu.memory_space<vmem>>) semaphore(%arg10 : memref<!tpu.dma_semaphore, #tpu.memory_space<semaphore_mem>>)
    %dma_wait3A = arith.constant 0 : i32
    %dma_wait3A_7 = arith.constant 0 : i32
    %dma_wait3A_8 = tpu.memref_slice %arg6[%dma_wait3A, %dma_wait3A_7] : memref<8x16xi32, #tpu.memory_space<vmem>> -> memref<1x16xi32, #tpu.memory_space<vmem>>
    %dma_wait3A_9 = tpu.memref_squeeze %dma_wait3A_8 : memref<1x16xi32, #tpu.memory_space<vmem>> -> memref<16xi32, #tpu.memory_space<vmem>>
    %dma_wait3A_10 = arith.constant 0 : i32
    %dma_wait3A_11 = arith.constant 0 : i32
    %dma_wait3A_12 = tpu.memref_slice %arg2[%dma_wait3A_10, %dma_wait3A_11] : memref<2048x1024xi32, #tpu.memory_space<hbm>> -> memref<2048x1024xi32, #tpu.memory_space<hbm>>
    tpu.wait_indirect_dma semaphore(%arg10 : memref<!tpu.dma_semaphore, #tpu.memory_space<semaphore_mem>>) src(%dma_wait3A_12 : memref<2048x1024xi32, #tpu.memory_space<hbm>>) dst(%arg8 : memref<16x1024xi32, #tpu.memory_space<vmem>>)
    %dma_start3A_13 = arith.constant 0 : i32
    %dma_start3A_14 = arith.constant 0 : i32
    %dma_start3A_15 = tpu.memref_slice %arg7[%dma_start3A_13, %dma_start3A_14] : memref<8x16xi32, #tpu.memory_space<vmem>> -> memref<1x16xi32, #tpu.memory_space<vmem>>
    %dma_start3A_16 = tpu.memref_squeeze %dma_start3A_15 : memref<1x16xi32, #tpu.memory_space<vmem>> -> memref<16xi32, #tpu.memory_space<vmem>>
    %dma_start3A_17 = arith.constant 0 : i32
    %dma_start3A_18 = arith.constant 0 : i32
    %dma_start3A_19 = tpu.memref_slice %arg5[%dma_start3A_17, %dma_start3A_18] : memref<6144x1024xi32, #tpu.memory_space<hbm>> -> memref<6144x1024xi32, #tpu.memory_space<hbm>>
    tpu.enqueue_indirect_dma source(%arg8 : memref<16x1024xi32, #tpu.memory_space<vmem>>) target(%dma_start3A_19 : memref<6144x1024xi32, #tpu.memory_space<hbm>>) offsets(%dma_start3A_16 : memref<16xi32, #tpu.memory_space<vmem>>) semaphore(%arg11 : memref<!tpu.dma_semaphore, #tpu.memory_space<semaphore_mem>>)
    %dma_start3A_20 = arith.constant 1 : i32
    %dma_start3A_21 = arith.constant 0 : i32
    %dma_start3A_22 = tpu.memref_slice %arg6[%dma_start3A_20, %dma_start3A_21] : memref<8x16xi32, #tpu.memory_space<vmem>> -> memref<1x16xi32, #tpu.memory_space<vmem>>
    %dma_start3A_23 = tpu.memref_squeeze %dma_start3A_22 : memref<1x16xi32, #tpu.memory_space<vmem>> -> memref<16xi32, #tpu.memory_space<vmem>>
    %dma_start3A_24 = arith.constant 0 : i32
    %dma_start3A_25 = arith.constant 0 : i32
    %dma_start3A_26 = tpu.memref_slice %arg2[%dma_start3A_24, %dma_start3A_25] : memref<2048x1024xi32, #tpu.memory_space<hbm>> -> memref<2048x1024xi32, #tpu.memory_space<hbm>>
    tpu.enqueue_indirect_dma source(%dma_start3A_26 : memref<2048x1024xi32, #tpu.memory_space<hbm>>) target(%arg9 : memref<16x1024xi32, #tpu.memory_space<vmem>>) offsets(%dma_start3A_23 : memref<16xi32, #tpu.memory_space<vmem>>) semaphore(%arg10 : memref<!tpu.dma_semaphore, #tpu.memory_space<semaphore_mem>>)
    %dma_wait3A_27 = arith.constant 1 : i32
    %dma_wait3A_28 = arith.constant 0 : i32
    %dma_wait3A_29 = tpu.memref_slice %arg6[%dma_wait3A_27, %dma_wait3A_28] : memref<8x16xi32, #tpu.memory_space<vmem>> -> memref<1x16xi32, #tpu.memory_space<vmem>>
    %dma_wait3A_30 = tpu.memref_squeeze %dma_wait3A_29 : memref<1x16xi32, #tpu.memory_space<vmem>> -> memref<16xi32, #tpu.memory_space<vmem>>
    %dma_wait3A_31 = arith.constant 0 : i32
    %dma_wait3A_32 = arith.constant 0 : i32
    %dma_wait3A_33 = tpu.memref_slice %arg2[%dma_wait3A_31, %dma_wait3A_32] : memref<2048x1024xi32, #tpu.memory_space<hbm>> -> memref<2048x1024xi32, #tpu.memory_space<hbm>>
    tpu.wait_indirect_dma semaphore(%arg10 : memref<!tpu.dma_semaphore, #tpu.memory_space<semaphore_mem>>) src(%dma_wait3A_33 : memref<2048x1024xi32, #tpu.memory_space<hbm>>) dst(%arg9 : memref<16x1024xi32, #tpu.memory_space<vmem>>)
    %dma_start3A_34 = arith.constant 1 : i32
    %dma_start3A_35 = arith.constant 0 : i32
    %dma_start3A_36 = tpu.memref_slice %arg7[%dma_start3A_34, %dma_start3A_35] : memref<8x16xi32, #tpu.memory_space<vmem>> -> memref<1x16xi32, #tpu.memory_space<vmem>>
    %dma_start3A_37 = tpu.memref_squeeze %dma_start3A_36 : memref<1x16xi32, #tpu.memory_space<vmem>> -> memref<16xi32, #tpu.memory_space<vmem>>
    %dma_start3A_38 = arith.constant 0 : i32
    %dma_start3A_39 = arith.constant 0 : i32
    %dma_start3A_40 = tpu.memref_slice %arg5[%dma_start3A_38, %dma_start3A_39] : memref<6144x1024xi32, #tpu.memory_space<hbm>> -> memref<6144x1024xi32, #tpu.memory_space<hbm>>
    tpu.enqueue_indirect_dma source(%arg9 : memref<16x1024xi32, #tpu.memory_space<vmem>>) target(%dma_start3A_40 : memref<6144x1024xi32, #tpu.memory_space<hbm>>) offsets(%dma_start3A_37 : memref<16xi32, #tpu.memory_space<vmem>>) semaphore(%arg12 : memref<!tpu.dma_semaphore, #tpu.memory_space<semaphore_mem>>)
    %dma_wait3A_41 = arith.constant 0 : i32
    %dma_wait3A_42 = arith.constant 0 : i32
    %dma_wait3A_43 = tpu.memref_slice %arg7[%dma_wait3A_41, %dma_wait3A_42] : memref<8x16xi32, #tpu.memory_space<vmem>> -> memref<1x16xi32, #tpu.memory_space<vmem>>
    %dma_wait3A_44 = tpu.memref_squeeze %dma_wait3A_43 : memref<1x16xi32, #tpu.memory_space<vmem>> -> memref<16xi32, #tpu.memory_space<vmem>>
    %dma_wait3A_45 = arith.constant 0 : i32
    %dma_wait3A_46 = arith.constant 0 : i32
    %dma_wait3A_47 = tpu.memref_slice %arg5[%dma_wait3A_45, %dma_wait3A_46] : memref<6144x1024xi32, #tpu.memory_space<hbm>> -> memref<6144x1024xi32, #tpu.memory_space<hbm>>
    tpu.wait_indirect_dma semaphore(%arg11 : memref<!tpu.dma_semaphore, #tpu.memory_space<semaphore_mem>>) src(%arg8 : memref<16x1024xi32, #tpu.memory_space<vmem>>) dst(%dma_wait3A_47 : memref<6144x1024xi32, #tpu.memory_space<hbm>>)
    %dma_start3A_48 = arith.constant 2 : i32
    %dma_start3A_49 = arith.constant 0 : i32
    %dma_start3A_50 = tpu.memref_slice %arg6[%dma_start3A_48, %dma_start3A_49] : memref<8x16xi32, #tpu.memory_space<vmem>> -> memref<1x16xi32, #tpu.memory_space<vmem>>
    %dma_start3A_51 = tpu.memref_squeeze %dma_start3A_50 : memref<1x16xi32, #tpu.memory_space<vmem>> -> memref<16xi32, #tpu.memory_space<vmem>>
    %dma_start3A_52 = arith.constant 0 : i32
    %dma_start3A_53 = arith.constant 0 : i32
    %dma_start3A_54 = tpu.memref_slice %arg2[%dma_start3A_52, %dma_start3A_53] : memref<2048x1024xi32, #tpu.memory_space<hbm>> -> memref<2048x1024xi32, #tpu.memory_space<hbm>>
    tpu.enqueue_indirect_dma source(%dma_start3A_54 : memref<2048x1024xi32, #tpu.memory_space<hbm>>) target(%arg8 : memref<16x1024xi32, #tpu.memory_space<vmem>>) offsets(%dma_start3A_51 : memref<16xi32, #tpu.memory_space<vmem>>) semaphore(%arg10 : memref<!tpu.dma_semaphore, #tpu.memory_space<semaphore_mem>>)
    %dma_wait3A_55 = arith.constant 2 : i32
    %dma_wait3A_56 = arith.constant 0 : i32
    %dma_wait3A_57 = tpu.memref_slice %arg6[%dma_wait3A_55, %dma_wait3A_56] : memref<8x16xi32, #tpu.memory_space<vmem>> -> memref<1x16xi32, #tpu.memory_space<vmem>>
    %dma_wait3A_58 = tpu.memref_squeeze %dma_wait3A_57 : memref<1x16xi32, #tpu.memory_space<vmem>> -> memref<16xi32, #tpu.memory_space<vmem>>
    %dma_wait3A_59 = arith.constant 0 : i32
    %dma_wait3A_60 = arith.constant 0 : i32
    %dma_wait3A_61 = tpu.memref_slice %arg2[%dma_wait3A_59, %dma_wait3A_60] : memref<2048x1024xi32, #tpu.memory_space<hbm>> -> memref<2048x1024xi32, #tpu.memory_space<hbm>>
    tpu.wait_indirect_dma semaphore(%arg10 : memref<!tpu.dma_semaphore, #tpu.memory_space<semaphore_mem>>) src(%dma_wait3A_61 : memref<2048x1024xi32, #tpu.memory_space<hbm>>) dst(%arg8 : memref<16x1024xi32, #tpu.memory_space<vmem>>)
    %dma_start3A_62 = arith.constant 2 : i32
    %dma_start3A_63 = arith.constant 0 : i32
    %dma_start3A_64 = tpu.memref_slice %arg7[%dma_start3A_62, %dma_start3A_63] : memref<8x16xi32, #tpu.memory_space<vmem>> -> memref<1x16xi32, #tpu.memory_space<vmem>>
    %dma_start3A_65 = tpu.memref_squeeze %dma_start3A_64 : memref<1x16xi32, #tpu.memory_space<vmem>> -> memref<16xi32, #tpu.memory_space<vmem>>
    %dma_start3A_66 = arith.constant 0 : i32
    %dma_start3A_67 = arith.constant 0 : i32
    %dma_start3A_68 = tpu.memref_slice %arg5[%dma_start3A_66, %dma_start3A_67] : memref<6144x1024xi32, #tpu.memory_space<hbm>> -> memref<6144x1024xi32, #tpu.memory_space<hbm>>
    tpu.enqueue_indirect_dma source(%arg8 : memref<16x1024xi32, #tpu.memory_space<vmem>>) target(%dma_start3A_68 : memref<6144x1024xi32, #tpu.memory_space<hbm>>) offsets(%dma_start3A_65 : memref<16xi32, #tpu.memory_space<vmem>>) semaphore(%arg11 : memref<!tpu.dma_semaphore, #tpu.memory_space<semaphore_mem>>)
    %dma_wait3A_69 = arith.constant 1 : i32
    %dma_wait3A_70 = arith.constant 0 : i32
    %dma_wait3A_71 = tpu.memref_slice %arg7[%dma_wait3A_69, %dma_wait3A_70] : memref<8x16xi32, #tpu.memory_space<vmem>> -> memref<1x16xi32, #tpu.memory_space<vmem>>
    %dma_wait3A_72 = tpu.memref_squeeze %dma_wait3A_71 : memref<1x16xi32, #tpu.memory_space<vmem>> -> memref<16xi32, #tpu.memory_space<vmem>>
    %dma_wait3A_73 = arith.constant 0 : i32
    %dma_wait3A_74 = arith.constant 0 : i32
    %dma_wait3A_75 = tpu.memref_slice %arg5[%dma_wait3A_73, %dma_wait3A_74] : memref<6144x1024xi32, #tpu.memory_space<hbm>> -> memref<6144x1024xi32, #tpu.memory_space<hbm>>
    tpu.wait_indirect_dma semaphore(%arg12 : memref<!tpu.dma_semaphore, #tpu.memory_space<semaphore_mem>>) src(%arg9 : memref<16x1024xi32, #tpu.memory_space<vmem>>) dst(%dma_wait3A_75 : memref<6144x1024xi32, #tpu.memory_space<hbm>>)
    %dma_start3A_76 = arith.constant 3 : i32
    %dma_start3A_77 = arith.constant 0 : i32
    %dma_start3A_78 = tpu.memref_slice %arg6[%dma_start3A_76, %dma_start3A_77] : memref<8x16xi32, #tpu.memory_space<vmem>> -> memref<1x16xi32, #tpu.memory_space<vmem>>
    %dma_start3A_79 = tpu.memref_squeeze %dma_start3A_78 : memref<1x16xi32, #tpu.memory_space<vmem>> -> memref<16xi32, #tpu.memory_space<vmem>>
    %dma_start3A_80 = arith.constant 0 : i32
    %dma_start3A_81 = arith.constant 0 : i32
    %dma_start3A_82 = tpu.memref_slice %arg2[%dma_start3A_80, %dma_start3A_81] : memref<2048x1024xi32, #tpu.memory_space<hbm>> -> memref<2048x1024xi32, #tpu.memory_space<hbm>>
    tpu.enqueue_indirect_dma source(%dma_start3A_82 : memref<2048x1024xi32, #tpu.memory_space<hbm>>) target(%arg9 : memref<16x1024xi32, #tpu.memory_space<vmem>>) offsets(%dma_start3A_79 : memref<16xi32, #tpu.memory_space<vmem>>) semaphore(%arg10 : memref<!tpu.dma_semaphore, #tpu.memory_space<semaphore_mem>>)
    %dma_wait3A_83 = arith.constant 3 : i32
    %dma_wait3A_84 = arith.constant 0 : i32
    %dma_wait3A_85 = tpu.memref_slice %arg6[%dma_wait3A_83, %dma_wait3A_84] : memref<8x16xi32, #tpu.memory_space<vmem>> -> memref<1x16xi32, #tpu.memory_space<vmem>>
    %dma_wait3A_86 = tpu.memref_squeeze %dma_wait3A_85 : memref<1x16xi32, #tpu.memory_space<vmem>> -> memref<16xi32, #tpu.memory_space<vmem>>
    %dma_wait3A_87 = arith.constant 0 : i32
    %dma_wait3A_88 = arith.constant 0 : i32
    %dma_wait3A_89 = tpu.memref_slice %arg2[%dma_wait3A_87, %dma_wait3A_88] : memref<2048x1024xi32, #tpu.memory_space<hbm>> -> memref<2048x1024xi32, #tpu.memory_space<hbm>>
    tpu.wait_indirect_dma semaphore(%arg10 : memref<!tpu.dma_semaphore, #tpu.memory_space<semaphore_mem>>) src(%dma_wait3A_89 : memref<2048x1024xi32, #tpu.memory_space<hbm>>) dst(%arg9 : memref<16x1024xi32, #tpu.memory_space<vmem>>)
    %dma_start3A_90 = arith.constant 3 : i32
    %dma_start3A_91 = arith.constant 0 : i32
    %dma_start3A_92 = tpu.memref_slice %arg7[%dma_start3A_90, %dma_start3A_91] : memref<8x16xi32, #tpu.memory_space<vmem>> -> memref<1x16xi32, #tpu.memory_space<vmem>>
    %dma_start3A_93 = tpu.memref_squeeze %dma_start3A_92 : memref<1x16xi32, #tpu.memory_space<vmem>> -> memref<16xi32, #tpu.memory_space<vmem>>
    %dma_start3A_94 = arith.constant 0 : i32
    %dma_start3A_95 = arith.constant 0 : i32
    %dma_start3A_96 = tpu.memref_slice %arg5[%dma_start3A_94, %dma_start3A_95] : memref<6144x1024xi32, #tpu.memory_space<hbm>> -> memref<6144x1024xi32, #tpu.memory_space<hbm>>
    tpu.enqueue_indirect_dma source(%arg9 : memref<16x1024xi32, #tpu.memory_space<vmem>>) target(%dma_start3A_96 : memref<6144x1024xi32, #tpu.memory_space<hbm>>) offsets(%dma_start3A_93 : memref<16xi32, #tpu.memory_space<vmem>>) semaphore(%arg12 : memref<!tpu.dma_semaphore, #tpu.memory_space<semaphore_mem>>)
    %dma_wait3A_97 = arith.constant 2 : i32
    %dma_wait3A_98 = arith.constant 0 : i32
    %dma_wait3A_99 = tpu.memref_slice %arg7[%dma_wait3A_97, %dma_wait3A_98] : memref<8x16xi32, #tpu.memory_space<vmem>> -> memref<1x16xi32, #tpu.memory_space<vmem>>
    %dma_wait3A_100 = tpu.memref_squeeze %dma_wait3A_99 : memref<1x16xi32, #tpu.memory_space<vmem>> -> memref<16xi32, #tpu.memory_space<vmem>>
    %dma_wait3A_101 = arith.constant 0 : i32
    %dma_wait3A_102 = arith.constant 0 : i32
    %dma_wait3A_103 = tpu.memref_slice %arg5[%dma_wait3A_101, %dma_wait3A_102] : memref<6144x1024xi32, #tpu.memory_space<hbm>> -> memref<6144x1024xi32, #tpu.memory_space<hbm>>
    tpu.wait_indirect_dma semaphore(%arg11 : memref<!tpu.dma_semaphore, #tpu.memory_space<semaphore_mem>>) src(%arg8 : memref<16x1024xi32, #tpu.memory_space<vmem>>) dst(%dma_wait3A_103 : memref<6144x1024xi32, #tpu.memory_space<hbm>>)
    %dma_start3A_104 = arith.constant 4 : i32
    %dma_start3A_105 = arith.constant 0 : i32
    %dma_start3A_106 = tpu.memref_slice %arg6[%dma_start3A_104, %dma_start3A_105] : memref<8x16xi32, #tpu.memory_space<vmem>> -> memref<1x16xi32, #tpu.memory_space<vmem>>
    %dma_start3A_107 = tpu.memref_squeeze %dma_start3A_106 : memref<1x16xi32, #tpu.memory_space<vmem>> -> memref<16xi32, #tpu.memory_space<vmem>>
    %dma_start3A_108 = arith.constant 0 : i32
    %dma_start3A_109 = arith.constant 0 : i32
    %dma_start3A_110 = tpu.memref_slice %arg2[%dma_start3A_108, %dma_start3A_109] : memref<2048x1024xi32, #tpu.memory_space<hbm>> -> memref<2048x1024xi32, #tpu.memory_space<hbm>>
    tpu.enqueue_indirect_dma source(%dma_start3A_110 : memref<2048x1024xi32, #tpu.memory_space<hbm>>) target(%arg8 : memref<16x1024xi32, #tpu.memory_space<vmem>>) offsets(%dma_start3A_107 : memref<16xi32, #tpu.memory_space<vmem>>) semaphore(%arg10 : memref<!tpu.dma_semaphore, #tpu.memory_space<semaphore_mem>>)
    %dma_wait3A_111 = arith.constant 4 : i32
    %dma_wait3A_112 = arith.constant 0 : i32
    %dma_wait3A_113 = tpu.memref_slice %arg6[%dma_wait3A_111, %dma_wait3A_112] : memref<8x16xi32, #tpu.memory_space<vmem>> -> memref<1x16xi32, #tpu.memory_space<vmem>>
    %dma_wait3A_114 = tpu.memref_squeeze %dma_wait3A_113 : memref<1x16xi32, #tpu.memory_space<vmem>> -> memref<16xi32, #tpu.memory_space<vmem>>
    %dma_wait3A_115 = arith.constant 0 : i32
    %dma_wait3A_116 = arith.constant 0 : i32
    %dma_wait3A_117 = tpu.memref_slice %arg2[%dma_wait3A_115, %dma_wait3A_116] : memref<2048x1024xi32, #tpu.memory_space<hbm>> -> memref<2048x1024xi32, #tpu.memory_space<hbm>>
    tpu.wait_indirect_dma semaphore(%arg10 : memref<!tpu.dma_semaphore, #tpu.memory_space<semaphore_mem>>) src(%dma_wait3A_117 : memref<2048x1024xi32, #tpu.memory_space<hbm>>) dst(%arg8 : memref<16x1024xi32, #tpu.memory_space<vmem>>)
    %dma_start3A_118 = arith.constant 4 : i32
    %dma_start3A_119 = arith.constant 0 : i32
    %dma_start3A_120 = tpu.memref_slice %arg7[%dma_start3A_118, %dma_start3A_119] : memref<8x16xi32, #tpu.memory_space<vmem>> -> memref<1x16xi32, #tpu.memory_space<vmem>>
    %dma_start3A_121 = tpu.memref_squeeze %dma_start3A_120 : memref<1x16xi32, #tpu.memory_space<vmem>> -> memref<16xi32, #tpu.memory_space<vmem>>
    %dma_start3A_122 = arith.constant 0 : i32
    %dma_start3A_123 = arith.constant 0 : i32
    %dma_start3A_124 = tpu.memref_slice %arg5[%dma_start3A_122, %dma_start3A_123] : memref<6144x1024xi32, #tpu.memory_space<hbm>> -> memref<6144x1024xi32, #tpu.memory_space<hbm>>
    tpu.enqueue_indirect_dma source(%arg8 : memref<16x1024xi32, #tpu.memory_space<vmem>>) target(%dma_start3A_124 : memref<6144x1024xi32, #tpu.memory_space<hbm>>) offsets(%dma_start3A_121 : memref<16xi32, #tpu.memory_space<vmem>>) semaphore(%arg11 : memref<!tpu.dma_semaphore, #tpu.memory_space<semaphore_mem>>)
    %dma_wait3A_125 = arith.constant 3 : i32
    %dma_wait3A_126 = arith.constant 0 : i32
    %dma_wait3A_127 = tpu.memref_slice %arg7[%dma_wait3A_125, %dma_wait3A_126] : memref<8x16xi32, #tpu.memory_space<vmem>> -> memref<1x16xi32, #tpu.memory_space<vmem>>
    %dma_wait3A_128 = tpu.memref_squeeze %dma_wait3A_127 : memref<1x16xi32, #tpu.memory_space<vmem>> -> memref<16xi32, #tpu.memory_space<vmem>>
    %dma_wait3A_129 = arith.constant 0 : i32
    %dma_wait3A_130 = arith.constant 0 : i32
    %dma_wait3A_131 = tpu.memref_slice %arg5[%dma_wait3A_129, %dma_wait3A_130] : memref<6144x1024xi32, #tpu.memory_space<hbm>> -> memref<6144x1024xi32, #tpu.memory_space<hbm>>
    tpu.wait_indirect_dma semaphore(%arg12 : memref<!tpu.dma_semaphore, #tpu.memory_space<semaphore_mem>>) src(%arg9 : memref<16x1024xi32, #tpu.memory_space<vmem>>) dst(%dma_wait3A_131 : memref<6144x1024xi32, #tpu.memory_space<hbm>>)
    %dma_start3A_132 = arith.constant 5 : i32
    %dma_start3A_133 = arith.constant 0 : i32
    %dma_start3A_134 = tpu.memref_slice %arg6[%dma_start3A_132, %dma_start3A_133] : memref<8x16xi32, #tpu.memory_space<vmem>> -> memref<1x16xi32, #tpu.memory_space<vmem>>
    %dma_start3A_135 = tpu.memref_squeeze %dma_start3A_134 : memref<1x16xi32, #tpu.memory_space<vmem>> -> memref<16xi32, #tpu.memory_space<vmem>>
    %dma_start3A_136 = arith.constant 0 : i32
    %dma_start3A_137 = arith.constant 0 : i32
    %dma_start3A_138 = tpu.memref_slice %arg2[%dma_start3A_136, %dma_start3A_137] : memref<2048x1024xi32, #tpu.memory_space<hbm>> -> memref<2048x1024xi32, #tpu.memory_space<hbm>>
    tpu.enqueue_indirect_dma source(%dma_start3A_138 : memref<2048x1024xi32, #tpu.memory_space<hbm>>) target(%arg9 : memref<16x1024xi32, #tpu.memory_space<vmem>>) offsets(%dma_start3A_135 : memref<16xi32, #tpu.memory_space<vmem>>) semaphore(%arg10 : memref<!tpu.dma_semaphore, #tpu.memory_space<semaphore_mem>>)
    %dma_wait3A_139 = arith.constant 5 : i32
    %dma_wait3A_140 = arith.constant 0 : i32
    %dma_wait3A_141 = tpu.memref_slice %arg6[%dma_wait3A_139, %dma_wait3A_140] : memref<8x16xi32, #tpu.memory_space<vmem>> -> memref<1x16xi32, #tpu.memory_space<vmem>>
    %dma_wait3A_142 = tpu.memref_squeeze %dma_wait3A_141 : memref<1x16xi32, #tpu.memory_space<vmem>> -> memref<16xi32, #tpu.memory_space<vmem>>
    %dma_wait3A_143 = arith.constant 0 : i32
    %dma_wait3A_144 = arith.constant 0 : i32
    %dma_wait3A_145 = tpu.memref_slice %arg2[%dma_wait3A_143, %dma_wait3A_144] : memref<2048x1024xi32, #tpu.memory_space<hbm>> -> memref<2048x1024xi32, #tpu.memory_space<hbm>>
    tpu.wait_indirect_dma semaphore(%arg10 : memref<!tpu.dma_semaphore, #tpu.memory_space<semaphore_mem>>) src(%dma_wait3A_145 : memref<2048x1024xi32, #tpu.memory_space<hbm>>) dst(%arg9 : memref<16x1024xi32, #tpu.memory_space<vmem>>)
    %dma_start3A_146 = arith.constant 5 : i32
    %dma_start3A_147 = arith.constant 0 : i32
    %dma_start3A_148 = tpu.memref_slice %arg7[%dma_start3A_146, %dma_start3A_147] : memref<8x16xi32, #tpu.memory_space<vmem>> -> memref<1x16xi32, #tpu.memory_space<vmem>>
    %dma_start3A_149 = tpu.memref_squeeze %dma_start3A_148 : memref<1x16xi32, #tpu.memory_space<vmem>> -> memref<16xi32, #tpu.memory_space<vmem>>
    %dma_start3A_150 = arith.constant 0 : i32
    %dma_start3A_151 = arith.constant 0 : i32
    %dma_start3A_152 = tpu.memref_slice %arg5[%dma_start3A_150, %dma_start3A_151] : memref<6144x1024xi32, #tpu.memory_space<hbm>> -> memref<6144x1024xi32, #tpu.memory_space<hbm>>
    tpu.enqueue_indirect_dma source(%arg9 : memref<16x1024xi32, #tpu.memory_space<vmem>>) target(%dma_start3A_152 : memref<6144x1024xi32, #tpu.memory_space<hbm>>) offsets(%dma_start3A_149 : memref<16xi32, #tpu.memory_space<vmem>>) semaphore(%arg12 : memref<!tpu.dma_semaphore, #tpu.memory_space<semaphore_mem>>)
    %dma_wait3A_153 = arith.constant 4 : i32
    %dma_wait3A_154 = arith.constant 0 : i32
    %dma_wait3A_155 = tpu.memref_slice %arg7[%dma_wait3A_153, %dma_wait3A_154] : memref<8x16xi32, #tpu.memory_space<vmem>> -> memref<1x16xi32, #tpu.memory_space<vmem>>
    %dma_wait3A_156 = tpu.memref_squeeze %dma_wait3A_155 : memref<1x16xi32, #tpu.memory_space<vmem>> -> memref<16xi32, #tpu.memory_space<vmem>>
    %dma_wait3A_157 = arith.constant 0 : i32
    %dma_wait3A_158 = arith.constant 0 : i32
    %dma_wait3A_159 = tpu.memref_slice %arg5[%dma_wait3A_157, %dma_wait3A_158] : memref<6144x1024xi32, #tpu.memory_space<hbm>> -> memref<6144x1024xi32, #tpu.memory_space<hbm>>
    tpu.wait_indirect_dma semaphore(%arg11 : memref<!tpu.dma_semaphore, #tpu.memory_space<semaphore_mem>>) src(%arg8 : memref<16x1024xi32, #tpu.memory_space<vmem>>) dst(%dma_wait3A_159 : memref<6144x1024xi32, #tpu.memory_space<hbm>>)
    %dma_start3A_160 = arith.constant 6 : i32
    %dma_start3A_161 = arith.constant 0 : i32
    %dma_start3A_162 = tpu.memref_slice %arg6[%dma_start3A_160, %dma_start3A_161] : memref<8x16xi32, #tpu.memory_space<vmem>> -> memref<1x16xi32, #tpu.memory_space<vmem>>
    %dma_start3A_163 = tpu.memref_squeeze %dma_start3A_162 : memref<1x16xi32, #tpu.memory_space<vmem>> -> memref<16xi32, #tpu.memory_space<vmem>>
    %dma_start3A_164 = arith.constant 0 : i32
    %dma_start3A_165 = arith.constant 0 : i32
    %dma_start3A_166 = tpu.memref_slice %arg2[%dma_start3A_164, %dma_start3A_165] : memref<2048x1024xi32, #tpu.memory_space<hbm>> -> memref<2048x1024xi32, #tpu.memory_space<hbm>>
    tpu.enqueue_indirect_dma source(%dma_start3A_166 : memref<2048x1024xi32, #tpu.memory_space<hbm>>) target(%arg8 : memref<16x1024xi32, #tpu.memory_space<vmem>>) offsets(%dma_start3A_163 : memref<16xi32, #tpu.memory_space<vmem>>) semaphore(%arg10 : memref<!tpu.dma_semaphore, #tpu.memory_space<semaphore_mem>>)
    %dma_wait3A_167 = arith.constant 6 : i32
    %dma_wait3A_168 = arith.constant 0 : i32
    %dma_wait3A_169 = tpu.memref_slice %arg6[%dma_wait3A_167, %dma_wait3A_168] : memref<8x16xi32, #tpu.memory_space<vmem>> -> memref<1x16xi32, #tpu.memory_space<vmem>>
    %dma_wait3A_170 = tpu.memref_squeeze %dma_wait3A_169 : memref<1x16xi32, #tpu.memory_space<vmem>> -> memref<16xi32, #tpu.memory_space<vmem>>
    %dma_wait3A_171 = arith.constant 0 : i32
    %dma_wait3A_172 = arith.constant 0 : i32
    %dma_wait3A_173 = tpu.memref_slice %arg2[%dma_wait3A_171, %dma_wait3A_172] : memref<2048x1024xi32, #tpu.memory_space<hbm>> -> memref<2048x1024xi32, #tpu.memory_space<hbm>>
    tpu.wait_indirect_dma semaphore(%arg10 : memref<!tpu.dma_semaphore, #tpu.memory_space<semaphore_mem>>) src(%dma_wait3A_173 : memref<2048x1024xi32, #tpu.memory_space<hbm>>) dst(%arg8 : memref<16x1024xi32, #tpu.memory_space<vmem>>)
    %dma_start3A_174 = arith.constant 6 : i32
    %dma_start3A_175 = arith.constant 0 : i32
    %dma_start3A_176 = tpu.memref_slice %arg7[%dma_start3A_174, %dma_start3A_175] : memref<8x16xi32, #tpu.memory_space<vmem>> -> memref<1x16xi32, #tpu.memory_space<vmem>>
    %dma_start3A_177 = tpu.memref_squeeze %dma_start3A_176 : memref<1x16xi32, #tpu.memory_space<vmem>> -> memref<16xi32, #tpu.memory_space<vmem>>
    %dma_start3A_178 = arith.constant 0 : i32
    %dma_start3A_179 = arith.constant 0 : i32
    %dma_start3A_180 = tpu.memref_slice %arg5[%dma_start3A_178, %dma_start3A_179] : memref<6144x1024xi32, #tpu.memory_space<hbm>> -> memref<6144x1024xi32, #tpu.memory_space<hbm>>
    tpu.enqueue_indirect_dma source(%arg8 : memref<16x1024xi32, #tpu.memory_space<vmem>>) target(%dma_start3A_180 : memref<6144x1024xi32, #tpu.memory_space<hbm>>) offsets(%dma_start3A_177 : memref<16xi32, #tpu.memory_space<vmem>>) semaphore(%arg11 : memref<!tpu.dma_semaphore, #tpu.memory_space<semaphore_mem>>)
    %dma_wait3A_181 = arith.constant 5 : i32
    %dma_wait3A_182 = arith.constant 0 : i32
    %dma_wait3A_183 = tpu.memref_slice %arg7[%dma_wait3A_181, %dma_wait3A_182] : memref<8x16xi32, #tpu.memory_space<vmem>> -> memref<1x16xi32, #tpu.memory_space<vmem>>
    %dma_wait3A_184 = tpu.memref_squeeze %dma_wait3A_183 : memref<1x16xi32, #tpu.memory_space<vmem>> -> memref<16xi32, #tpu.memory_space<vmem>>
    %dma_wait3A_185 = arith.constant 0 : i32
    %dma_wait3A_186 = arith.constant 0 : i32
    %dma_wait3A_187 = tpu.memref_slice %arg5[%dma_wait3A_185, %dma_wait3A_186] : memref<6144x1024xi32, #tpu.memory_space<hbm>> -> memref<6144x1024xi32, #tpu.memory_space<hbm>>
    tpu.wait_indirect_dma semaphore(%arg12 : memref<!tpu.dma_semaphore, #tpu.memory_space<semaphore_mem>>) src(%arg9 : memref<16x1024xi32, #tpu.memory_space<vmem>>) dst(%dma_wait3A_187 : memref<6144x1024xi32, #tpu.memory_space<hbm>>)
    %dma_start3A_188 = arith.constant 7 : i32
    %dma_start3A_189 = arith.constant 0 : i32
    %dma_start3A_190 = tpu.memref_slice %arg6[%dma_start3A_188, %dma_start3A_189] : memref<8x16xi32, #tpu.memory_space<vmem>> -> memref<1x16xi32, #tpu.memory_space<vmem>>
    %dma_start3A_191 = tpu.memref_squeeze %dma_start3A_190 : memref<1x16xi32, #tpu.memory_space<vmem>> -> memref<16xi32, #tpu.memory_space<vmem>>
    %dma_start3A_192 = arith.constant 0 : i32
    %dma_start3A_193 = arith.constant 0 : i32
    %dma_start3A_194 = tpu.memref_slice %arg2[%dma_start3A_192, %dma_start3A_193] : memref<2048x1024xi32, #tpu.memory_space<hbm>> -> memref<2048x1024xi32, #tpu.memory_space<hbm>>
    tpu.enqueue_indirect_dma source(%dma_start3A_194 : memref<2048x1024xi32, #tpu.memory_space<hbm>>) target(%arg9 : memref<16x1024xi32, #tpu.memory_space<vmem>>) offsets(%dma_start3A_191 : memref<16xi32, #tpu.memory_space<vmem>>) semaphore(%arg10 : memref<!tpu.dma_semaphore, #tpu.memory_space<semaphore_mem>>)
    %dma_wait3A_195 = arith.constant 7 : i32
    %dma_wait3A_196 = arith.constant 0 : i32
    %dma_wait3A_197 = tpu.memref_slice %arg6[%dma_wait3A_195, %dma_wait3A_196] : memref<8x16xi32, #tpu.memory_space<vmem>> -> memref<1x16xi32, #tpu.memory_space<vmem>>
    %dma_wait3A_198 = tpu.memref_squeeze %dma_wait3A_197 : memref<1x16xi32, #tpu.memory_space<vmem>> -> memref<16xi32, #tpu.memory_space<vmem>>
    %dma_wait3A_199 = arith.constant 0 : i32
    %dma_wait3A_200 = arith.constant 0 : i32
    %dma_wait3A_201 = tpu.memref_slice %arg2[%dma_wait3A_199, %dma_wait3A_200] : memref<2048x1024xi32, #tpu.memory_space<hbm>> -> memref<2048x1024xi32, #tpu.memory_space<hbm>>
    tpu.wait_indirect_dma semaphore(%arg10 : memref<!tpu.dma_semaphore, #tpu.memory_space<semaphore_mem>>) src(%dma_wait3A_201 : memref<2048x1024xi32, #tpu.memory_space<hbm>>) dst(%arg9 : memref<16x1024xi32, #tpu.memory_space<vmem>>)
    %dma_start3A_202 = arith.constant 7 : i32
    %dma_start3A_203 = arith.constant 0 : i32
    %dma_start3A_204 = tpu.memref_slice %arg7[%dma_start3A_202, %dma_start3A_203] : memref<8x16xi32, #tpu.memory_space<vmem>> -> memref<1x16xi32, #tpu.memory_space<vmem>>
    %dma_start3A_205 = tpu.memref_squeeze %dma_start3A_204 : memref<1x16xi32, #tpu.memory_space<vmem>> -> memref<16xi32, #tpu.memory_space<vmem>>
    %dma_start3A_206 = arith.constant 0 : i32
    %dma_start3A_207 = arith.constant 0 : i32
    %dma_start3A_208 = tpu.memref_slice %arg5[%dma_start3A_206, %dma_start3A_207] : memref<6144x1024xi32, #tpu.memory_space<hbm>> -> memref<6144x1024xi32, #tpu.memory_space<hbm>>
    tpu.enqueue_indirect_dma source(%arg9 : memref<16x1024xi32, #tpu.memory_space<vmem>>) target(%dma_start3A_208 : memref<6144x1024xi32, #tpu.memory_space<hbm>>) offsets(%dma_start3A_205 : memref<16xi32, #tpu.memory_space<vmem>>) semaphore(%arg12 : memref<!tpu.dma_semaphore, #tpu.memory_space<semaphore_mem>>)
    %dma_wait3A_209 = arith.constant 6 : i32
    %dma_wait3A_210 = arith.constant 0 : i32
    %dma_wait3A_211 = tpu.memref_slice %arg7[%dma_wait3A_209, %dma_wait3A_210] : memref<8x16xi32, #tpu.memory_space<vmem>> -> memref<1x16xi32, #tpu.memory_space<vmem>>
    %dma_wait3A_212 = tpu.memref_squeeze %dma_wait3A_211 : memref<1x16xi32, #tpu.memory_space<vmem>> -> memref<16xi32, #tpu.memory_space<vmem>>
    %dma_wait3A_213 = arith.constant 0 : i32
    %dma_wait3A_214 = arith.constant 0 : i32
    %dma_wait3A_215 = tpu.memref_slice %arg5[%dma_wait3A_213, %dma_wait3A_214] : memref<6144x1024xi32, #tpu.memory_space<hbm>> -> memref<6144x1024xi32, #tpu.memory_space<hbm>>
    tpu.wait_indirect_dma semaphore(%arg11 : memref<!tpu.dma_semaphore, #tpu.memory_space<semaphore_mem>>) src(%arg8 : memref<16x1024xi32, #tpu.memory_space<vmem>>) dst(%dma_wait3A_215 : memref<6144x1024xi32, #tpu.memory_space<hbm>>)
    %dma_wait3A_216 = arith.constant 7 : i32
    %dma_wait3A_217 = arith.constant 0 : i32
    %dma_wait3A_218 = tpu.memref_slice %arg7[%dma_wait3A_216, %dma_wait3A_217] : memref<8x16xi32, #tpu.memory_space<vmem>> -> memref<1x16xi32, #tpu.memory_space<vmem>>
    %dma_wait3A_219 = tpu.memref_squeeze %dma_wait3A_218 : memref<1x16xi32, #tpu.memory_space<vmem>> -> memref<16xi32, #tpu.memory_space<vmem>>
    %dma_wait3A_220 = arith.constant 0 : i32
    %dma_wait3A_221 = arith.constant 0 : i32
    %dma_wait3A_222 = tpu.memref_slice %arg5[%dma_wait3A_220, %dma_wait3A_221] : memref<6144x1024xi32, #tpu.memory_space<hbm>> -> memref<6144x1024xi32, #tpu.memory_space<hbm>>
    tpu.wait_indirect_dma semaphore(%arg12 : memref<!tpu.dma_semaphore, #tpu.memory_space<semaphore_mem>>) src(%arg9 : memref<16x1024xi32, #tpu.memory_space<vmem>>) dst(%dma_wait3A_222 : memref<6144x1024xi32, #tpu.memory_space<hbm>>)
    return
  }
}

module attributes {stable_mosaic.version = 14 : i64} {
  func.func @_meta_body(%arg0: memref<32x128xi32, #tpu.memory_space<vmem>>, %arg1: memref<32x128xi32, #tpu.memory_space<vmem>>, %arg2: memref<8x128xi32, #tpu.memory_space<vmem>>) attributes {dimension_semantics = [], scalar_prefetch = 0 : i64, scratch_operands = 0 : i64, tpu.core_type = #tpu.core_type<tc>} {
    %get3A = arith.constant 0 : index
    %get3A_0 = arith.constant 0 : index
    %get3A_1 = vector.load %arg0[%get3A, %get3A_0] : memref<32x128xi32, #tpu.memory_space<vmem>>, vector<32x128xi32>
    %iota3A = tpu.iota {dimensions = array<i32: 0>} : vector<128x128xi32>
    %iota3A_2 = tpu.iota {dimensions = array<i32: 1>} : vector<128x128xi32>
    %le3A = arith.cmpi sle, %iota3A, %iota3A_2 : vector<128x128xi32>
    %convert_element_type3A = arith.extui %le3A : vector<128x128xi1> to vector<128x128xi32>
    %convert_element_type3A_3 = arith.sitofp %convert_element_type3A : vector<128x128xi32> to vector<128x128xf32>
    %iota3A_4 = tpu.iota {dimensions = array<i32: 0>} : vector<32x32xi32>
    %iota3A_5 = tpu.iota {dimensions = array<i32: 1>} : vector<32x32xi32>
    %lt3A = arith.cmpi slt, %iota3A_5, %iota3A_4 : vector<32x32xi32>
    %convert_element_type3A_6 = arith.extui %lt3A : vector<32x32xi1> to vector<32x32xi32>
    %convert_element_type3A_7 = arith.sitofp %convert_element_type3A_6 : vector<32x32xi32> to vector<32x32xf32>
    %broadcast_in_dim3A = arith.constant 0.000000e+00 : f32
    %broadcast_in_dim3A_8 = vector.broadcast %broadcast_in_dim3A : f32 to vector<32x128xf32>
    %eq3A = arith.constant 0 : i32
    %eq3A_9 = vector.broadcast %eq3A : i32 to vector<32x128xi32>
    %eq3A_10 = arith.cmpi eq, %get3A_1, %eq3A_9 : vector<32x128xi32>
    %convert_element_type3A_11 = arith.extui %eq3A_10 : vector<32x128xi1> to vector<32x128xi32>
    %convert_element_type3A_12 = arith.sitofp %convert_element_type3A_11 : vector<32x128xi32> to vector<32x128xf32>
    %dot_general3A = arith.constant dense<0.000000e+00> : vector<32x128xf32>
    %dot_general3A_13 = tpu.matmul %convert_element_type3A_12, %convert_element_type3A_3, %dot_general3A {dimension_numbers = #tpu.dot_dimension_numbers<[1], [0], [0], [1], [0, 0, 1, 1], [], []>, transpose_lhs_hint = false} : vector<32x128xf32>, vector<128x128xf32>, vector<32x128xf32> -> vector<32x128xf32>
    %slice3A = vector.extract_strided_slice %dot_general3A_13 {offsets = [0, 127], sizes = [32, 1], strides = [1, 1]} : vector<32x128xf32> to vector<32x1xf32>
    %broadcast_in_dim3A_14 = vector.shape_cast %slice3A : vector<32x1xf32> to vector<32x1xf32>
    %broadcast_in_dim3A_15 = vector.broadcast %broadcast_in_dim3A_14 : vector<32x1xf32> to vector<32x128xf32>
    %dot_general3A_16 = arith.constant dense<0.000000e+00> : vector<32x128xf32>
    %dot_general3A_17 = tpu.matmul %convert_element_type3A_7, %broadcast_in_dim3A_15, %dot_general3A_16 {dimension_numbers = #tpu.dot_dimension_numbers<[1], [0], [0], [1], [0, 0, 1, 1], [], []>, transpose_lhs_hint = false} : vector<32x32xf32>, vector<32x128xf32>, vector<32x128xf32> -> vector<32x128xf32>
    %sub3A = arith.subf %dot_general3A_13, %convert_element_type3A_12 : vector<32x128xf32>
    %add3A = arith.addf %sub3A, %dot_general3A_17 : vector<32x128xf32>
    %reduce_sum3A = vector.shape_cast %convert_element_type3A_12 : vector<32x128xf32> to vector<1x32x128xf32>
    %reduce_sum3A_18 = arith.constant dense<0.000000e+00> : vector<1xf32>
    %reduce_sum3A_19 = vector.multi_reduction <add>, %reduce_sum3A, %reduce_sum3A_18 [1, 2] : vector<1x32x128xf32> to vector<1xf32>
    %reduce_sum3A_20 = vector.shape_cast %reduce_sum3A_19 : vector<1xf32> to vector<1x1x1xf32>
    %reduce_sum3A_21 = vector.extract %reduce_sum3A_20[0, 0, 0] : f32 from vector<1x1x1xf32>
    %mul3A = arith.constant 0.000000e+00 : f32
    %mul3A_22 = arith.constant 2.560000e+02 : f32
    %mul3A_23 = arith.mulf %mul3A, %mul3A_22 : f32
    %add3A_24 = vector.broadcast %mul3A_23 : f32 to vector<32x128xf32>
    %add3A_25 = arith.addf %add3A_24, %add3A : vector<32x128xf32>
    %mul3A_26 = arith.mulf %convert_element_type3A_12, %add3A_25 : vector<32x128xf32>
    %add3A_27 = arith.addf %broadcast_in_dim3A_8, %mul3A_26 : vector<32x128xf32>
    %div3A = arith.constant 2.560000e+02 : f32
    %div3A_28 = arith.divf %reduce_sum3A_21, %div3A : f32
    %ceil3A = math.ceil %div3A_28 : f32
    %add3A_29 = arith.constant 0.000000e+00 : f32
    %add3A_30 = arith.addf %add3A_29, %ceil3A : f32
    %eq3A_31 = arith.constant 1 : i32
    %eq3A_32 = vector.broadcast %eq3A_31 : i32 to vector<32x128xi32>
    %eq3A_33 = arith.cmpi eq, %get3A_1, %eq3A_32 : vector<32x128xi32>
    %convert_element_type3A_34 = arith.extui %eq3A_33 : vector<32x128xi1> to vector<32x128xi32>
    %convert_element_type3A_35 = arith.sitofp %convert_element_type3A_34 : vector<32x128xi32> to vector<32x128xf32>
    %dot_general3A_36 = arith.constant dense<0.000000e+00> : vector<32x128xf32>
    %dot_general3A_37 = tpu.matmul %convert_element_type3A_35, %convert_element_type3A_3, %dot_general3A_36 {dimension_numbers = #tpu.dot_dimension_numbers<[1], [0], [0], [1], [0, 0, 1, 1], [], []>, transpose_lhs_hint = false} : vector<32x128xf32>, vector<128x128xf32>, vector<32x128xf32> -> vector<32x128xf32>
    %slice3A_38 = vector.extract_strided_slice %dot_general3A_37 {offsets = [0, 127], sizes = [32, 1], strides = [1, 1]} : vector<32x128xf32> to vector<32x1xf32>
    %broadcast_in_dim3A_39 = vector.shape_cast %slice3A_38 : vector<32x1xf32> to vector<32x1xf32>
    %broadcast_in_dim3A_40 = vector.broadcast %broadcast_in_dim3A_39 : vector<32x1xf32> to vector<32x128xf32>
    %dot_general3A_41 = arith.constant dense<0.000000e+00> : vector<32x128xf32>
    %dot_general3A_42 = tpu.matmul %convert_element_type3A_7, %broadcast_in_dim3A_40, %dot_general3A_41 {dimension_numbers = #tpu.dot_dimension_numbers<[1], [0], [0], [1], [0, 0, 1, 1], [], []>, transpose_lhs_hint = false} : vector<32x32xf32>, vector<32x128xf32>, vector<32x128xf32> -> vector<32x128xf32>
    %sub3A_43 = arith.subf %dot_general3A_37, %convert_element_type3A_35 : vector<32x128xf32>
    %add3A_44 = arith.addf %sub3A_43, %dot_general3A_42 : vector<32x128xf32>
    %reduce_sum3A_45 = vector.shape_cast %convert_element_type3A_35 : vector<32x128xf32> to vector<1x32x128xf32>
    %reduce_sum3A_46 = arith.constant dense<0.000000e+00> : vector<1xf32>
    %reduce_sum3A_47 = vector.multi_reduction <add>, %reduce_sum3A_45, %reduce_sum3A_46 [1, 2] : vector<1x32x128xf32> to vector<1xf32>
    %reduce_sum3A_48 = vector.shape_cast %reduce_sum3A_47 : vector<1xf32> to vector<1x1x1xf32>
    %reduce_sum3A_49 = vector.extract %reduce_sum3A_48[0, 0, 0] : f32 from vector<1x1x1xf32>
    %mul3A_50 = arith.constant 2.560000e+02 : f32
    %mul3A_51 = arith.mulf %add3A_30, %mul3A_50 : f32
    %add3A_52 = vector.broadcast %mul3A_51 : f32 to vector<32x128xf32>
    %add3A_53 = arith.addf %add3A_52, %add3A_44 : vector<32x128xf32>
    %mul3A_54 = arith.mulf %convert_element_type3A_35, %add3A_53 : vector<32x128xf32>
    %add3A_55 = arith.addf %add3A_27, %mul3A_54 : vector<32x128xf32>
    %div3A_56 = arith.constant 2.560000e+02 : f32
    %div3A_57 = arith.divf %reduce_sum3A_49, %div3A_56 : f32
    %ceil3A_58 = math.ceil %div3A_57 : f32
    %add3A_59 = arith.addf %add3A_30, %ceil3A_58 : f32
    %eq3A_60 = arith.constant 2 : i32
    %eq3A_61 = vector.broadcast %eq3A_60 : i32 to vector<32x128xi32>
    %eq3A_62 = arith.cmpi eq, %get3A_1, %eq3A_61 : vector<32x128xi32>
    %convert_element_type3A_63 = arith.extui %eq3A_62 : vector<32x128xi1> to vector<32x128xi32>
    %convert_element_type3A_64 = arith.sitofp %convert_element_type3A_63 : vector<32x128xi32> to vector<32x128xf32>
    %dot_general3A_65 = arith.constant dense<0.000000e+00> : vector<32x128xf32>
    %dot_general3A_66 = tpu.matmul %convert_element_type3A_64, %convert_element_type3A_3, %dot_general3A_65 {dimension_numbers = #tpu.dot_dimension_numbers<[1], [0], [0], [1], [0, 0, 1, 1], [], []>, transpose_lhs_hint = false} : vector<32x128xf32>, vector<128x128xf32>, vector<32x128xf32> -> vector<32x128xf32>
    %slice3A_67 = vector.extract_strided_slice %dot_general3A_66 {offsets = [0, 127], sizes = [32, 1], strides = [1, 1]} : vector<32x128xf32> to vector<32x1xf32>
    %broadcast_in_dim3A_68 = vector.shape_cast %slice3A_67 : vector<32x1xf32> to vector<32x1xf32>
    %broadcast_in_dim3A_69 = vector.broadcast %broadcast_in_dim3A_68 : vector<32x1xf32> to vector<32x128xf32>
    %dot_general3A_70 = arith.constant dense<0.000000e+00> : vector<32x128xf32>
    %dot_general3A_71 = tpu.matmul %convert_element_type3A_7, %broadcast_in_dim3A_69, %dot_general3A_70 {dimension_numbers = #tpu.dot_dimension_numbers<[1], [0], [0], [1], [0, 0, 1, 1], [], []>, transpose_lhs_hint = false} : vector<32x32xf32>, vector<32x128xf32>, vector<32x128xf32> -> vector<32x128xf32>
    %sub3A_72 = arith.subf %dot_general3A_66, %convert_element_type3A_64 : vector<32x128xf32>
    %add3A_73 = arith.addf %sub3A_72, %dot_general3A_71 : vector<32x128xf32>
    %reduce_sum3A_74 = vector.shape_cast %convert_element_type3A_64 : vector<32x128xf32> to vector<1x32x128xf32>
    %reduce_sum3A_75 = arith.constant dense<0.000000e+00> : vector<1xf32>
    %reduce_sum3A_76 = vector.multi_reduction <add>, %reduce_sum3A_74, %reduce_sum3A_75 [1, 2] : vector<1x32x128xf32> to vector<1xf32>
    %reduce_sum3A_77 = vector.shape_cast %reduce_sum3A_76 : vector<1xf32> to vector<1x1x1xf32>
    %reduce_sum3A_78 = vector.extract %reduce_sum3A_77[0, 0, 0] : f32 from vector<1x1x1xf32>
    %mul3A_79 = arith.constant 2.560000e+02 : f32
    %mul3A_80 = arith.mulf %add3A_59, %mul3A_79 : f32
    %add3A_81 = vector.broadcast %mul3A_80 : f32 to vector<32x128xf32>
    %add3A_82 = arith.addf %add3A_81, %add3A_73 : vector<32x128xf32>
    %mul3A_83 = arith.mulf %convert_element_type3A_64, %add3A_82 : vector<32x128xf32>
    %add3A_84 = arith.addf %add3A_55, %mul3A_83 : vector<32x128xf32>
    %div3A_85 = arith.constant 2.560000e+02 : f32
    %div3A_86 = arith.divf %reduce_sum3A_78, %div3A_85 : f32
    %ceil3A_87 = math.ceil %div3A_86 : f32
    %add3A_88 = arith.addf %add3A_59, %ceil3A_87 : f32
    %eq3A_89 = arith.constant 3 : i32
    %eq3A_90 = vector.broadcast %eq3A_89 : i32 to vector<32x128xi32>
    %eq3A_91 = arith.cmpi eq, %get3A_1, %eq3A_90 : vector<32x128xi32>
    %convert_element_type3A_92 = arith.extui %eq3A_91 : vector<32x128xi1> to vector<32x128xi32>
    %convert_element_type3A_93 = arith.sitofp %convert_element_type3A_92 : vector<32x128xi32> to vector<32x128xf32>
    %dot_general3A_94 = arith.constant dense<0.000000e+00> : vector<32x128xf32>
    %dot_general3A_95 = tpu.matmul %convert_element_type3A_93, %convert_element_type3A_3, %dot_general3A_94 {dimension_numbers = #tpu.dot_dimension_numbers<[1], [0], [0], [1], [0, 0, 1, 1], [], []>, transpose_lhs_hint = false} : vector<32x128xf32>, vector<128x128xf32>, vector<32x128xf32> -> vector<32x128xf32>
    %slice3A_96 = vector.extract_strided_slice %dot_general3A_95 {offsets = [0, 127], sizes = [32, 1], strides = [1, 1]} : vector<32x128xf32> to vector<32x1xf32>
    %broadcast_in_dim3A_97 = vector.shape_cast %slice3A_96 : vector<32x1xf32> to vector<32x1xf32>
    %broadcast_in_dim3A_98 = vector.broadcast %broadcast_in_dim3A_97 : vector<32x1xf32> to vector<32x128xf32>
    %dot_general3A_99 = arith.constant dense<0.000000e+00> : vector<32x128xf32>
    %dot_general3A_100 = tpu.matmul %convert_element_type3A_7, %broadcast_in_dim3A_98, %dot_general3A_99 {dimension_numbers = #tpu.dot_dimension_numbers<[1], [0], [0], [1], [0, 0, 1, 1], [], []>, transpose_lhs_hint = false} : vector<32x32xf32>, vector<32x128xf32>, vector<32x128xf32> -> vector<32x128xf32>
    %sub3A_101 = arith.subf %dot_general3A_95, %convert_element_type3A_93 : vector<32x128xf32>
    %add3A_102 = arith.addf %sub3A_101, %dot_general3A_100 : vector<32x128xf32>
    %reduce_sum3A_103 = vector.shape_cast %convert_element_type3A_93 : vector<32x128xf32> to vector<1x32x128xf32>
    %reduce_sum3A_104 = arith.constant dense<0.000000e+00> : vector<1xf32>
    %reduce_sum3A_105 = vector.multi_reduction <add>, %reduce_sum3A_103, %reduce_sum3A_104 [1, 2] : vector<1x32x128xf32> to vector<1xf32>
    %reduce_sum3A_106 = vector.shape_cast %reduce_sum3A_105 : vector<1xf32> to vector<1x1x1xf32>
    %reduce_sum3A_107 = vector.extract %reduce_sum3A_106[0, 0, 0] : f32 from vector<1x1x1xf32>
    %mul3A_108 = arith.constant 2.560000e+02 : f32
    %mul3A_109 = arith.mulf %add3A_88, %mul3A_108 : f32
    %add3A_110 = vector.broadcast %mul3A_109 : f32 to vector<32x128xf32>
    %add3A_111 = arith.addf %add3A_110, %add3A_102 : vector<32x128xf32>
    %mul3A_112 = arith.mulf %convert_element_type3A_93, %add3A_111 : vector<32x128xf32>
    %add3A_113 = arith.addf %add3A_84, %mul3A_112 : vector<32x128xf32>
    %div3A_114 = arith.constant 2.560000e+02 : f32
    %div3A_115 = arith.divf %reduce_sum3A_107, %div3A_114 : f32
    %ceil3A_116 = math.ceil %div3A_115 : f32
    %add3A_117 = arith.addf %add3A_88, %ceil3A_116 : f32
    %eq3A_118 = arith.constant 4 : i32
    %eq3A_119 = vector.broadcast %eq3A_118 : i32 to vector<32x128xi32>
    %eq3A_120 = arith.cmpi eq, %get3A_1, %eq3A_119 : vector<32x128xi32>
    %convert_element_type3A_121 = arith.extui %eq3A_120 : vector<32x128xi1> to vector<32x128xi32>
    %convert_element_type3A_122 = arith.sitofp %convert_element_type3A_121 : vector<32x128xi32> to vector<32x128xf32>
    %dot_general3A_123 = arith.constant dense<0.000000e+00> : vector<32x128xf32>
    %dot_general3A_124 = tpu.matmul %convert_element_type3A_122, %convert_element_type3A_3, %dot_general3A_123 {dimension_numbers = #tpu.dot_dimension_numbers<[1], [0], [0], [1], [0, 0, 1, 1], [], []>, transpose_lhs_hint = false} : vector<32x128xf32>, vector<128x128xf32>, vector<32x128xf32> -> vector<32x128xf32>
    %slice3A_125 = vector.extract_strided_slice %dot_general3A_124 {offsets = [0, 127], sizes = [32, 1], strides = [1, 1]} : vector<32x128xf32> to vector<32x1xf32>
    %broadcast_in_dim3A_126 = vector.shape_cast %slice3A_125 : vector<32x1xf32> to vector<32x1xf32>
    %broadcast_in_dim3A_127 = vector.broadcast %broadcast_in_dim3A_126 : vector<32x1xf32> to vector<32x128xf32>
    %dot_general3A_128 = arith.constant dense<0.000000e+00> : vector<32x128xf32>
    %dot_general3A_129 = tpu.matmul %convert_element_type3A_7, %broadcast_in_dim3A_127, %dot_general3A_128 {dimension_numbers = #tpu.dot_dimension_numbers<[1], [0], [0], [1], [0, 0, 1, 1], [], []>, transpose_lhs_hint = false} : vector<32x32xf32>, vector<32x128xf32>, vector<32x128xf32> -> vector<32x128xf32>
    %sub3A_130 = arith.subf %dot_general3A_124, %convert_element_type3A_122 : vector<32x128xf32>
    %add3A_131 = arith.addf %sub3A_130, %dot_general3A_129 : vector<32x128xf32>
    %reduce_sum3A_132 = vector.shape_cast %convert_element_type3A_122 : vector<32x128xf32> to vector<1x32x128xf32>
    %reduce_sum3A_133 = arith.constant dense<0.000000e+00> : vector<1xf32>
    %reduce_sum3A_134 = vector.multi_reduction <add>, %reduce_sum3A_132, %reduce_sum3A_133 [1, 2] : vector<1x32x128xf32> to vector<1xf32>
    %reduce_sum3A_135 = vector.shape_cast %reduce_sum3A_134 : vector<1xf32> to vector<1x1x1xf32>
    %reduce_sum3A_136 = vector.extract %reduce_sum3A_135[0, 0, 0] : f32 from vector<1x1x1xf32>
    %mul3A_137 = arith.constant 2.560000e+02 : f32
    %mul3A_138 = arith.mulf %add3A_117, %mul3A_137 : f32
    %add3A_139 = vector.broadcast %mul3A_138 : f32 to vector<32x128xf32>
    %add3A_140 = arith.addf %add3A_139, %add3A_131 : vector<32x128xf32>
    %mul3A_141 = arith.mulf %convert_element_type3A_122, %add3A_140 : vector<32x128xf32>
    %add3A_142 = arith.addf %add3A_113, %mul3A_141 : vector<32x128xf32>
    %div3A_143 = arith.constant 2.560000e+02 : f32
    %div3A_144 = arith.divf %reduce_sum3A_136, %div3A_143 : f32
    %ceil3A_145 = math.ceil %div3A_144 : f32
    %add3A_146 = arith.addf %add3A_117, %ceil3A_145 : f32
    %eq3A_147 = arith.constant 5 : i32
    %eq3A_148 = vector.broadcast %eq3A_147 : i32 to vector<32x128xi32>
    %eq3A_149 = arith.cmpi eq, %get3A_1, %eq3A_148 : vector<32x128xi32>
    %convert_element_type3A_150 = arith.extui %eq3A_149 : vector<32x128xi1> to vector<32x128xi32>
    %convert_element_type3A_151 = arith.sitofp %convert_element_type3A_150 : vector<32x128xi32> to vector<32x128xf32>
    %dot_general3A_152 = arith.constant dense<0.000000e+00> : vector<32x128xf32>
    %dot_general3A_153 = tpu.matmul %convert_element_type3A_151, %convert_element_type3A_3, %dot_general3A_152 {dimension_numbers = #tpu.dot_dimension_numbers<[1], [0], [0], [1], [0, 0, 1, 1], [], []>, transpose_lhs_hint = false} : vector<32x128xf32>, vector<128x128xf32>, vector<32x128xf32> -> vector<32x128xf32>
    %slice3A_154 = vector.extract_strided_slice %dot_general3A_153 {offsets = [0, 127], sizes = [32, 1], strides = [1, 1]} : vector<32x128xf32> to vector<32x1xf32>
    %broadcast_in_dim3A_155 = vector.shape_cast %slice3A_154 : vector<32x1xf32> to vector<32x1xf32>
    %broadcast_in_dim3A_156 = vector.broadcast %broadcast_in_dim3A_155 : vector<32x1xf32> to vector<32x128xf32>
    %dot_general3A_157 = arith.constant dense<0.000000e+00> : vector<32x128xf32>
    %dot_general3A_158 = tpu.matmul %convert_element_type3A_7, %broadcast_in_dim3A_156, %dot_general3A_157 {dimension_numbers = #tpu.dot_dimension_numbers<[1], [0], [0], [1], [0, 0, 1, 1], [], []>, transpose_lhs_hint = false} : vector<32x32xf32>, vector<32x128xf32>, vector<32x128xf32> -> vector<32x128xf32>
    %sub3A_159 = arith.subf %dot_general3A_153, %convert_element_type3A_151 : vector<32x128xf32>
    %add3A_160 = arith.addf %sub3A_159, %dot_general3A_158 : vector<32x128xf32>
    %reduce_sum3A_161 = vector.shape_cast %convert_element_type3A_151 : vector<32x128xf32> to vector<1x32x128xf32>
    %reduce_sum3A_162 = arith.constant dense<0.000000e+00> : vector<1xf32>
    %reduce_sum3A_163 = vector.multi_reduction <add>, %reduce_sum3A_161, %reduce_sum3A_162 [1, 2] : vector<1x32x128xf32> to vector<1xf32>
    %reduce_sum3A_164 = vector.shape_cast %reduce_sum3A_163 : vector<1xf32> to vector<1x1x1xf32>
    %reduce_sum3A_165 = vector.extract %reduce_sum3A_164[0, 0, 0] : f32 from vector<1x1x1xf32>
    %mul3A_166 = arith.constant 2.560000e+02 : f32
    %mul3A_167 = arith.mulf %add3A_146, %mul3A_166 : f32
    %add3A_168 = vector.broadcast %mul3A_167 : f32 to vector<32x128xf32>
    %add3A_169 = arith.addf %add3A_168, %add3A_160 : vector<32x128xf32>
    %mul3A_170 = arith.mulf %convert_element_type3A_151, %add3A_169 : vector<32x128xf32>
    %add3A_171 = arith.addf %add3A_142, %mul3A_170 : vector<32x128xf32>
    %div3A_172 = arith.constant 2.560000e+02 : f32
    %div3A_173 = arith.divf %reduce_sum3A_165, %div3A_172 : f32
    %ceil3A_174 = math.ceil %div3A_173 : f32
    %add3A_175 = arith.addf %add3A_146, %ceil3A_174 : f32
    %eq3A_176 = arith.constant 6 : i32
    %eq3A_177 = vector.broadcast %eq3A_176 : i32 to vector<32x128xi32>
    %eq3A_178 = arith.cmpi eq, %get3A_1, %eq3A_177 : vector<32x128xi32>
    %convert_element_type3A_179 = arith.extui %eq3A_178 : vector<32x128xi1> to vector<32x128xi32>
    %convert_element_type3A_180 = arith.sitofp %convert_element_type3A_179 : vector<32x128xi32> to vector<32x128xf32>
    %dot_general3A_181 = arith.constant dense<0.000000e+00> : vector<32x128xf32>
    %dot_general3A_182 = tpu.matmul %convert_element_type3A_180, %convert_element_type3A_3, %dot_general3A_181 {dimension_numbers = #tpu.dot_dimension_numbers<[1], [0], [0], [1], [0, 0, 1, 1], [], []>, transpose_lhs_hint = false} : vector<32x128xf32>, vector<128x128xf32>, vector<32x128xf32> -> vector<32x128xf32>
    %slice3A_183 = vector.extract_strided_slice %dot_general3A_182 {offsets = [0, 127], sizes = [32, 1], strides = [1, 1]} : vector<32x128xf32> to vector<32x1xf32>
    %broadcast_in_dim3A_184 = vector.shape_cast %slice3A_183 : vector<32x1xf32> to vector<32x1xf32>
    %broadcast_in_dim3A_185 = vector.broadcast %broadcast_in_dim3A_184 : vector<32x1xf32> to vector<32x128xf32>
    %dot_general3A_186 = arith.constant dense<0.000000e+00> : vector<32x128xf32>
    %dot_general3A_187 = tpu.matmul %convert_element_type3A_7, %broadcast_in_dim3A_185, %dot_general3A_186 {dimension_numbers = #tpu.dot_dimension_numbers<[1], [0], [0], [1], [0, 0, 1, 1], [], []>, transpose_lhs_hint = false} : vector<32x32xf32>, vector<32x128xf32>, vector<32x128xf32> -> vector<32x128xf32>
    %sub3A_188 = arith.subf %dot_general3A_182, %convert_element_type3A_180 : vector<32x128xf32>
    %add3A_189 = arith.addf %sub3A_188, %dot_general3A_187 : vector<32x128xf32>
    %reduce_sum3A_190 = vector.shape_cast %convert_element_type3A_180 : vector<32x128xf32> to vector<1x32x128xf32>
    %reduce_sum3A_191 = arith.constant dense<0.000000e+00> : vector<1xf32>
    %reduce_sum3A_192 = vector.multi_reduction <add>, %reduce_sum3A_190, %reduce_sum3A_191 [1, 2] : vector<1x32x128xf32> to vector<1xf32>
    %reduce_sum3A_193 = vector.shape_cast %reduce_sum3A_192 : vector<1xf32> to vector<1x1x1xf32>
    %reduce_sum3A_194 = vector.extract %reduce_sum3A_193[0, 0, 0] : f32 from vector<1x1x1xf32>
    %mul3A_195 = arith.constant 2.560000e+02 : f32
    %mul3A_196 = arith.mulf %add3A_175, %mul3A_195 : f32
    %add3A_197 = vector.broadcast %mul3A_196 : f32 to vector<32x128xf32>
    %add3A_198 = arith.addf %add3A_197, %add3A_189 : vector<32x128xf32>
    %mul3A_199 = arith.mulf %convert_element_type3A_180, %add3A_198 : vector<32x128xf32>
    %add3A_200 = arith.addf %add3A_171, %mul3A_199 : vector<32x128xf32>
    %div3A_201 = arith.constant 2.560000e+02 : f32
    %div3A_202 = arith.divf %reduce_sum3A_194, %div3A_201 : f32
    %ceil3A_203 = math.ceil %div3A_202 : f32
    %add3A_204 = arith.addf %add3A_175, %ceil3A_203 : f32
    %eq3A_205 = arith.constant 7 : i32
    %eq3A_206 = vector.broadcast %eq3A_205 : i32 to vector<32x128xi32>
    %eq3A_207 = arith.cmpi eq, %get3A_1, %eq3A_206 : vector<32x128xi32>
    %convert_element_type3A_208 = arith.extui %eq3A_207 : vector<32x128xi1> to vector<32x128xi32>
    %convert_element_type3A_209 = arith.sitofp %convert_element_type3A_208 : vector<32x128xi32> to vector<32x128xf32>
    %dot_general3A_210 = arith.constant dense<0.000000e+00> : vector<32x128xf32>
    %dot_general3A_211 = tpu.matmul %convert_element_type3A_209, %convert_element_type3A_3, %dot_general3A_210 {dimension_numbers = #tpu.dot_dimension_numbers<[1], [0], [0], [1], [0, 0, 1, 1], [], []>, transpose_lhs_hint = false} : vector<32x128xf32>, vector<128x128xf32>, vector<32x128xf32> -> vector<32x128xf32>
    %slice3A_212 = vector.extract_strided_slice %dot_general3A_211 {offsets = [0, 127], sizes = [32, 1], strides = [1, 1]} : vector<32x128xf32> to vector<32x1xf32>
    %broadcast_in_dim3A_213 = vector.shape_cast %slice3A_212 : vector<32x1xf32> to vector<32x1xf32>
    %broadcast_in_dim3A_214 = vector.broadcast %broadcast_in_dim3A_213 : vector<32x1xf32> to vector<32x128xf32>
    %dot_general3A_215 = arith.constant dense<0.000000e+00> : vector<32x128xf32>
    %dot_general3A_216 = tpu.matmul %convert_element_type3A_7, %broadcast_in_dim3A_214, %dot_general3A_215 {dimension_numbers = #tpu.dot_dimension_numbers<[1], [0], [0], [1], [0, 0, 1, 1], [], []>, transpose_lhs_hint = false} : vector<32x32xf32>, vector<32x128xf32>, vector<32x128xf32> -> vector<32x128xf32>
    %sub3A_217 = arith.subf %dot_general3A_211, %convert_element_type3A_209 : vector<32x128xf32>
    %add3A_218 = arith.addf %sub3A_217, %dot_general3A_216 : vector<32x128xf32>
    %reduce_sum3A_219 = vector.shape_cast %convert_element_type3A_209 : vector<32x128xf32> to vector<1x32x128xf32>
    %reduce_sum3A_220 = arith.constant dense<0.000000e+00> : vector<1xf32>
    %reduce_sum3A_221 = vector.multi_reduction <add>, %reduce_sum3A_219, %reduce_sum3A_220 [1, 2] : vector<1x32x128xf32> to vector<1xf32>
    %reduce_sum3A_222 = vector.shape_cast %reduce_sum3A_221 : vector<1xf32> to vector<1x1x1xf32>
    %reduce_sum3A_223 = vector.extract %reduce_sum3A_222[0, 0, 0] : f32 from vector<1x1x1xf32>
    %mul3A_224 = arith.constant 2.560000e+02 : f32
    %mul3A_225 = arith.mulf %add3A_204, %mul3A_224 : f32
    %add3A_226 = vector.broadcast %mul3A_225 : f32 to vector<32x128xf32>
    %add3A_227 = arith.addf %add3A_226, %add3A_218 : vector<32x128xf32>
    %mul3A_228 = arith.mulf %convert_element_type3A_209, %add3A_227 : vector<32x128xf32>
    %add3A_229 = arith.addf %add3A_200, %mul3A_228 : vector<32x128xf32>
    %div3A_230 = arith.constant 2.560000e+02 : f32
    %div3A_231 = arith.divf %reduce_sum3A_223, %div3A_230 : f32
    %ceil3A_232 = math.ceil %div3A_231 : f32
    %add3A_233 = arith.addf %add3A_204, %ceil3A_232 : f32
    %iota3A_234 = tpu.iota {dimensions = array<i32: 1>} : vector<1x128xi32>
    %convert_element_type3A_235 = arith.sitofp %iota3A_234 : vector<1x128xi32> to vector<1x128xf32>
    %sub3A_236 = arith.constant 1.000000e+00 : f32
    %sub3A_237 = arith.subf %add3A_233, %sub3A_236 : f32
    %min3A = vector.broadcast %sub3A_237 : f32 to vector<1x128xf32>
    %min3A_238 = arith.minimumf %convert_element_type3A_235, %min3A : vector<1x128xf32>
    %broadcast_in_dim3A_239 = arith.constant 1.000000e+00 : f32
    %broadcast_in_dim3A_240 = vector.broadcast %broadcast_in_dim3A_239 : f32 to vector<1x128xf32>
    %neg3A = arith.constant 0.000000e+00 : f32
    %neg3A_241 = vector.broadcast %neg3A : f32 to vector<1x128xf32>
    %neg3A_242 = arith.subf %neg3A_241, %broadcast_in_dim3A_240 : vector<1x128xf32>
    %ge3A = arith.constant 0.000000e+00 : f32
    %ge3A_243 = vector.broadcast %ge3A : f32 to vector<1x128xf32>
    %ge3A_244 = arith.cmpf oge, %min3A_238, %ge3A_243 : vector<1x128xf32>
    %convert_element_type3A_245 = arith.extui %ge3A_244 : vector<1x128xi1> to vector<1x128xi32>
    %convert_element_type3A_246 = arith.sitofp %convert_element_type3A_245 : vector<1x128xi32> to vector<1x128xf32>
    %add3A_247 = arith.addf %neg3A_242, %convert_element_type3A_246 : vector<1x128xf32>
    %ge3A_248 = vector.broadcast %add3A_30 : f32 to vector<1x128xf32>
    %ge3A_249 = arith.cmpf oge, %min3A_238, %ge3A_248 : vector<1x128xf32>
    %convert_element_type3A_250 = arith.extui %ge3A_249 : vector<1x128xi1> to vector<1x128xi32>
    %convert_element_type3A_251 = arith.sitofp %convert_element_type3A_250 : vector<1x128xi32> to vector<1x128xf32>
    %add3A_252 = arith.addf %add3A_247, %convert_element_type3A_251 : vector<1x128xf32>
    %ge3A_253 = vector.broadcast %add3A_59 : f32 to vector<1x128xf32>
    %ge3A_254 = arith.cmpf oge, %min3A_238, %ge3A_253 : vector<1x128xf32>
    %convert_element_type3A_255 = arith.extui %ge3A_254 : vector<1x128xi1> to vector<1x128xi32>
    %convert_element_type3A_256 = arith.sitofp %convert_element_type3A_255 : vector<1x128xi32> to vector<1x128xf32>
    %add3A_257 = arith.addf %add3A_252, %convert_element_type3A_256 : vector<1x128xf32>
    %ge3A_258 = vector.broadcast %add3A_88 : f32 to vector<1x128xf32>
    %ge3A_259 = arith.cmpf oge, %min3A_238, %ge3A_258 : vector<1x128xf32>
    %convert_element_type3A_260 = arith.extui %ge3A_259 : vector<1x128xi1> to vector<1x128xi32>
    %convert_element_type3A_261 = arith.sitofp %convert_element_type3A_260 : vector<1x128xi32> to vector<1x128xf32>
    %add3A_262 = arith.addf %add3A_257, %convert_element_type3A_261 : vector<1x128xf32>
    %ge3A_263 = vector.broadcast %add3A_117 : f32 to vector<1x128xf32>
    %ge3A_264 = arith.cmpf oge, %min3A_238, %ge3A_263 : vector<1x128xf32>
    %convert_element_type3A_265 = arith.extui %ge3A_264 : vector<1x128xi1> to vector<1x128xi32>
    %convert_element_type3A_266 = arith.sitofp %convert_element_type3A_265 : vector<1x128xi32> to vector<1x128xf32>
    %add3A_267 = arith.addf %add3A_262, %convert_element_type3A_266 : vector<1x128xf32>
    %ge3A_268 = vector.broadcast %add3A_146 : f32 to vector<1x128xf32>
    %ge3A_269 = arith.cmpf oge, %min3A_238, %ge3A_268 : vector<1x128xf32>
    %convert_element_type3A_270 = arith.extui %ge3A_269 : vector<1x128xi1> to vector<1x128xi32>
    %convert_element_type3A_271 = arith.sitofp %convert_element_type3A_270 : vector<1x128xi32> to vector<1x128xf32>
    %add3A_272 = arith.addf %add3A_267, %convert_element_type3A_271 : vector<1x128xf32>
    %ge3A_273 = vector.broadcast %add3A_175 : f32 to vector<1x128xf32>
    %ge3A_274 = arith.cmpf oge, %min3A_238, %ge3A_273 : vector<1x128xf32>
    %convert_element_type3A_275 = arith.extui %ge3A_274 : vector<1x128xi1> to vector<1x128xi32>
    %convert_element_type3A_276 = arith.sitofp %convert_element_type3A_275 : vector<1x128xi32> to vector<1x128xf32>
    %add3A_277 = arith.addf %add3A_272, %convert_element_type3A_276 : vector<1x128xf32>
    %ge3A_278 = vector.broadcast %add3A_204 : f32 to vector<1x128xf32>
    %ge3A_279 = arith.cmpf oge, %min3A_238, %ge3A_278 : vector<1x128xf32>
    %convert_element_type3A_280 = arith.extui %ge3A_279 : vector<1x128xi1> to vector<1x128xi32>
    %convert_element_type3A_281 = arith.sitofp %convert_element_type3A_280 : vector<1x128xi32> to vector<1x128xf32>
    %add3A_282 = arith.addf %add3A_277, %convert_element_type3A_281 : vector<1x128xf32>
    %lt3A_283 = vector.broadcast %add3A_233 : f32 to vector<1x128xf32>
    %lt3A_284 = arith.cmpf olt, %convert_element_type3A_235, %lt3A_283 : vector<1x128xf32>
    %convert_element_type3A_285 = arith.extui %lt3A_284 : vector<1x128xi1> to vector<1x128xi32>
    %convert_element_type3A_286 = arith.sitofp %convert_element_type3A_285 : vector<1x128xi32> to vector<1x128xf32>
    %sub3A_287 = arith.constant 1.000000e+00 : f32
    %sub3A_288 = vector.broadcast %sub3A_287 : f32 to vector<1x128xf32>
    %sub3A_289 = arith.subf %convert_element_type3A_235, %sub3A_288 : vector<1x128xf32>
    %sub3A_290 = arith.constant 1.000000e+00 : f32
    %sub3A_291 = arith.subf %add3A_233, %sub3A_290 : f32
    %min3A_292 = vector.broadcast %sub3A_291 : f32 to vector<1x128xf32>
    %min3A_293 = arith.minimumf %sub3A_289, %min3A_292 : vector<1x128xf32>
    %broadcast_in_dim3A_294 = arith.constant 1.000000e+00 : f32
    %broadcast_in_dim3A_295 = vector.broadcast %broadcast_in_dim3A_294 : f32 to vector<1x128xf32>
    %neg3A_296 = arith.constant 0.000000e+00 : f32
    %neg3A_297 = vector.broadcast %neg3A_296 : f32 to vector<1x128xf32>
    %neg3A_298 = arith.subf %neg3A_297, %broadcast_in_dim3A_295 : vector<1x128xf32>
    %ge3A_299 = arith.constant 0.000000e+00 : f32
    %ge3A_300 = vector.broadcast %ge3A_299 : f32 to vector<1x128xf32>
    %ge3A_301 = arith.cmpf oge, %min3A_293, %ge3A_300 : vector<1x128xf32>
    %convert_element_type3A_302 = arith.extui %ge3A_301 : vector<1x128xi1> to vector<1x128xi32>
    %convert_element_type3A_303 = arith.sitofp %convert_element_type3A_302 : vector<1x128xi32> to vector<1x128xf32>
    %add3A_304 = arith.addf %neg3A_298, %convert_element_type3A_303 : vector<1x128xf32>
    %ge3A_305 = vector.broadcast %add3A_30 : f32 to vector<1x128xf32>
    %ge3A_306 = arith.cmpf oge, %min3A_293, %ge3A_305 : vector<1x128xf32>
    %convert_element_type3A_307 = arith.extui %ge3A_306 : vector<1x128xi1> to vector<1x128xi32>
    %convert_element_type3A_308 = arith.sitofp %convert_element_type3A_307 : vector<1x128xi32> to vector<1x128xf32>
    %add3A_309 = arith.addf %add3A_304, %convert_element_type3A_308 : vector<1x128xf32>
    %ge3A_310 = vector.broadcast %add3A_59 : f32 to vector<1x128xf32>
    %ge3A_311 = arith.cmpf oge, %min3A_293, %ge3A_310 : vector<1x128xf32>
    %convert_element_type3A_312 = arith.extui %ge3A_311 : vector<1x128xi1> to vector<1x128xi32>
    %convert_element_type3A_313 = arith.sitofp %convert_element_type3A_312 : vector<1x128xi32> to vector<1x128xf32>
    %add3A_314 = arith.addf %add3A_309, %convert_element_type3A_313 : vector<1x128xf32>
    %ge3A_315 = vector.broadcast %add3A_88 : f32 to vector<1x128xf32>
    %ge3A_316 = arith.cmpf oge, %min3A_293, %ge3A_315 : vector<1x128xf32>
    %convert_element_type3A_317 = arith.extui %ge3A_316 : vector<1x128xi1> to vector<1x128xi32>
    %convert_element_type3A_318 = arith.sitofp %convert_element_type3A_317 : vector<1x128xi32> to vector<1x128xf32>
    %add3A_319 = arith.addf %add3A_314, %convert_element_type3A_318 : vector<1x128xf32>
    %ge3A_320 = vector.broadcast %add3A_117 : f32 to vector<1x128xf32>
    %ge3A_321 = arith.cmpf oge, %min3A_293, %ge3A_320 : vector<1x128xf32>
    %convert_element_type3A_322 = arith.extui %ge3A_321 : vector<1x128xi1> to vector<1x128xi32>
    %convert_element_type3A_323 = arith.sitofp %convert_element_type3A_322 : vector<1x128xi32> to vector<1x128xf32>
    %add3A_324 = arith.addf %add3A_319, %convert_element_type3A_323 : vector<1x128xf32>
    %ge3A_325 = vector.broadcast %add3A_146 : f32 to vector<1x128xf32>
    %ge3A_326 = arith.cmpf oge, %min3A_293, %ge3A_325 : vector<1x128xf32>
    %convert_element_type3A_327 = arith.extui %ge3A_326 : vector<1x128xi1> to vector<1x128xi32>
    %convert_element_type3A_328 = arith.sitofp %convert_element_type3A_327 : vector<1x128xi32> to vector<1x128xf32>
    %add3A_329 = arith.addf %add3A_324, %convert_element_type3A_328 : vector<1x128xf32>
    %ge3A_330 = vector.broadcast %add3A_175 : f32 to vector<1x128xf32>
    %ge3A_331 = arith.cmpf oge, %min3A_293, %ge3A_330 : vector<1x128xf32>
    %convert_element_type3A_332 = arith.extui %ge3A_331 : vector<1x128xi1> to vector<1x128xi32>
    %convert_element_type3A_333 = arith.sitofp %convert_element_type3A_332 : vector<1x128xi32> to vector<1x128xf32>
    %add3A_334 = arith.addf %add3A_329, %convert_element_type3A_333 : vector<1x128xf32>
    %ge3A_335 = vector.broadcast %add3A_204 : f32 to vector<1x128xf32>
    %ge3A_336 = arith.cmpf oge, %min3A_293, %ge3A_335 : vector<1x128xf32>
    %convert_element_type3A_337 = arith.extui %ge3A_336 : vector<1x128xi1> to vector<1x128xi32>
    %convert_element_type3A_338 = arith.sitofp %convert_element_type3A_337 : vector<1x128xi32> to vector<1x128xf32>
    %add3A_339 = arith.addf %add3A_334, %convert_element_type3A_338 : vector<1x128xf32>
    %ne3A = arith.cmpf one, %add3A_339, %add3A_282 : vector<1x128xf32>
    %lt3A_340 = vector.broadcast %add3A_233 : f32 to vector<1x128xf32>
    %lt3A_341 = arith.cmpf olt, %convert_element_type3A_235, %lt3A_340 : vector<1x128xf32>
    %and3A = arith.andi %ne3A, %lt3A_341 : vector<1x128xi1>
    %convert_element_type3A_342 = arith.extui %and3A : vector<1x128xi1> to vector<1x128xi32>
    %convert_element_type3A_343 = arith.sitofp %convert_element_type3A_342 : vector<1x128xi32> to vector<1x128xf32>
    %dot_general3A_344 = arith.constant dense<0.000000e+00> : vector<1x128xf32>
    %dot_general3A_345 = tpu.matmul %convert_element_type3A_343, %convert_element_type3A_3, %dot_general3A_344 {dimension_numbers = #tpu.dot_dimension_numbers<[1], [0], [0], [1], [0, 0, 1, 1], [], []>, transpose_lhs_hint = false} : vector<1x128xf32>, vector<128x128xf32>, vector<1x128xf32> -> vector<1x128xf32>
    %mul3A_346 = arith.constant 5.000000e-01 : f32
    %mul3A_347 = vector.broadcast %mul3A_346 : f32 to vector<1x128xf32>
    %mul3A_348 = arith.mulf %dot_general3A_345, %mul3A_347 : vector<1x128xf32>
    %floor3A = math.floor %mul3A_348 : vector<1x128xf32>
    %mul3A_349 = arith.constant 2.000000e+00 : f32
    %mul3A_350 = vector.broadcast %mul3A_349 : f32 to vector<1x128xf32>
    %mul3A_351 = arith.mulf %mul3A_350, %floor3A : vector<1x128xf32>
    %sub3A_352 = arith.subf %dot_general3A_345, %mul3A_351 : vector<1x128xf32>
    %broadcast_in_dim3A_353 = arith.constant 9.990000e+02 : f32
    %broadcast_in_dim3A_354 = vector.broadcast %broadcast_in_dim3A_353 : f32 to vector<1x128xf32>
    %gt3A = arith.constant 0.000000e+00 : f32
    %gt3A_355 = vector.broadcast %gt3A : f32 to vector<1x128xf32>
    %gt3A_356 = arith.cmpf ogt, %gt3A_355, %min3A_238 : vector<1x128xf32>
    %jit3A = arith.constant 0.000000e+00 : f32
    %jit3A_357 = arith.constant 9.990000e+02 : f32
    %broadcast_in_dim3A_358 = vector.broadcast %jit3A : f32 to vector<1x128xf32>
    %broadcast_in_dim3A_359 = vector.broadcast %jit3A_357 : f32 to vector<1x128xf32>
    %select_n3A = arith.select %gt3A_356, %broadcast_in_dim3A_358, %broadcast_in_dim3A_359 : vector<1x128xi1>, vector<1x128xf32>
    %min3A_360 = arith.minimumf %broadcast_in_dim3A_354, %select_n3A : vector<1x128xf32>
    %gt3A_361 = vector.broadcast %add3A_30 : f32 to vector<1x128xf32>
    %gt3A_362 = arith.cmpf ogt, %gt3A_361, %min3A_238 : vector<1x128xf32>
    %jit3A_363 = arith.constant 9.990000e+02 : f32
    %broadcast_in_dim3A_364 = vector.broadcast %add3A_30 : f32 to vector<1x128xf32>
    %broadcast_in_dim3A_365 = vector.broadcast %jit3A_363 : f32 to vector<1x128xf32>
    %select_n3A_366 = arith.select %gt3A_362, %broadcast_in_dim3A_364, %broadcast_in_dim3A_365 : vector<1x128xi1>, vector<1x128xf32>
    %min3A_367 = arith.minimumf %min3A_360, %select_n3A_366 : vector<1x128xf32>
    %gt3A_368 = vector.broadcast %add3A_59 : f32 to vector<1x128xf32>
    %gt3A_369 = arith.cmpf ogt, %gt3A_368, %min3A_238 : vector<1x128xf32>
    %jit3A_370 = arith.constant 9.990000e+02 : f32
    %broadcast_in_dim3A_371 = vector.broadcast %add3A_59 : f32 to vector<1x128xf32>
    %broadcast_in_dim3A_372 = vector.broadcast %jit3A_370 : f32 to vector<1x128xf32>
    %select_n3A_373 = arith.select %gt3A_369, %broadcast_in_dim3A_371, %broadcast_in_dim3A_372 : vector<1x128xi1>, vector<1x128xf32>
    %min3A_374 = arith.minimumf %min3A_367, %select_n3A_373 : vector<1x128xf32>
    %gt3A_375 = vector.broadcast %add3A_88 : f32 to vector<1x128xf32>
    %gt3A_376 = arith.cmpf ogt, %gt3A_375, %min3A_238 : vector<1x128xf32>
    %jit3A_377 = arith.constant 9.990000e+02 : f32
    %broadcast_in_dim3A_378 = vector.broadcast %add3A_88 : f32 to vector<1x128xf32>
    %broadcast_in_dim3A_379 = vector.broadcast %jit3A_377 : f32 to vector<1x128xf32>
    %select_n3A_380 = arith.select %gt3A_376, %broadcast_in_dim3A_378, %broadcast_in_dim3A_379 : vector<1x128xi1>, vector<1x128xf32>
    %min3A_381 = arith.minimumf %min3A_374, %select_n3A_380 : vector<1x128xf32>
    %gt3A_382 = vector.broadcast %add3A_117 : f32 to vector<1x128xf32>
    %gt3A_383 = arith.cmpf ogt, %gt3A_382, %min3A_238 : vector<1x128xf32>
    %jit3A_384 = arith.constant 9.990000e+02 : f32
    %broadcast_in_dim3A_385 = vector.broadcast %add3A_117 : f32 to vector<1x128xf32>
    %broadcast_in_dim3A_386 = vector.broadcast %jit3A_384 : f32 to vector<1x128xf32>
    %select_n3A_387 = arith.select %gt3A_383, %broadcast_in_dim3A_385, %broadcast_in_dim3A_386 : vector<1x128xi1>, vector<1x128xf32>
    %min3A_388 = arith.minimumf %min3A_381, %select_n3A_387 : vector<1x128xf32>
    %gt3A_389 = vector.broadcast %add3A_146 : f32 to vector<1x128xf32>
    %gt3A_390 = arith.cmpf ogt, %gt3A_389, %min3A_238 : vector<1x128xf32>
    %jit3A_391 = arith.constant 9.990000e+02 : f32
    %broadcast_in_dim3A_392 = vector.broadcast %add3A_146 : f32 to vector<1x128xf32>
    %broadcast_in_dim3A_393 = vector.broadcast %jit3A_391 : f32 to vector<1x128xf32>
    %select_n3A_394 = arith.select %gt3A_390, %broadcast_in_dim3A_392, %broadcast_in_dim3A_393 : vector<1x128xi1>, vector<1x128xf32>
    %min3A_395 = arith.minimumf %min3A_388, %select_n3A_394 : vector<1x128xf32>
    %gt3A_396 = vector.broadcast %add3A_175 : f32 to vector<1x128xf32>
    %gt3A_397 = arith.cmpf ogt, %gt3A_396, %min3A_238 : vector<1x128xf32>
    %jit3A_398 = arith.constant 9.990000e+02 : f32
    %broadcast_in_dim3A_399 = vector.broadcast %add3A_175 : f32 to vector<1x128xf32>
    %broadcast_in_dim3A_400 = vector.broadcast %jit3A_398 : f32 to vector<1x128xf32>
    %select_n3A_401 = arith.select %gt3A_397, %broadcast_in_dim3A_399, %broadcast_in_dim3A_400 : vector<1x128xi1>, vector<1x128xf32>
    %min3A_402 = arith.minimumf %min3A_395, %select_n3A_401 : vector<1x128xf32>
    %gt3A_403 = vector.broadcast %add3A_204 : f32 to vector<1x128xf32>
    %gt3A_404 = arith.cmpf ogt, %gt3A_403, %min3A_238 : vector<1x128xf32>
    %jit3A_405 = arith.constant 9.990000e+02 : f32
    %broadcast_in_dim3A_406 = vector.broadcast %add3A_204 : f32 to vector<1x128xf32>
    %broadcast_in_dim3A_407 = vector.broadcast %jit3A_405 : f32 to vector<1x128xf32>
    %select_n3A_408 = arith.select %gt3A_404, %broadcast_in_dim3A_406, %broadcast_in_dim3A_407 : vector<1x128xi1>, vector<1x128xf32>
    %min3A_409 = arith.minimumf %min3A_402, %select_n3A_408 : vector<1x128xf32>
    %lt3A_410 = vector.broadcast %add3A_233 : f32 to vector<1x128xf32>
    %lt3A_411 = arith.cmpf olt, %min3A_409, %lt3A_410 : vector<1x128xf32>
    %convert_element_type3A_412 = arith.extui %lt3A_411 : vector<1x128xi1> to vector<1x128xi32>
    %convert_element_type3A_413 = arith.sitofp %convert_element_type3A_412 : vector<1x128xi32> to vector<1x128xf32>
    %sub3A_414 = arith.constant 1.000000e+00 : f32
    %sub3A_415 = arith.subf %add3A_233, %sub3A_414 : f32
    %min3A_416 = vector.broadcast %sub3A_415 : f32 to vector<1x128xf32>
    %min3A_417 = arith.minimumf %min3A_409, %min3A_416 : vector<1x128xf32>
    %broadcast_in_dim3A_418 = arith.constant 1.000000e+00 : f32
    %broadcast_in_dim3A_419 = vector.broadcast %broadcast_in_dim3A_418 : f32 to vector<1x128xf32>
    %neg3A_420 = arith.constant 0.000000e+00 : f32
    %neg3A_421 = vector.broadcast %neg3A_420 : f32 to vector<1x128xf32>
    %neg3A_422 = arith.subf %neg3A_421, %broadcast_in_dim3A_419 : vector<1x128xf32>
    %ge3A_423 = arith.constant 0.000000e+00 : f32
    %ge3A_424 = vector.broadcast %ge3A_423 : f32 to vector<1x128xf32>
    %ge3A_425 = arith.cmpf oge, %min3A_417, %ge3A_424 : vector<1x128xf32>
    %convert_element_type3A_426 = arith.extui %ge3A_425 : vector<1x128xi1> to vector<1x128xi32>
    %convert_element_type3A_427 = arith.sitofp %convert_element_type3A_426 : vector<1x128xi32> to vector<1x128xf32>
    %add3A_428 = arith.addf %neg3A_422, %convert_element_type3A_427 : vector<1x128xf32>
    %ge3A_429 = vector.broadcast %add3A_30 : f32 to vector<1x128xf32>
    %ge3A_430 = arith.cmpf oge, %min3A_417, %ge3A_429 : vector<1x128xf32>
    %convert_element_type3A_431 = arith.extui %ge3A_430 : vector<1x128xi1> to vector<1x128xi32>
    %convert_element_type3A_432 = arith.sitofp %convert_element_type3A_431 : vector<1x128xi32> to vector<1x128xf32>
    %add3A_433 = arith.addf %add3A_428, %convert_element_type3A_432 : vector<1x128xf32>
    %ge3A_434 = vector.broadcast %add3A_59 : f32 to vector<1x128xf32>
    %ge3A_435 = arith.cmpf oge, %min3A_417, %ge3A_434 : vector<1x128xf32>
    %convert_element_type3A_436 = arith.extui %ge3A_435 : vector<1x128xi1> to vector<1x128xi32>
    %convert_element_type3A_437 = arith.sitofp %convert_element_type3A_436 : vector<1x128xi32> to vector<1x128xf32>
    %add3A_438 = arith.addf %add3A_433, %convert_element_type3A_437 : vector<1x128xf32>
    %ge3A_439 = vector.broadcast %add3A_88 : f32 to vector<1x128xf32>
    %ge3A_440 = arith.cmpf oge, %min3A_417, %ge3A_439 : vector<1x128xf32>
    %convert_element_type3A_441 = arith.extui %ge3A_440 : vector<1x128xi1> to vector<1x128xi32>
    %convert_element_type3A_442 = arith.sitofp %convert_element_type3A_441 : vector<1x128xi32> to vector<1x128xf32>
    %add3A_443 = arith.addf %add3A_438, %convert_element_type3A_442 : vector<1x128xf32>
    %ge3A_444 = vector.broadcast %add3A_117 : f32 to vector<1x128xf32>
    %ge3A_445 = arith.cmpf oge, %min3A_417, %ge3A_444 : vector<1x128xf32>
    %convert_element_type3A_446 = arith.extui %ge3A_445 : vector<1x128xi1> to vector<1x128xi32>
    %convert_element_type3A_447 = arith.sitofp %convert_element_type3A_446 : vector<1x128xi32> to vector<1x128xf32>
    %add3A_448 = arith.addf %add3A_443, %convert_element_type3A_447 : vector<1x128xf32>
    %ge3A_449 = vector.broadcast %add3A_146 : f32 to vector<1x128xf32>
    %ge3A_450 = arith.cmpf oge, %min3A_417, %ge3A_449 : vector<1x128xf32>
    %convert_element_type3A_451 = arith.extui %ge3A_450 : vector<1x128xi1> to vector<1x128xi32>
    %convert_element_type3A_452 = arith.sitofp %convert_element_type3A_451 : vector<1x128xi32> to vector<1x128xf32>
    %add3A_453 = arith.addf %add3A_448, %convert_element_type3A_452 : vector<1x128xf32>
    %ge3A_454 = vector.broadcast %add3A_175 : f32 to vector<1x128xf32>
    %ge3A_455 = arith.cmpf oge, %min3A_417, %ge3A_454 : vector<1x128xf32>
    %convert_element_type3A_456 = arith.extui %ge3A_455 : vector<1x128xi1> to vector<1x128xi32>
    %convert_element_type3A_457 = arith.sitofp %convert_element_type3A_456 : vector<1x128xi32> to vector<1x128xf32>
    %add3A_458 = arith.addf %add3A_453, %convert_element_type3A_457 : vector<1x128xf32>
    %ge3A_459 = vector.broadcast %add3A_204 : f32 to vector<1x128xf32>
    %ge3A_460 = arith.cmpf oge, %min3A_417, %ge3A_459 : vector<1x128xf32>
    %convert_element_type3A_461 = arith.extui %ge3A_460 : vector<1x128xi1> to vector<1x128xi32>
    %convert_element_type3A_462 = arith.sitofp %convert_element_type3A_461 : vector<1x128xi32> to vector<1x128xf32>
    %add3A_463 = arith.addf %add3A_458, %convert_element_type3A_462 : vector<1x128xf32>
    %convert_element_type3A_464 = arith.fptosi %add3A_229 : vector<32x128xf32> to vector<32x128xi32>
    %swap3A = arith.constant 0 : index
    %swap3A_465 = arith.constant 0 : index
    %swap3A_466 = vector.load %arg1[%swap3A, %swap3A_465] : memref<32x128xi32, #tpu.memory_space<vmem>>, vector<32x128xi32>
    tpu.vector_store %arg1[%swap3A, %swap3A_465], %convert_element_type3A_464 {strides = array<i32>} : memref<32x128xi32, #tpu.memory_space<vmem>>, vector<32x128xi32>,
    %iota3A_467 = tpu.iota {dimensions = array<i32: 0>} : vector<8x128xi32>
    %broadcast_in_dim3A_468 = arith.constant 0.000000e+00 : f32
    %broadcast_in_dim3A_469 = vector.broadcast %broadcast_in_dim3A_468 : f32 to vector<8x128xf32>
    %eq3A_470 = arith.constant 0 : i32
    %eq3A_471 = vector.broadcast %eq3A_470 : i32 to vector<8x128xi32>
    %eq3A_472 = arith.cmpi eq, %iota3A_467, %eq3A_471 : vector<8x128xi32>
    %broadcast_in_dim3A_473 = vector.shape_cast %add3A_282 : vector<1x128xf32> to vector<1x128xf32>
    %broadcast_in_dim3A_474 = vector.broadcast %broadcast_in_dim3A_473 : vector<1x128xf32> to vector<8x128xf32>
    %select_n3A_475 = arith.select %eq3A_472, %broadcast_in_dim3A_474, %broadcast_in_dim3A_469 : vector<8x128xi1>, vector<8x128xf32>
    %eq3A_476 = arith.constant 1 : i32
    %eq3A_477 = vector.broadcast %eq3A_476 : i32 to vector<8x128xi32>
    %eq3A_478 = arith.cmpi eq, %iota3A_467, %eq3A_477 : vector<8x128xi32>
    %broadcast_in_dim3A_479 = vector.shape_cast %convert_element_type3A_286 : vector<1x128xf32> to vector<1x128xf32>
    %broadcast_in_dim3A_480 = vector.broadcast %broadcast_in_dim3A_479 : vector<1x128xf32> to vector<8x128xf32>
    %select_n3A_481 = arith.select %eq3A_478, %broadcast_in_dim3A_480, %select_n3A_475 : vector<8x128xi1>, vector<8x128xf32>
    %eq3A_482 = arith.constant 2 : i32
    %eq3A_483 = vector.broadcast %eq3A_482 : i32 to vector<8x128xi32>
    %eq3A_484 = arith.cmpi eq, %iota3A_467, %eq3A_483 : vector<8x128xi32>
    %broadcast_in_dim3A_485 = vector.shape_cast %convert_element_type3A_343 : vector<1x128xf32> to vector<1x128xf32>
    %broadcast_in_dim3A_486 = vector.broadcast %broadcast_in_dim3A_485 : vector<1x128xf32> to vector<8x128xf32>
    %select_n3A_487 = arith.select %eq3A_484, %broadcast_in_dim3A_486, %select_n3A_481 : vector<8x128xi1>, vector<8x128xf32>
    %eq3A_488 = arith.constant 3 : i32
    %eq3A_489 = vector.broadcast %eq3A_488 : i32 to vector<8x128xi32>
    %eq3A_490 = arith.cmpi eq, %iota3A_467, %eq3A_489 : vector<8x128xi32>
    %broadcast_in_dim3A_491 = vector.shape_cast %sub3A_352 : vector<1x128xf32> to vector<1x128xf32>
    %broadcast_in_dim3A_492 = vector.broadcast %broadcast_in_dim3A_491 : vector<1x128xf32> to vector<8x128xf32>
    %select_n3A_493 = arith.select %eq3A_490, %broadcast_in_dim3A_492, %select_n3A_487 : vector<8x128xi1>, vector<8x128xf32>
    %eq3A_494 = arith.constant 4 : i32
    %eq3A_495 = vector.broadcast %eq3A_494 : i32 to vector<8x128xi32>
    %eq3A_496 = arith.cmpi eq, %iota3A_467, %eq3A_495 : vector<8x128xi32>
    %broadcast_in_dim3A_497 = vector.shape_cast %add3A_463 : vector<1x128xf32> to vector<1x128xf32>
    %broadcast_in_dim3A_498 = vector.broadcast %broadcast_in_dim3A_497 : vector<1x128xf32> to vector<8x128xf32>
    %select_n3A_499 = arith.select %eq3A_496, %broadcast_in_dim3A_498, %select_n3A_493 : vector<8x128xi1>, vector<8x128xf32>
    %eq3A_500 = arith.constant 5 : i32
    %eq3A_501 = vector.broadcast %eq3A_500 : i32 to vector<8x128xi32>
    %eq3A_502 = arith.cmpi eq, %iota3A_467, %eq3A_501 : vector<8x128xi32>
    %broadcast_in_dim3A_503 = vector.shape_cast %convert_element_type3A_413 : vector<1x128xf32> to vector<1x128xf32>
    %broadcast_in_dim3A_504 = vector.broadcast %broadcast_in_dim3A_503 : vector<1x128xf32> to vector<8x128xf32>
    %select_n3A_505 = arith.select %eq3A_502, %broadcast_in_dim3A_504, %select_n3A_499 : vector<8x128xi1>, vector<8x128xf32>
    %convert_element_type3A_506 = arith.fptosi %select_n3A_505 : vector<8x128xf32> to vector<8x128xi32>
    %swap3A_507 = arith.constant 0 : index
    %swap3A_508 = arith.constant 0 : index
    %swap3A_509 = vector.load %arg2[%swap3A_507, %swap3A_508] : memref<8x128xi32, #tpu.memory_space<vmem>>, vector<8x128xi32>
    tpu.vector_store %arg2[%swap3A_507, %swap3A_508], %convert_element_type3A_506 {strides = array<i32>} : memref<8x128xi32, #tpu.memory_space<vmem>>, vector<8x128xi32>,
    return
  }
}

module attributes {stable_mosaic.version = 14 : i64} {
  func.func @_router_body(%arg0: i32, %arg1: memref<256x2048xf32, #tpu.memory_space<vmem>>, %arg2: memref<128x2048xf32, #tpu.memory_space<vmem>>, %arg3: memref<256x128xf32, #tpu.memory_space<vmem>>, %arg4: memref<256x128xf32, #tpu.memory_space<vmem>>, %arg5: memref<256x1024xi32, #tpu.memory_space<vmem>>) attributes {dimension_semantics = [#tpu.dimension_semantics<arbitrary>], iteration_bounds = array<i64: 8>, scalar_prefetch = 0 : i64, scratch_operands = 0 : i64, tpu.core_type = #tpu.core_type<tc>, window_params = [{transform_indices = @transform_0, window_bounds = array<i64: 256, 2048>}, {pipeline_mode = #tpu.pipeline_mode<synchronous>, transform_indices = @transform_1, window_bounds = array<i64: 128, 2048>}, {transform_indices = @transform_2, window_bounds = array<i64: 256, 128>}, {transform_indices = @transform_3, window_bounds = array<i64: 256, 128>}, {transform_indices = @transform_4, window_bounds = array<i64: 256, 1024>}]} {
    %get3A = arith.constant 0 : index
    %get3A_0 = arith.constant 0 : index
    %get3A_1 = vector.load %arg1[%get3A, %get3A_0] : memref<256x2048xf32, #tpu.memory_space<vmem>>, vector<256x2048xf32>
    %slice3A = vector.extract_strided_slice %get3A_1 {offsets = [0, 0], sizes = [256, 1024], strides = [1, 1]} : vector<256x2048xf32> to vector<256x1024xf32>
    %bitcast_convert_type3A = tpu.bitcast %slice3A : vector<256x1024xf32> -> vector<256x1024xi32>
    %add3A = arith.constant 32767 : i32
    %add3A_2 = vector.broadcast %add3A : i32 to vector<256x1024xi32>
    %add3A_3 = arith.addi %bitcast_convert_type3A, %add3A_2 : vector<256x1024xi32>
    %shift_right_logical3A = arith.constant 16 : i32
    %shift_right_logical3A_4 = vector.broadcast %shift_right_logical3A : i32 to vector<256x1024xi32>
    %shift_right_logical3A_5 = arith.shrui %bitcast_convert_type3A, %shift_right_logical3A_4 : vector<256x1024xi32>
    %and3A = arith.constant 1 : i32
    %and3A_6 = vector.broadcast %and3A : i32 to vector<256x1024xi32>
    %and3A_7 = arith.andi %shift_right_logical3A_5, %and3A_6 : vector<256x1024xi32>
    %add3A_8 = arith.addi %add3A_3, %and3A_7 : vector<256x1024xi32>
    %shift_right_logical3A_9 = arith.constant 16 : i32
    %shift_right_logical3A_10 = vector.broadcast %shift_right_logical3A_9 : i32 to vector<256x1024xi32>
    %shift_right_logical3A_11 = arith.shrui %add3A_8, %shift_right_logical3A_10 : vector<256x1024xi32>
    %slice3A_12 = vector.extract_strided_slice %get3A_1 {offsets = [0, 1024], sizes = [256, 1024], strides = [1, 1]} : vector<256x2048xf32> to vector<256x1024xf32>
    %bitcast_convert_type3A_13 = tpu.bitcast %slice3A_12 : vector<256x1024xf32> -> vector<256x1024xi32>
    %add3A_14 = arith.constant 32767 : i32
    %add3A_15 = vector.broadcast %add3A_14 : i32 to vector<256x1024xi32>
    %add3A_16 = arith.addi %bitcast_convert_type3A_13, %add3A_15 : vector<256x1024xi32>
    %shift_right_logical3A_17 = arith.constant 16 : i32
    %shift_right_logical3A_18 = vector.broadcast %shift_right_logical3A_17 : i32 to vector<256x1024xi32>
    %shift_right_logical3A_19 = arith.shrui %bitcast_convert_type3A_13, %shift_right_logical3A_18 : vector<256x1024xi32>
    %and3A_20 = arith.constant 1 : i32
    %and3A_21 = vector.broadcast %and3A_20 : i32 to vector<256x1024xi32>
    %and3A_22 = arith.andi %shift_right_logical3A_19, %and3A_21 : vector<256x1024xi32>
    %add3A_23 = arith.addi %add3A_16, %and3A_22 : vector<256x1024xi32>
    %shift_right_logical3A_24 = arith.constant 16 : i32
    %shift_right_logical3A_25 = vector.broadcast %shift_right_logical3A_24 : i32 to vector<256x1024xi32>
    %shift_right_logical3A_26 = arith.shrui %add3A_23, %shift_right_logical3A_25 : vector<256x1024xi32>
    %shift_left3A = arith.constant 16 : i32
    %shift_left3A_27 = vector.broadcast %shift_left3A : i32 to vector<256x1024xi32>
    %shift_left3A_28 = arith.shli %shift_right_logical3A_26, %shift_left3A_27 : vector<256x1024xi32>
    %or3A = arith.ori %shift_right_logical3A_11, %shift_left3A_28 : vector<256x1024xi32>
    %bitcast_convert_type3A_29 = tpu.bitcast %or3A : vector<256x1024xi32> -> vector<256x1024xi32>
    %swap3A = arith.constant 0 : index
    %swap3A_30 = arith.constant 0 : index
    %swap3A_31 = vector.load %arg5[%swap3A, %swap3A_30] : memref<256x1024xi32, #tpu.memory_space<vmem>>, vector<256x1024xi32>
    tpu.vector_store %arg5[%swap3A, %swap3A_30], %bitcast_convert_type3A_29 {strides = array<i32>} : memref<256x1024xi32, #tpu.memory_space<vmem>>, vector<256x1024xi32>,
    %get3A_32 = arith.constant 0 : index
    %get3A_33 = arith.constant 0 : index
    %get3A_34 = vector.load %arg2[%get3A_32, %get3A_33] : memref<128x2048xf32, #tpu.memory_space<vmem>>, vector<128x2048xf32>
    %dot_general3A = arith.constant dense<0.000000e+00> : vector<256x128xf32>
    %dot_general3A_35 = tpu.matmul %get3A_1, %get3A_34, %dot_general3A {dimension_numbers = #tpu.dot_dimension_numbers<[1], [1], [0], [0], [0, 0, 1, 0], [], []>, transpose_lhs_hint = false} : vector<256x2048xf32>, vector<128x2048xf32>, vector<256x128xf32> -> vector<256x128xf32>
    %iota3A = tpu.iota {dimensions = array<i32: 1>} : vector<256x128xi32>
    %lt3A = arith.constant 8 : i32
    %lt3A_36 = vector.broadcast %lt3A : i32 to vector<256x128xi32>
    %lt3A_37 = arith.cmpi slt, %iota3A, %lt3A_36 : vector<256x128xi32>
    %jit3A = arith.constant -1.000000e+30 : f32
    %broadcast_in_dim3A = vector.broadcast %jit3A : f32 to vector<256x128xf32>
    %select_n3A = arith.select %lt3A_37, %dot_general3A_35, %broadcast_in_dim3A : vector<256x128xi1>, vector<256x128xf32>
    %reduce_max3A = arith.constant dense<0xFF800000> : vector<256xf32>
    %reduce_max3A_38 = vector.multi_reduction <maximumf>, %select_n3A, %reduce_max3A [1] : vector<256x128xf32> to vector<256xf32>
    %broadcast_in_dim3A_39 = vector.shape_cast %reduce_max3A_38 : vector<256xf32> to vector<256x1xf32>
    %eq3A = vector.broadcast %broadcast_in_dim3A_39 : vector<256x1xf32> to vector<256x128xf32>
    %eq3A_40 = arith.cmpf oeq, %select_n3A, %eq3A : vector<256x128xf32>
    %jit3A_41 = arith.constant 128 : i32
    %broadcast_in_dim3A_42 = vector.broadcast %jit3A_41 : i32 to vector<256x128xi32>
    %select_n3A_43 = arith.select %eq3A_40, %iota3A, %broadcast_in_dim3A_42 : vector<256x128xi1>, vector<256x128xi32>
    %reduce_min3A = arith.constant dense<2147483647> : vector<256xi32>
    %reduce_min3A_44 = vector.multi_reduction <minsi>, %select_n3A_43, %reduce_min3A [1] : vector<256x128xi32> to vector<256xi32>
    %broadcast_in_dim3A_45 = vector.shape_cast %reduce_min3A_44 : vector<256xi32> to vector<256x1xi32>
    %eq3A_46 = vector.broadcast %broadcast_in_dim3A_45 : vector<256x1xi32> to vector<256x128xi32>
    %eq3A_47 = arith.cmpi eq, %iota3A, %eq3A_46 : vector<256x128xi32>
    %jit3A_48 = arith.constant -1.000000e+30 : f32
    %broadcast_in_dim3A_49 = vector.broadcast %jit3A_48 : f32 to vector<256x128xf32>
    %select_n3A_50 = arith.select %eq3A_47, %broadcast_in_dim3A_49, %select_n3A : vector<256x128xi1>, vector<256x128xf32>
    %reduce_max3A_51 = arith.constant dense<0xFF800000> : vector<256xf32>
    %reduce_max3A_52 = vector.multi_reduction <maximumf>, %select_n3A_50, %reduce_max3A_51 [1] : vector<256x128xf32> to vector<256xf32>
    %broadcast_in_dim3A_53 = vector.shape_cast %reduce_max3A_52 : vector<256xf32> to vector<256x1xf32>
    %eq3A_54 = vector.broadcast %broadcast_in_dim3A_53 : vector<256x1xf32> to vector<256x128xf32>
    %eq3A_55 = arith.cmpf oeq, %select_n3A_50, %eq3A_54 : vector<256x128xf32>
    %jit3A_56 = arith.constant 128 : i32
    %broadcast_in_dim3A_57 = vector.broadcast %jit3A_56 : i32 to vector<256x128xi32>
    %select_n3A_58 = arith.select %eq3A_55, %iota3A, %broadcast_in_dim3A_57 : vector<256x128xi1>, vector<256x128xi32>
    %reduce_min3A_59 = arith.constant dense<2147483647> : vector<256xi32>
    %reduce_min3A_60 = vector.multi_reduction <minsi>, %select_n3A_58, %reduce_min3A_59 [1] : vector<256x128xi32> to vector<256xi32>
    %broadcast_in_dim3A_61 = vector.shape_cast %reduce_min3A_60 : vector<256xi32> to vector<256x1xi32>
    %sub3A = arith.subf %broadcast_in_dim3A_53, %broadcast_in_dim3A_39 : vector<256x1xf32>
    %exp3A = math.exp %sub3A : vector<256x1xf32>
    %add3A_62 = arith.constant 1.000000e+00 : f32
    %add3A_63 = vector.broadcast %add3A_62 : f32 to vector<256x1xf32>
    %add3A_64 = arith.addf %add3A_63, %exp3A : vector<256x1xf32>
    %div3A = arith.constant 1.000000e+00 : f32
    %div3A_65 = vector.broadcast %div3A : f32 to vector<256x1xf32>
    %div3A_66 = arith.divf %div3A_65, %add3A_64 : vector<256x1xf32>
    %mul3A = arith.mulf %exp3A, %div3A_66 : vector<256x1xf32>
    %swap3A_67 = arith.constant 0 : index
    %swap3A_68 = arith.constant 0 : index
    %swap3A_69 = vector.load %arg3[%swap3A_67, %swap3A_68] : memref<256x128xf32, #tpu.memory_space<vmem>>, vector<256x128xf32>
    tpu.vector_store %arg3[%swap3A_67, %swap3A_68], %dot_general3A_35 {strides = array<i32>} : memref<256x128xf32, #tpu.memory_space<vmem>>, vector<256x128xf32>,
    %eq3A_70 = arith.constant 0 : i32
    %eq3A_71 = vector.broadcast %eq3A_70 : i32 to vector<256x128xi32>
    %eq3A_72 = arith.cmpi eq, %iota3A, %eq3A_71 : vector<256x128xi32>
    %convert_element_type3A = arith.sitofp %broadcast_in_dim3A_45 : vector<256x1xi32> to vector<256x1xf32>
    %eq3A_73 = arith.constant 1 : i32
    %eq3A_74 = vector.broadcast %eq3A_73 : i32 to vector<256x128xi32>
    %eq3A_75 = arith.cmpi eq, %iota3A, %eq3A_74 : vector<256x128xi32>
    %convert_element_type3A_76 = arith.sitofp %broadcast_in_dim3A_61 : vector<256x1xi32> to vector<256x1xf32>
    %eq3A_77 = arith.constant 2 : i32
    %eq3A_78 = vector.broadcast %eq3A_77 : i32 to vector<256x128xi32>
    %eq3A_79 = arith.cmpi eq, %iota3A, %eq3A_78 : vector<256x128xi32>
    %eq3A_80 = arith.constant 3 : i32
    %eq3A_81 = vector.broadcast %eq3A_80 : i32 to vector<256x128xi32>
    %eq3A_82 = arith.cmpi eq, %iota3A, %eq3A_81 : vector<256x128xi32>
    %jit3A_83 = arith.constant 0.000000e+00 : f32
    %broadcast_in_dim3A_84 = vector.shape_cast %mul3A : vector<256x1xf32> to vector<256x1xf32>
    %broadcast_in_dim3A_85 = vector.broadcast %broadcast_in_dim3A_84 : vector<256x1xf32> to vector<256x128xf32>
    %broadcast_in_dim3A_86 = vector.broadcast %jit3A_83 : f32 to vector<256x128xf32>
    %select_n3A_87 = arith.select %eq3A_82, %broadcast_in_dim3A_85, %broadcast_in_dim3A_86 : vector<256x128xi1>, vector<256x128xf32>
    %broadcast_in_dim3A_88 = vector.shape_cast %div3A_66 : vector<256x1xf32> to vector<256x1xf32>
    %broadcast_in_dim3A_89 = vector.broadcast %broadcast_in_dim3A_88 : vector<256x1xf32> to vector<256x128xf32>
    %select_n3A_90 = arith.select %eq3A_79, %broadcast_in_dim3A_89, %select_n3A_87 : vector<256x128xi1>, vector<256x128xf32>
    %broadcast_in_dim3A_91 = vector.shape_cast %convert_element_type3A_76 : vector<256x1xf32> to vector<256x1xf32>
    %broadcast_in_dim3A_92 = vector.broadcast %broadcast_in_dim3A_91 : vector<256x1xf32> to vector<256x128xf32>
    %select_n3A_93 = arith.select %eq3A_75, %broadcast_in_dim3A_92, %select_n3A_90 : vector<256x128xi1>, vector<256x128xf32>
    %broadcast_in_dim3A_94 = vector.shape_cast %convert_element_type3A : vector<256x1xf32> to vector<256x1xf32>
    %broadcast_in_dim3A_95 = vector.broadcast %broadcast_in_dim3A_94 : vector<256x1xf32> to vector<256x128xf32>
    %select_n3A_96 = arith.select %eq3A_72, %broadcast_in_dim3A_95, %select_n3A_93 : vector<256x128xi1>, vector<256x128xf32>
    %swap3A_97 = arith.constant 0 : index
    %swap3A_98 = arith.constant 0 : index
    %swap3A_99 = vector.load %arg4[%swap3A_97, %swap3A_98] : memref<256x128xf32, #tpu.memory_space<vmem>>, vector<256x128xf32>
    tpu.vector_store %arg4[%swap3A_97, %swap3A_98], %select_n3A_96 {strides = array<i32>} : memref<256x128xf32, #tpu.memory_space<vmem>>, vector<256x128xf32>,
    return
  }
  func.func @transform_0(%arg0: i32) -> (i32, i32) {
    %c0_i32 = arith.constant 0 : i32
    %c0_i32_0 = arith.constant 0 : i32
    return %arg0, %c0_i32 : i32, i32
  }
  func.func @transform_1(%arg0: i32) -> (i32, i32) {
    %c0_i32 = arith.constant 0 : i32
    %c0_i32_0 = arith.constant 0 : i32
    %c0_i32_1 = arith.constant 0 : i32
    return %c0_i32, %c0_i32_0 : i32, i32
  }
  func.func @transform_2(%arg0: i32) -> (i32, i32) {
    %c0_i32 = arith.constant 0 : i32
    %c0_i32_0 = arith.constant 0 : i32
    return %arg0, %c0_i32 : i32, i32
  }
  func.func @transform_3(%arg0: i32) -> (i32, i32) {
    %c0_i32 = arith.constant 0 : i32
    %c0_i32_0 = arith.constant 0 : i32
    return %arg0, %c0_i32 : i32, i32
  }
  func.func @transform_4(%arg0: i32) -> (i32, i32) {
    %c0_i32 = arith.constant 0 : i32
    %c0_i32_0 = arith.constant 0 : i32
    return %arg0, %c0_i32 : i32, i32
  }
}

module attributes {stable_mosaic.version = 14 : i64} {
  func.func @_gmm_body(%arg0: i32, %arg1: memref<24xi32, #tpu.memory_space<smem>>, %arg2: memref<24xi32, #tpu.memory_space<smem>>, %arg3: memref<24xi32, #tpu.memory_space<smem>>, %arg4: memref<24xi32, #tpu.memory_space<smem>>, %arg5: memref<24xi32, #tpu.memory_space<smem>>, %arg6: memref<24xi32, #tpu.memory_space<smem>>, %arg7: memref<256x1024xi32, #tpu.memory_space<vmem>>, %arg8: memref<8x2048x1024xf32, #tpu.memory_space<hbm>>, %arg9: memref<8x2048x1024xf32, #tpu.memory_space<hbm>>, %arg10: memref<8x1024x2048xf32, #tpu.memory_space<hbm>>, %arg11: memref<256x1024xi32, #tpu.memory_space<vmem>>, %arg12: memref<2x2048x1024xf32, #tpu.memory_space<vmem>>, %arg13: memref<2x2048x1024xf32, #tpu.memory_space<vmem>>, %arg14: memref<2x1024x2048xf32, #tpu.memory_space<vmem>>, %arg15: memref<2x!tpu.dma_semaphore, #tpu.memory_space<semaphore_mem>>, %arg16: memref<2x!tpu.dma_semaphore, #tpu.memory_space<semaphore_mem>>, %arg17: memref<2x!tpu.dma_semaphore, #tpu.memory_space<semaphore_mem>>) attributes {dimension_semantics = [#tpu.dimension_semantics<arbitrary>], iteration_bounds = array<i64: 24>, scalar_prefetch = 6 : i64, scratch_operands = 6 : i64, tpu.core_type = #tpu.core_type<tc>, window_params = [{transform_indices = @transform_0, window_bounds = array<i64: 256, 1024>}, {}, {}, {}, {transform_indices = @transform_4, window_bounds = array<i64: 256, 1024>}]} {
    %get3A = arith.index_cast %arg0 : i32 to index
    %get3A_0 = memref.load %arg4[%get3A] : memref<24xi32, #tpu.memory_space<smem>>
    %eq3A = arith.constant 0 : i32
    %eq3A_1 = arith.cmpi eq, %arg0, %eq3A : i32
    %get3A_2 = arith.index_cast %arg0 : i32 to index
    %get3A_3 = memref.load %arg2[%get3A_2] : memref<24xi32, #tpu.memory_space<smem>>
    %eq3A_4 = arith.constant 1 : i32
    %eq3A_5 = arith.cmpi eq, %get3A_3, %eq3A_4 : i32
    %and3A = arith.andi %eq3A_1, %eq3A_5 : i1
    %convert_element_type3A = arith.extui %and3A : i1 to i32
    %cond3A = arith.constant 0 : i32
    %cond3A_6 = arith.cmpi ne, %convert_element_type3A, %cond3A : i32
    scf.if %cond3A_6 {
      %get3A_26 = arith.index_cast %arg0 : i32 to index
      %get3A_27 = memref.load %arg1[%get3A_26] : memref<24xi32, #tpu.memory_space<smem>>
      %dma_start3A = tpu.memref_slice %arg15[%get3A_0] : memref<2x!tpu.dma_semaphore, #tpu.memory_space<semaphore_mem>> -> memref<1x!tpu.dma_semaphore, #tpu.memory_space<semaphore_mem>>
      %dma_start3A_28 = tpu.memref_squeeze %dma_start3A : memref<1x!tpu.dma_semaphore, #tpu.memory_space<semaphore_mem>> -> memref<!tpu.dma_semaphore, #tpu.memory_space<semaphore_mem>>
      %dma_start3A_29 = arith.constant 0 : i32
      %dma_start3A_30 = arith.constant 0 : i32
      %dma_start3A_31 = tpu.memref_slice %arg12[%get3A_0, %dma_start3A_29, %dma_start3A_30] : memref<2x2048x1024xf32, #tpu.memory_space<vmem>> -> memref<1x2048x1024xf32, #tpu.memory_space<vmem>>
      %dma_start3A_32 = tpu.memref_squeeze %dma_start3A_31 : memref<1x2048x1024xf32, #tpu.memory_space<vmem>> -> memref<2048x1024xf32, #tpu.memory_space<vmem>>
      %dma_start3A_33 = arith.constant 0 : i32
      %dma_start3A_34 = arith.constant 0 : i32
      %dma_start3A_35 = tpu.memref_slice %arg8[%get3A_27, %dma_start3A_33, %dma_start3A_34] : memref<8x2048x1024xf32, #tpu.memory_space<hbm>> -> memref<1x2048x1024xf32, #tpu.memory_space<hbm>>
      %dma_start3A_36 = tpu.memref_squeeze %dma_start3A_35 : memref<1x2048x1024xf32, #tpu.memory_space<hbm>> -> memref<2048x1024xf32, #tpu.memory_space<hbm>>
      tpu.enqueue_dma source(%dma_start3A_36 : memref<2048x1024xf32, #tpu.memory_space<hbm>>) target(%dma_start3A_32 : memref<2048x1024xf32, #tpu.memory_space<vmem>>) target_semaphore(%dma_start3A_28 : memref<!tpu.dma_semaphore, #tpu.memory_space<semaphore_mem>>)
      %dma_start3A_37 = tpu.memref_slice %arg16[%get3A_0] : memref<2x!tpu.dma_semaphore, #tpu.memory_space<semaphore_mem>> -> memref<1x!tpu.dma_semaphore, #tpu.memory_space<semaphore_mem>>
      %dma_start3A_38 = tpu.memref_squeeze %dma_start3A_37 : memref<1x!tpu.dma_semaphore, #tpu.memory_space<semaphore_mem>> -> memref<!tpu.dma_semaphore, #tpu.memory_space<semaphore_mem>>
      %dma_start3A_39 = arith.constant 0 : i32
      %dma_start3A_40 = arith.constant 0 : i32
      %dma_start3A_41 = tpu.memref_slice %arg13[%get3A_0, %dma_start3A_39, %dma_start3A_40] : memref<2x2048x1024xf32, #tpu.memory_space<vmem>> -> memref<1x2048x1024xf32, #tpu.memory_space<vmem>>
      %dma_start3A_42 = tpu.memref_squeeze %dma_start3A_41 : memref<1x2048x1024xf32, #tpu.memory_space<vmem>> -> memref<2048x1024xf32, #tpu.memory_space<vmem>>
      %dma_start3A_43 = arith.constant 0 : i32
      %dma_start3A_44 = arith.constant 0 : i32
      %dma_start3A_45 = tpu.memref_slice %arg9[%get3A_27, %dma_start3A_43, %dma_start3A_44] : memref<8x2048x1024xf32, #tpu.memory_space<hbm>> -> memref<1x2048x1024xf32, #tpu.memory_space<hbm>>
      %dma_start3A_46 = tpu.memref_squeeze %dma_start3A_45 : memref<1x2048x1024xf32, #tpu.memory_space<hbm>> -> memref<2048x1024xf32, #tpu.memory_space<hbm>>
      tpu.enqueue_dma source(%dma_start3A_46 : memref<2048x1024xf32, #tpu.memory_space<hbm>>) target(%dma_start3A_42 : memref<2048x1024xf32, #tpu.memory_space<vmem>>) target_semaphore(%dma_start3A_38 : memref<!tpu.dma_semaphore, #tpu.memory_space<semaphore_mem>>)
      %dma_start3A_47 = tpu.memref_slice %arg17[%get3A_0] : memref<2x!tpu.dma_semaphore, #tpu.memory_space<semaphore_mem>> -> memref<1x!tpu.dma_semaphore, #tpu.memory_space<semaphore_mem>>
      %dma_start3A_48 = tpu.memref_squeeze %dma_start3A_47 : memref<1x!tpu.dma_semaphore, #tpu.memory_space<semaphore_mem>> -> memref<!tpu.dma_semaphore, #tpu.memory_space<semaphore_mem>>
      %dma_start3A_49 = arith.constant 0 : i32
      %dma_start3A_50 = arith.constant 0 : i32
      %dma_start3A_51 = tpu.memref_slice %arg14[%get3A_0, %dma_start3A_49, %dma_start3A_50] : memref<2x1024x2048xf32, #tpu.memory_space<vmem>> -> memref<1x1024x2048xf32, #tpu.memory_space<vmem>>
      %dma_start3A_52 = tpu.memref_squeeze %dma_start3A_51 : memref<1x1024x2048xf32, #tpu.memory_space<vmem>> -> memref<1024x2048xf32, #tpu.memory_space<vmem>>
      %dma_start3A_53 = arith.constant 0 : i32
      %dma_start3A_54 = arith.constant 0 : i32
      %dma_start3A_55 = tpu.memref_slice %arg10[%get3A_27, %dma_start3A_53, %dma_start3A_54] : memref<8x1024x2048xf32, #tpu.memory_space<hbm>> -> memref<1x1024x2048xf32, #tpu.memory_space<hbm>>
      %dma_start3A_56 = tpu.memref_squeeze %dma_start3A_55 : memref<1x1024x2048xf32, #tpu.memory_space<hbm>> -> memref<1024x2048xf32, #tpu.memory_space<hbm>>
      tpu.enqueue_dma source(%dma_start3A_56 : memref<1024x2048xf32, #tpu.memory_space<hbm>>) target(%dma_start3A_52 : memref<1024x2048xf32, #tpu.memory_space<vmem>>) target_semaphore(%dma_start3A_48 : memref<!tpu.dma_semaphore, #tpu.memory_space<semaphore_mem>>)
    } else {
    }
    %get3A_7 = arith.index_cast %arg0 : i32 to index
    %get3A_8 = memref.load %arg3[%get3A_7] : memref<24xi32, #tpu.memory_space<smem>>
    %eq3A_9 = arith.constant 1 : i32
    %eq3A_10 = arith.cmpi eq, %get3A_8, %eq3A_9 : i32
    %get3A_11 = arith.index_cast %arg0 : i32 to index
    %get3A_12 = memref.load %arg2[%get3A_11] : memref<24xi32, #tpu.memory_space<smem>>
    %eq3A_13 = arith.constant 1 : i32
    %eq3A_14 = arith.cmpi eq, %get3A_12, %eq3A_13 : i32
    %and3A_15 = arith.andi %eq3A_10, %eq3A_14 : i1
    %convert_element_type3A_16 = arith.extui %and3A_15 : i1 to i32
    %cond3A_17 = arith.constant 0 : i32
    %cond3A_18 = arith.cmpi ne, %convert_element_type3A_16, %cond3A_17 : i32
    scf.if %cond3A_18 {
      %dma_wait3A = arith.constant 0 : i32
      %dma_wait3A_26 = tpu.memref_slice %arg15[%get3A_0] : memref<2x!tpu.dma_semaphore, #tpu.memory_space<semaphore_mem>> -> memref<1x!tpu.dma_semaphore, #tpu.memory_space<semaphore_mem>>
      %dma_wait3A_27 = tpu.memref_squeeze %dma_wait3A_26 : memref<1x!tpu.dma_semaphore, #tpu.memory_space<semaphore_mem>> -> memref<!tpu.dma_semaphore, #tpu.memory_space<semaphore_mem>>
      %dma_wait3A_28 = arith.constant 0 : i32
      %dma_wait3A_29 = arith.constant 0 : i32
      %dma_wait3A_30 = tpu.memref_slice %arg12[%get3A_0, %dma_wait3A_28, %dma_wait3A_29] : memref<2x2048x1024xf32, #tpu.memory_space<vmem>> -> memref<1x2048x1024xf32, #tpu.memory_space<vmem>>
      %dma_wait3A_31 = tpu.memref_squeeze %dma_wait3A_30 : memref<1x2048x1024xf32, #tpu.memory_space<vmem>> -> memref<2048x1024xf32, #tpu.memory_space<vmem>>
      %dma_wait3A_32 = arith.constant 0 : i32
      %dma_wait3A_33 = arith.constant 0 : i32
      %dma_wait3A_34 = tpu.memref_slice %arg8[%dma_wait3A, %dma_wait3A_32, %dma_wait3A_33] : memref<8x2048x1024xf32, #tpu.memory_space<hbm>> -> memref<1x2048x1024xf32, #tpu.memory_space<hbm>>
      %dma_wait3A_35 = tpu.memref_squeeze %dma_wait3A_34 : memref<1x2048x1024xf32, #tpu.memory_space<hbm>> -> memref<2048x1024xf32, #tpu.memory_space<hbm>>
      tpu.wait_dma2 semaphore(%dma_wait3A_27 : memref<!tpu.dma_semaphore, #tpu.memory_space<semaphore_mem>>) src(%dma_wait3A_35 : memref<2048x1024xf32, #tpu.memory_space<hbm>>) dst(%dma_wait3A_31 : memref<2048x1024xf32, #tpu.memory_space<vmem>>)
      %dma_wait3A_36 = arith.constant 0 : i32
      %dma_wait3A_37 = tpu.memref_slice %arg16[%get3A_0] : memref<2x!tpu.dma_semaphore, #tpu.memory_space<semaphore_mem>> -> memref<1x!tpu.dma_semaphore, #tpu.memory_space<semaphore_mem>>
      %dma_wait3A_38 = tpu.memref_squeeze %dma_wait3A_37 : memref<1x!tpu.dma_semaphore, #tpu.memory_space<semaphore_mem>> -> memref<!tpu.dma_semaphore, #tpu.memory_space<semaphore_mem>>
      %dma_wait3A_39 = arith.constant 0 : i32
      %dma_wait3A_40 = arith.constant 0 : i32
      %dma_wait3A_41 = tpu.memref_slice %arg13[%get3A_0, %dma_wait3A_39, %dma_wait3A_40] : memref<2x2048x1024xf32, #tpu.memory_space<vmem>> -> memref<1x2048x1024xf32, #tpu.memory_space<vmem>>
      %dma_wait3A_42 = tpu.memref_squeeze %dma_wait3A_41 : memref<1x2048x1024xf32, #tpu.memory_space<vmem>> -> memref<2048x1024xf32, #tpu.memory_space<vmem>>
      %dma_wait3A_43 = arith.constant 0 : i32
      %dma_wait3A_44 = arith.constant 0 : i32
      %dma_wait3A_45 = tpu.memref_slice %arg9[%dma_wait3A_36, %dma_wait3A_43, %dma_wait3A_44] : memref<8x2048x1024xf32, #tpu.memory_space<hbm>> -> memref<1x2048x1024xf32, #tpu.memory_space<hbm>>
      %dma_wait3A_46 = tpu.memref_squeeze %dma_wait3A_45 : memref<1x2048x1024xf32, #tpu.memory_space<hbm>> -> memref<2048x1024xf32, #tpu.memory_space<hbm>>
      tpu.wait_dma2 semaphore(%dma_wait3A_38 : memref<!tpu.dma_semaphore, #tpu.memory_space<semaphore_mem>>) src(%dma_wait3A_46 : memref<2048x1024xf32, #tpu.memory_space<hbm>>) dst(%dma_wait3A_42 : memref<2048x1024xf32, #tpu.memory_space<vmem>>)
      %dma_wait3A_47 = arith.constant 0 : i32
      %dma_wait3A_48 = tpu.memref_slice %arg17[%get3A_0] : memref<2x!tpu.dma_semaphore, #tpu.memory_space<semaphore_mem>> -> memref<1x!tpu.dma_semaphore, #tpu.memory_space<semaphore_mem>>
      %dma_wait3A_49 = tpu.memref_squeeze %dma_wait3A_48 : memref<1x!tpu.dma_semaphore, #tpu.memory_space<semaphore_mem>> -> memref<!tpu.dma_semaphore, #tpu.memory_space<semaphore_mem>>
      %dma_wait3A_50 = arith.constant 0 : i32
      %dma_wait3A_51 = arith.constant 0 : i32
      %dma_wait3A_52 = tpu.memref_slice %arg14[%get3A_0, %dma_wait3A_50, %dma_wait3A_51] : memref<2x1024x2048xf32, #tpu.memory_space<vmem>> -> memref<1x1024x2048xf32, #tpu.memory_space<vmem>>
      %dma_wait3A_53 = tpu.memref_squeeze %dma_wait3A_52 : memref<1x1024x2048xf32, #tpu.memory_space<vmem>> -> memref<1024x2048xf32, #tpu.memory_space<vmem>>
      %dma_wait3A_54 = arith.constant 0 : i32
      %dma_wait3A_55 = arith.constant 0 : i32
      %dma_wait3A_56 = tpu.memref_slice %arg10[%dma_wait3A_47, %dma_wait3A_54, %dma_wait3A_55] : memref<8x1024x2048xf32, #tpu.memory_space<hbm>> -> memref<1x1024x2048xf32, #tpu.memory_space<hbm>>
      %dma_wait3A_57 = tpu.memref_squeeze %dma_wait3A_56 : memref<1x1024x2048xf32, #tpu.memory_space<hbm>> -> memref<1024x2048xf32, #tpu.memory_space<hbm>>
      tpu.wait_dma2 semaphore(%dma_wait3A_49 : memref<!tpu.dma_semaphore, #tpu.memory_space<semaphore_mem>>) src(%dma_wait3A_57 : memref<1024x2048xf32, #tpu.memory_space<hbm>>) dst(%dma_wait3A_53 : memref<1024x2048xf32, #tpu.memory_space<vmem>>)
      %get3A_58 = arith.index_cast %arg0 : i32 to index
      %get3A_59 = memref.load %arg6[%get3A_58] : memref<24xi32, #tpu.memory_space<smem>>
      %eq3A_60 = arith.constant 1 : i32
      %eq3A_61 = arith.cmpi eq, %get3A_59, %eq3A_60 : i32
      %convert_element_type3A_62 = arith.extui %eq3A_61 : i1 to i32
      %cond3A_63 = arith.constant 0 : i32
      %cond3A_64 = arith.cmpi ne, %convert_element_type3A_62, %cond3A_63 : i32
      scf.if %cond3A_64 {
        %get3A_65 = arith.index_cast %arg0 : i32 to index
        %get3A_66 = memref.load %arg5[%get3A_65] : memref<24xi32, #tpu.memory_space<smem>>
        %sub3A = arith.constant 1 : i32
        %sub3A_67 = arith.subi %sub3A, %get3A_0 : i32
        %dma_start3A = tpu.memref_slice %arg15[%sub3A_67] : memref<2x!tpu.dma_semaphore, #tpu.memory_space<semaphore_mem>> -> memref<1x!tpu.dma_semaphore, #tpu.memory_space<semaphore_mem>>
        %dma_start3A_68 = tpu.memref_squeeze %dma_start3A : memref<1x!tpu.dma_semaphore, #tpu.memory_space<semaphore_mem>> -> memref<!tpu.dma_semaphore, #tpu.memory_space<semaphore_mem>>
        %dma_start3A_69 = arith.constant 0 : i32
        %dma_start3A_70 = arith.constant 0 : i32
        %dma_start3A_71 = tpu.memref_slice %arg12[%sub3A_67, %dma_start3A_69, %dma_start3A_70] : memref<2x2048x1024xf32, #tpu.memory_space<vmem>> -> memref<1x2048x1024xf32, #tpu.memory_space<vmem>>
        %dma_start3A_72 = tpu.memref_squeeze %dma_start3A_71 : memref<1x2048x1024xf32, #tpu.memory_space<vmem>> -> memref<2048x1024xf32, #tpu.memory_space<vmem>>
        %dma_start3A_73 = arith.constant 0 : i32
        %dma_start3A_74 = arith.constant 0 : i32
        %dma_start3A_75 = tpu.memref_slice %arg8[%get3A_66, %dma_start3A_73, %dma_start3A_74] : memref<8x2048x1024xf32, #tpu.memory_space<hbm>> -> memref<1x2048x1024xf32, #tpu.memory_space<hbm>>
        %dma_start3A_76 = tpu.memref_squeeze %dma_start3A_75 : memref<1x2048x1024xf32, #tpu.memory_space<hbm>> -> memref<2048x1024xf32, #tpu.memory_space<hbm>>
        tpu.enqueue_dma source(%dma_start3A_76 : memref<2048x1024xf32, #tpu.memory_space<hbm>>) target(%dma_start3A_72 : memref<2048x1024xf32, #tpu.memory_space<vmem>>) target_semaphore(%dma_start3A_68 : memref<!tpu.dma_semaphore, #tpu.memory_space<semaphore_mem>>)
        %dma_start3A_77 = tpu.memref_slice %arg16[%sub3A_67] : memref<2x!tpu.dma_semaphore, #tpu.memory_space<semaphore_mem>> -> memref<1x!tpu.dma_semaphore, #tpu.memory_space<semaphore_mem>>
        %dma_start3A_78 = tpu.memref_squeeze %dma_start3A_77 : memref<1x!tpu.dma_semaphore, #tpu.memory_space<semaphore_mem>> -> memref<!tpu.dma_semaphore, #tpu.memory_space<semaphore_mem>>
        %dma_start3A_79 = arith.constant 0 : i32
        %dma_start3A_80 = arith.constant 0 : i32
        %dma_start3A_81 = tpu.memref_slice %arg13[%sub3A_67, %dma_start3A_79, %dma_start3A_80] : memref<2x2048x1024xf32, #tpu.memory_space<vmem>> -> memref<1x2048x1024xf32, #tpu.memory_space<vmem>>
        %dma_start3A_82 = tpu.memref_squeeze %dma_start3A_81 : memref<1x2048x1024xf32, #tpu.memory_space<vmem>> -> memref<2048x1024xf32, #tpu.memory_space<vmem>>
        %dma_start3A_83 = arith.constant 0 : i32
        %dma_start3A_84 = arith.constant 0 : i32
        %dma_start3A_85 = tpu.memref_slice %arg9[%get3A_66, %dma_start3A_83, %dma_start3A_84] : memref<8x2048x1024xf32, #tpu.memory_space<hbm>> -> memref<1x2048x1024xf32, #tpu.memory_space<hbm>>
        %dma_start3A_86 = tpu.memref_squeeze %dma_start3A_85 : memref<1x2048x1024xf32, #tpu.memory_space<hbm>> -> memref<2048x1024xf32, #tpu.memory_space<hbm>>
        tpu.enqueue_dma source(%dma_start3A_86 : memref<2048x1024xf32, #tpu.memory_space<hbm>>) target(%dma_start3A_82 : memref<2048x1024xf32, #tpu.memory_space<vmem>>) target_semaphore(%dma_start3A_78 : memref<!tpu.dma_semaphore, #tpu.memory_space<semaphore_mem>>)
        %dma_start3A_87 = tpu.memref_slice %arg17[%sub3A_67] : memref<2x!tpu.dma_semaphore, #tpu.memory_space<semaphore_mem>> -> memref<1x!tpu.dma_semaphore, #tpu.memory_space<semaphore_mem>>
        %dma_start3A_88 = tpu.memref_squeeze %dma_start3A_87 : memref<1x!tpu.dma_semaphore, #tpu.memory_space<semaphore_mem>> -> memref<!tpu.dma_semaphore, #tpu.memory_space<semaphore_mem>>
        %dma_start3A_89 = arith.constant 0 : i32
        %dma_start3A_90 = arith.constant 0 : i32
        %dma_start3A_91 = tpu.memref_slice %arg14[%sub3A_67, %dma_start3A_89, %dma_start3A_90] : memref<2x1024x2048xf32, #tpu.memory_space<vmem>> -> memref<1x1024x2048xf32, #tpu.memory_space<vmem>>
        %dma_start3A_92 = tpu.memref_squeeze %dma_start3A_91 : memref<1x1024x2048xf32, #tpu.memory_space<vmem>> -> memref<1024x2048xf32, #tpu.memory_space<vmem>>
        %dma_start3A_93 = arith.constant 0 : i32
        %dma_start3A_94 = arith.constant 0 : i32
        %dma_start3A_95 = tpu.memref_slice %arg10[%get3A_66, %dma_start3A_93, %dma_start3A_94] : memref<8x1024x2048xf32, #tpu.memory_space<hbm>> -> memref<1x1024x2048xf32, #tpu.memory_space<hbm>>
        %dma_start3A_96 = tpu.memref_squeeze %dma_start3A_95 : memref<1x1024x2048xf32, #tpu.memory_space<hbm>> -> memref<1024x2048xf32, #tpu.memory_space<hbm>>
        tpu.enqueue_dma source(%dma_start3A_96 : memref<1024x2048xf32, #tpu.memory_space<hbm>>) target(%dma_start3A_92 : memref<1024x2048xf32, #tpu.memory_space<vmem>>) target_semaphore(%dma_start3A_88 : memref<!tpu.dma_semaphore, #tpu.memory_space<semaphore_mem>>)
      } else {
      }
    } else {
    }
    %get3A_19 = arith.index_cast %arg0 : i32 to index
    %get3A_20 = memref.load %arg2[%get3A_19] : memref<24xi32, #tpu.memory_space<smem>>
    %eq3A_21 = arith.constant 1 : i32
    %eq3A_22 = arith.cmpi eq, %get3A_20, %eq3A_21 : i32
    %convert_element_type3A_23 = arith.extui %eq3A_22 : i1 to i32
    %cond3A_24 = arith.constant 0 : i32
    %cond3A_25 = arith.cmpi ne, %convert_element_type3A_23, %cond3A_24 : i32
    scf.if %cond3A_25 {
      %get3A_26 = arith.constant 0 : index
      %get3A_27 = arith.constant 0 : index
      %get3A_28 = vector.load %arg7[%get3A_26, %get3A_27] : memref<256x1024xi32, #tpu.memory_space<vmem>>, vector<256x1024xi32>
      %bitcast_convert_type3A = tpu.bitcast %get3A_28 : vector<256x1024xi32> -> vector<256x1024xi32>
      %shift_left3A = arith.constant 16 : i32
      %shift_left3A_29 = vector.broadcast %shift_left3A : i32 to vector<256x1024xi32>
      %shift_left3A_30 = arith.shli %bitcast_convert_type3A, %shift_left3A_29 : vector<256x1024xi32>
      %bitcast_convert_type3A_31 = tpu.bitcast %shift_left3A_30 : vector<256x1024xi32> -> vector<256x1024xf32>
      %and3A_32 = arith.constant -65536 : i32
      %and3A_33 = vector.broadcast %and3A_32 : i32 to vector<256x1024xi32>
      %and3A_34 = arith.andi %bitcast_convert_type3A, %and3A_33 : vector<256x1024xi32>
      %bitcast_convert_type3A_35 = tpu.bitcast %and3A_34 : vector<256x1024xi32> -> vector<256x1024xf32>
      %concatenate3A = tpu.concatenate %bitcast_convert_type3A_31, %bitcast_convert_type3A_35 in 1 : vector<256x1024xf32>, vector<256x1024xf32> -> vector<256x2048xf32>
      %convert_element_type3A_36 = arith.truncf %concatenate3A : vector<256x2048xf32> to vector<256x2048xbf16>
      %get3A_37 = arith.index_cast %get3A_0 : i32 to index
      %get3A_38 = arith.constant 0 : index
      %get3A_39 = arith.constant 0 : index
      %get3A_40 = vector.load %arg12[%get3A_37, %get3A_38, %get3A_39] : memref<2x2048x1024xf32, #tpu.memory_space<vmem>>, vector<1x2048x1024xf32>
      %get3A_41 = vector.shape_cast %get3A_40 : vector<1x2048x1024xf32> to vector<2048x1024xf32>
      %convert_element_type3A_42 = arith.truncf %get3A_41 : vector<2048x1024xf32> to vector<2048x1024xbf16>
      %get3A_43 = arith.index_cast %get3A_0 : i32 to index
      %get3A_44 = arith.constant 0 : index
      %get3A_45 = arith.constant 0 : index
      %get3A_46 = vector.load %arg13[%get3A_43, %get3A_44, %get3A_45] : memref<2x2048x1024xf32, #tpu.memory_space<vmem>>, vector<1x2048x1024xf32>
      %get3A_47 = vector.shape_cast %get3A_46 : vector<1x2048x1024xf32> to vector<2048x1024xf32>
      %convert_element_type3A_48 = arith.truncf %get3A_47 : vector<2048x1024xf32> to vector<2048x1024xbf16>
      %get3A_49 = arith.index_cast %get3A_0 : i32 to index
      %get3A_50 = arith.constant 0 : index
      %get3A_51 = arith.constant 0 : index
      %get3A_52 = vector.load %arg14[%get3A_49, %get3A_50, %get3A_51] : memref<2x1024x2048xf32, #tpu.memory_space<vmem>>, vector<1x1024x2048xf32>
      %get3A_53 = vector.shape_cast %get3A_52 : vector<1x1024x2048xf32> to vector<1024x2048xf32>
      %convert_element_type3A_54 = arith.truncf %get3A_53 : vector<1024x2048xf32> to vector<1024x2048xbf16>
      %dot_general3A = arith.constant dense<0.000000e+00> : vector<256x1024xf32>
      %dot_general3A_55 = tpu.matmul %convert_element_type3A_36, %convert_element_type3A_42, %dot_general3A {dimension_numbers = #tpu.dot_dimension_numbers<[1], [0], [0], [1], [0, 0, 1, 1], [], []>, transpose_lhs_hint = false} : vector<256x2048xbf16>, vector<2048x1024xbf16>, vector<256x1024xf32> -> vector<256x1024xf32>
      %dot_general3A_56 = arith.constant dense<0.000000e+00> : vector<256x1024xf32>
      %dot_general3A_57 = tpu.matmul %convert_element_type3A_36, %convert_element_type3A_48, %dot_general3A_56 {dimension_numbers = #tpu.dot_dimension_numbers<[1], [0], [0], [1], [0, 0, 1, 1], [], []>, transpose_lhs_hint = false} : vector<256x2048xbf16>, vector<2048x1024xbf16>, vector<256x1024xf32> -> vector<256x1024xf32>
      %logistic3A = arith.negf %dot_general3A_55 : vector<256x1024xf32>
      %logistic3A_58 = math.exp %logistic3A : vector<256x1024xf32>
      %logistic3A_59 = arith.constant 1.000000e+00 : f32
      %logistic3A_60 = vector.broadcast %logistic3A_59 : f32 to vector<256x1024xf32>
      %logistic3A_61 = arith.addf %logistic3A_60, %logistic3A_58 : vector<256x1024xf32>
      %logistic3A_62 = arith.divf %logistic3A_60, %logistic3A_61 : vector<256x1024xf32>
      %mul3A = arith.mulf %dot_general3A_55, %logistic3A_62 : vector<256x1024xf32>
      %mul3A_63 = arith.mulf %mul3A, %dot_general3A_57 : vector<256x1024xf32>
      %convert_element_type3A_64 = arith.truncf %mul3A_63 : vector<256x1024xf32> to vector<256x1024xbf16>
      %dot_general3A_65 = arith.constant dense<0.000000e+00> : vector<256x2048xf32>
      %dot_general3A_66 = tpu.matmul %convert_element_type3A_64, %convert_element_type3A_54, %dot_general3A_65 {dimension_numbers = #tpu.dot_dimension_numbers<[1], [0], [0], [1], [0, 0, 1, 1], [], []>, transpose_lhs_hint = false} : vector<256x1024xbf16>, vector<1024x2048xbf16>, vector<256x2048xf32> -> vector<256x2048xf32>
      %slice3A = vector.extract_strided_slice %dot_general3A_66 {offsets = [0, 0], sizes = [256, 1024], strides = [1, 1]} : vector<256x2048xf32> to vector<256x1024xf32>
      %bitcast_convert_type3A_67 = tpu.bitcast %slice3A : vector<256x1024xf32> -> vector<256x1024xi32>
      %add3A = arith.constant 32767 : i32
      %add3A_68 = vector.broadcast %add3A : i32 to vector<256x1024xi32>
      %add3A_69 = arith.addi %bitcast_convert_type3A_67, %add3A_68 : vector<256x1024xi32>
      %shift_right_logical3A = arith.constant 16 : i32
      %shift_right_logical3A_70 = vector.broadcast %shift_right_logical3A : i32 to vector<256x1024xi32>
      %shift_right_logical3A_71 = arith.shrui %bitcast_convert_type3A_67, %shift_right_logical3A_70 : vector<256x1024xi32>
      %and3A_72 = arith.constant 1 : i32
      %and3A_73 = vector.broadcast %and3A_72 : i32 to vector<256x1024xi32>
      %and3A_74 = arith.andi %shift_right_logical3A_71, %and3A_73 : vector<256x1024xi32>
      %add3A_75 = arith.addi %add3A_69, %and3A_74 : vector<256x1024xi32>
      %shift_right_logical3A_76 = arith.constant 16 : i32
      %shift_right_logical3A_77 = vector.broadcast %shift_right_logical3A_76 : i32 to vector<256x1024xi32>
      %shift_right_logical3A_78 = arith.shrui %add3A_75, %shift_right_logical3A_77 : vector<256x1024xi32>
      %slice3A_79 = vector.extract_strided_slice %dot_general3A_66 {offsets = [0, 1024], sizes = [256, 1024], strides = [1, 1]} : vector<256x2048xf32> to vector<256x1024xf32>
      %bitcast_convert_type3A_80 = tpu.bitcast %slice3A_79 : vector<256x1024xf32> -> vector<256x1024xi32>
      %add3A_81 = arith.constant 32767 : i32
      %add3A_82 = vector.broadcast %add3A_81 : i32 to vector<256x1024xi32>
      %add3A_83 = arith.addi %bitcast_convert_type3A_80, %add3A_82 : vector<256x1024xi32>
      %shift_right_logical3A_84 = arith.constant 16 : i32
      %shift_right_logical3A_85 = vector.broadcast %shift_right_logical3A_84 : i32 to vector<256x1024xi32>
      %shift_right_logical3A_86 = arith.shrui %bitcast_convert_type3A_80, %shift_right_logical3A_85 : vector<256x1024xi32>
      %and3A_87 = arith.constant 1 : i32
      %and3A_88 = vector.broadcast %and3A_87 : i32 to vector<256x1024xi32>
      %and3A_89 = arith.andi %shift_right_logical3A_86, %and3A_88 : vector<256x1024xi32>
      %add3A_90 = arith.addi %add3A_83, %and3A_89 : vector<256x1024xi32>
      %shift_right_logical3A_91 = arith.constant 16 : i32
      %shift_right_logical3A_92 = vector.broadcast %shift_right_logical3A_91 : i32 to vector<256x1024xi32>
      %shift_right_logical3A_93 = arith.shrui %add3A_90, %shift_right_logical3A_92 : vector<256x1024xi32>
      %shift_left3A_94 = arith.constant 16 : i32
      %shift_left3A_95 = vector.broadcast %shift_left3A_94 : i32 to vector<256x1024xi32>
      %shift_left3A_96 = arith.shli %shift_right_logical3A_93, %shift_left3A_95 : vector<256x1024xi32>
      %or3A = arith.ori %shift_right_logical3A_78, %shift_left3A_96 : vector<256x1024xi32>
      %bitcast_convert_type3A_97 = tpu.bitcast %or3A : vector<256x1024xi32> -> vector<256x1024xi32>
      %swap3A = arith.constant 0 : index
      %swap3A_98 = arith.constant 0 : index
      %swap3A_99 = vector.load %arg11[%swap3A, %swap3A_98] : memref<256x1024xi32, #tpu.memory_space<vmem>>, vector<256x1024xi32>
      tpu.vector_store %arg11[%swap3A, %swap3A_98], %bitcast_convert_type3A_97 {strides = array<i32>} : memref<256x1024xi32, #tpu.memory_space<vmem>>, vector<256x1024xi32>,
    } else {
    }
    return
  }
  func.func @transform_0(%arg0: i32, %arg1: memref<24xi32, #tpu.memory_space<smem>>, %arg2: memref<24xi32, #tpu.memory_space<smem>>, %arg3: memref<24xi32, #tpu.memory_space<smem>>, %arg4: memref<24xi32, #tpu.memory_space<smem>>, %arg5: memref<24xi32, #tpu.memory_space<smem>>, %arg6: memref<24xi32, #tpu.memory_space<smem>>) -> (i32, i32) {
    %c0_i32 = arith.constant 0 : i32
    %c0_i32_0 = arith.constant 0 : i32
    return %arg0, %c0_i32 : i32, i32
  }
  func.func @transform_4(%arg0: i32, %arg1: memref<24xi32, #tpu.memory_space<smem>>, %arg2: memref<24xi32, #tpu.memory_space<smem>>, %arg3: memref<24xi32, #tpu.memory_space<smem>>, %arg4: memref<24xi32, #tpu.memory_space<smem>>, %arg5: memref<24xi32, #tpu.memory_space<smem>>, %arg6: memref<24xi32, #tpu.memory_space<smem>>) -> (i32, i32) {
    %c0_i32 = arith.constant 0 : i32
    %c0_i32_0 = arith.constant 0 : i32
    return %arg0, %c0_i32 : i32, i32
  }
}

module attributes {stable_mosaic.version = 14 : i64} {
  func.func @_combine_body(%arg0: i32, %arg1: memref<256x128xf32, #tpu.memory_space<vmem>>, %arg2: memref<256x1024xi32, #tpu.memory_space<vmem>>, %arg3: memref<256x1024xi32, #tpu.memory_space<vmem>>, %arg4: memref<256x2048xf32, #tpu.memory_space<vmem>>) attributes {dimension_semantics = [#tpu.dimension_semantics<arbitrary>], iteration_bounds = array<i64: 8>, scalar_prefetch = 0 : i64, scratch_operands = 0 : i64, tpu.core_type = #tpu.core_type<tc>, window_params = [{transform_indices = @transform_0, window_bounds = array<i64: 256, 128>}, {transform_indices = @transform_1, window_bounds = array<i64: 256, 1024>}, {transform_indices = @transform_2, window_bounds = array<i64: 256, 1024>}, {transform_indices = @transform_3, window_bounds = array<i64: 256, 2048>}]} {
    %get3A = arith.constant 0 : index
    %get3A_0 = arith.constant 0 : index
    %get3A_1 = vector.load %arg2[%get3A, %get3A_0] : memref<256x1024xi32, #tpu.memory_space<vmem>>, vector<256x1024xi32>
    %bitcast_convert_type3A = tpu.bitcast %get3A_1 : vector<256x1024xi32> -> vector<256x1024xi32>
    %shift_left3A = arith.constant 16 : i32
    %shift_left3A_2 = vector.broadcast %shift_left3A : i32 to vector<256x1024xi32>
    %shift_left3A_3 = arith.shli %bitcast_convert_type3A, %shift_left3A_2 : vector<256x1024xi32>
    %bitcast_convert_type3A_4 = tpu.bitcast %shift_left3A_3 : vector<256x1024xi32> -> vector<256x1024xf32>
    %and3A = arith.constant -65536 : i32
    %and3A_5 = vector.broadcast %and3A : i32 to vector<256x1024xi32>
    %and3A_6 = arith.andi %bitcast_convert_type3A, %and3A_5 : vector<256x1024xi32>
    %bitcast_convert_type3A_7 = tpu.bitcast %and3A_6 : vector<256x1024xi32> -> vector<256x1024xf32>
    %concatenate3A = tpu.concatenate %bitcast_convert_type3A_4, %bitcast_convert_type3A_7 in 1 : vector<256x1024xf32>, vector<256x1024xf32> -> vector<256x2048xf32>
    %get3A_8 = arith.constant 0 : index
    %get3A_9 = arith.constant 2 : index
    %get3A_10 = vector.load %arg1[%get3A_8, %get3A_9] : memref<256x128xf32, #tpu.memory_space<vmem>>, vector<256x1xf32>
    %mul3A = vector.broadcast %get3A_10 : vector<256x1xf32> to vector<256x2048xf32>
    %mul3A_11 = arith.mulf %concatenate3A, %mul3A : vector<256x2048xf32>
    %get3A_12 = arith.constant 0 : index
    %get3A_13 = arith.constant 0 : index
    %get3A_14 = vector.load %arg3[%get3A_12, %get3A_13] : memref<256x1024xi32, #tpu.memory_space<vmem>>, vector<256x1024xi32>
    %bitcast_convert_type3A_15 = tpu.bitcast %get3A_14 : vector<256x1024xi32> -> vector<256x1024xi32>
    %shift_left3A_16 = arith.constant 16 : i32
    %shift_left3A_17 = vector.broadcast %shift_left3A_16 : i32 to vector<256x1024xi32>
    %shift_left3A_18 = arith.shli %bitcast_convert_type3A_15, %shift_left3A_17 : vector<256x1024xi32>
    %bitcast_convert_type3A_19 = tpu.bitcast %shift_left3A_18 : vector<256x1024xi32> -> vector<256x1024xf32>
    %and3A_20 = arith.constant -65536 : i32
    %and3A_21 = vector.broadcast %and3A_20 : i32 to vector<256x1024xi32>
    %and3A_22 = arith.andi %bitcast_convert_type3A_15, %and3A_21 : vector<256x1024xi32>
    %bitcast_convert_type3A_23 = tpu.bitcast %and3A_22 : vector<256x1024xi32> -> vector<256x1024xf32>
    %concatenate3A_24 = tpu.concatenate %bitcast_convert_type3A_19, %bitcast_convert_type3A_23 in 1 : vector<256x1024xf32>, vector<256x1024xf32> -> vector<256x2048xf32>
    %get3A_25 = arith.constant 0 : index
    %get3A_26 = arith.constant 3 : index
    %get3A_27 = vector.load %arg1[%get3A_25, %get3A_26] : memref<256x128xf32, #tpu.memory_space<vmem>>, vector<256x1xf32>
    %mul3A_28 = vector.broadcast %get3A_27 : vector<256x1xf32> to vector<256x2048xf32>
    %mul3A_29 = arith.mulf %concatenate3A_24, %mul3A_28 : vector<256x2048xf32>
    %add3A = arith.addf %mul3A_11, %mul3A_29 : vector<256x2048xf32>
    %swap3A = arith.constant 0 : index
    %swap3A_30 = arith.constant 0 : index
    %swap3A_31 = vector.load %arg4[%swap3A, %swap3A_30] : memref<256x2048xf32, #tpu.memory_space<vmem>>, vector<256x2048xf32>
    tpu.vector_store %arg4[%swap3A, %swap3A_30], %add3A {strides = array<i32>} : memref<256x2048xf32, #tpu.memory_space<vmem>>, vector<256x2048xf32>,
    return
  }
  func.func @transform_0(%arg0: i32) -> (i32, i32) {
    %c0_i32 = arith.constant 0 : i32
    %c0_i32_0 = arith.constant 0 : i32
    return %arg0, %c0_i32 : i32, i32
  }
  func.func @transform_1(%arg0: i32) -> (i32, i32) {
    %c0_i32 = arith.constant 0 : i32
    %c0_i32_0 = arith.constant 0 : i32
    return %arg0, %c0_i32 : i32, i32
  }
  func.func @transform_2(%arg0: i32) -> (i32, i32) {
    %c0_i32 = arith.constant 0 : i32
    %c0_i32_0 = arith.constant 0 : i32
    return %arg0, %c0_i32 : i32, i32
  }
  func.func @transform_3(%arg0: i32) -> (i32, i32) {
    %c0_i32 = arith.constant 0 : i32
    %c0_i32_0 = arith.constant 0 : i32
    return %arg0, %c0_i32 : i32, i32
  }
}

</mosaic_0001>

<sc_bundles>
// kernel: kernel.11.cloned.1.call-start
scs
__scs_entry_jumppad:
0x0: {  	(pc) =	sbr.rel $0x88, $3  }
0x1: {  	(tag) =	ssettag $0x0;
	lr =	simm.s32 $0x1  }
0x2: {  	[smem:$0x3F9C] =	sst lr;
	_ =	strace $0xD0000000  }
0x3: {  	_ = 	snop  }
0x4: {  	_ = 	snop  }
0x5: {  	_ = 	snop  }
0x6: {  	_ = 	snop  }
0x7: {  	_ = 	snop  }
__scs_overlays_trampoline_lowered:
0x8: {  	[smem:$0x3FAB] =	sst s0  }
0x9: {  	[smem:$0x3FAC] =	sst s1  }
0xa: {  	[smem:$0x3FAD] =	sst s2  }
0xb: {  	[smem:$0x3FAE] =	sst s3  }
0xc: {  	[smem:$0x3FAF] =	sst s4  }
0xd: {  	[smem:$0x3FB0] =	sst s5  }
0xe: {  	[smem:$0x3FB1] =	sst s6  }
0xf: {  	[smem:$0x3FB2] =	sst s7  }
0x10: {  	[smem:$0x3FB3] =	sst s8  }
0x11: {  	[smem:$0x3FB4] =	sst s9;
	s0 =	simm.s32 @!p0 $0x0  }
0x12: {  	s1 =	sld [smem:$0x3F9A];
	s0 =	simm.s32 @p0 $0x1  }
0x13: {  	[smem:$0x3FB5] =	sst s0;
	s0 =	simm.s32 @!p1 $0x0  }
0x14: {  	s2 =	sld [smem:$0x3F99];
	s0 =	simm.s32 @p1 $0x1  }
0x15: {  	[smem:$0x3FB6] =	sst s0;
	s0 =	simm.s32 @!p2 $0x0  }
0x16: {  	s3 =	sld [smem:$0x3FDB];
	s0 =	simm.s32 @p2 $0x1  }
0x17: {  	s4 =	simm.s32 $0x1BF5;
	[smem:$0x3FB8] =	sst s0  }
0x18: {  	s0 =	sld [smem:$0x3F9B];
	_ =	swait.ge [sflag:s4], $0x0  }
0x19: {  	s7 =	sld [smem:$0x3F9C]  }
0x1a: {  	s8 =	sadd.s32 $0xFFFFE003, lr  }
0x1b: {  	s9 =	sadd.s32 $0xFFFFFEF7, lr;
	s5 =	simm.s32 $0xFFFFFFFF;
	p2 =	slt.u32 s8, $0xFFFFF086  }
0x1c: {  	p1 =	slt.u32 s9, $0xF7A;
	s5 =	simm.s32 @!p2 $0x0  }
0x1d: {  	s5 =	simm.s32 @p1 $0x1;
	p0 =	seq.s32 s7, s2  }
0x1e: {  	s7 =	smul.u32 @!p0 $0xF7A, s2;
	p2 =	seq.s32 @!p0 s5, $0x0  }
0x1f: {  	s9 =	smul.u32 $0xF7A, s1;
	s8 =	simm.s32 @!p0 $0x1BF5;
	p2 =	por !p2, p0  }
0x20: {  	[sflag:s8] =	ssyncset.s32 @!p0 $0xFFFFF086;
	s6 =	sadd.s32 @!p0 s3, s7;
	s7 =	simm.s32 @!p0 $0x108  }
0x21: {  	s3 =	sadd.s32 s3, s9;
	s6 =	sadd.s32 @!p0 $0x88, s6;
	s7 =	simm.s32 @p2 $0x1082  }
0x22: {  	[simem:s7], [sflag:s8] =	dma.local @!p0 [hbm:s6], $0xF7A  }
0x23: {  	s9 =	sor.u32 $0xD0000000, s2;
	s6 =	simm.s32 $0x108;
	_ =	swait.ge @!p0 [sflag:s8], $0x0  }
0x24: {  	s3 =	sadd.s32 $0x88, s3;
	s6 =	simm.s32 @!p1 $0x1082;
	[sflag:s4] =	ssyncset.s32 $0xFFFFF086  }
0x25: {  	[simem:s6], [sflag:s4] =	dma.local [hbm:s3], $0xF7A  }
0x26: {  	[smem:$0x3F9C] =	sst s1;
	(tag) =	ssettag s2;
	_ =	strace s9  }
0x27: {  	s1 =	sld [smem:$0x3FAC]  }
0x28: {  	s2 =	sld [smem:$0x3FAD]  }
0x29: {  	s4 =	sld [smem:$0x3FAF]  }
0x2a: {  	p0 =	seq.s32 s5, $0x0;
	s5 =	sld [smem:$0x3FB0]  }
0x2b: {  	s6 =	sld [smem:$0x3FB1]  }
0x2c: {  	s7 =	sld [smem:$0x3FB2]  }
0x2d: {  	s3 =	simm.s32 $0x108;
	s8 =	sld [smem:$0x3FB3]  }
0x2e: {  	s3 =	simm.s32 @!p0 $0x1082;
	s9 =	sld [smem:$0x3FB4]  }
0x2f: {  	lr =	sadd.s32 s0, s3;
	s0 =	sld [smem:$0x3FAB]  }
0x30: {  	s3 =	sld [smem:$0x3FAE]  }
0x31: {  	[smem:$0x3FB7] =	sst s10  }
0x32: {  	s10 =	sld [smem:$0x3FB5];
	_ =	sdelay $0x3  }
0x33: {  	p0 =	seq.s32 s10, $0x1;
	s10 =	sld [smem:$0x3FB7];
	_ =	sdelay $0x3  }
0x34: {  	[smem:$0x3FB7] =	sst s10  }
0x35: {  	s10 =	sld [smem:$0x3FB6];
	_ =	sdelay $0x3  }
0x36: {  	p1 =	seq.s32 s10, $0x1;
	s10 =	sld [smem:$0x3FB7];
	_ =	sdelay $0x3  }
0x37: {  	[smem:$0x3FB7] =	sst s10  }
0x38: {  	s10 =	sld [smem:$0x3FB8]  }
0x39: {  	_ = 	snop;
	(pc) =	sbr.ind lr, $3  }
0x3a: {  	_ = 	snop  }
0x3b: {  	_ = 	snop  }
0x3c: {  	p2 =	seq.s32 s10, $0x1;
	s10 =	sld [smem:$0x3FB7]  }
0x3d: {  	_ =	shalt  }
0x3e: {  	_ =	shalt  }
0x3f: {  	_ =	shalt  }
0x40: {  	_ =	shalt  }
0x41: {  	_ =	shalt  }
0x42: {  	_ =	shalt  }
0x43: {  	_ =	shalt  }
0x44: {  	_ =	shalt  }
0x45: {  	_ =	shalt  }
0x46: {  	_ =	shalt  }
0x47: {  	_ =	shalt  }
0x48: {  	_ =	shalt  }
0x49: {  	_ =	shalt  }
0x4a: {  	_ =	shalt  }
0x4b: {  	_ =	shalt  }
0x4c: {  	_ =	shalt  }
0x4d: {  	_ =	shalt  }
0x4e: {  	_ =	shalt  }
0x4f: {  	_ =	shalt  }
0x50: {  	_ =	shalt  }
0x51: {  	_ =	shalt  }
0x52: {  	_ =	shalt  }
0x53: {  	_ =	shalt  }
0x54: {  	_ =	shalt  }
0x55: {  	_ =	shalt  }
0x56: {  	_ =	shalt  }
0x57: {  	_ =	shalt  }
0x58: {  	_ =	shalt  }
0x59: {  	_ =	shalt  }
0x5a: {  	_ =	shalt  }
0x5b: {  	_ =	shalt  }
0x5c: {  	_ =	shalt  }
0x5d: {  	_ =	shalt  }
0x5e: {  	_ =	shalt  }
0x5f: {  	_ =	shalt  }
0x60: {  	_ =	shalt  }
0x61: {  	_ =	shalt  }
0x62: {  	_ =	shalt  }
0x63: {  	_ =	shalt  }
0x64: {  	_ =	shalt  }
0x65: {  	_ =	shalt  }
0x66: {  	_ =	shalt  }
0x67: {  	_ =	shalt  }
0x68: {  	_ =	shalt  }
0x69: {  	_ =	shalt  }
0x6a: {  	_ =	shalt  }
0x6b: {  	_ =	shalt  }
0x6c: {  	_ =	shalt  }
0x6d: {  	_ =	shalt  }
0x6e: {  	_ =	shalt  }
0x6f: {  	_ =	shalt  }
0x70: {  	_ =	shalt  }
0x71: {  	_ =	shalt  }
0x72: {  	_ =	shalt  }
0x73: {  	_ =	shalt  }
0x74: {  	_ =	shalt  }
0x75: {  	_ =	shalt  }
0x76: {  	_ =	shalt  }
0x77: {  	_ =	shalt  }
0x78: {  	_ =	shalt  }
0x79: {  	_ =	shalt  }
0x7a: {  	_ =	shalt  }
0x7b: {  	_ =	shalt  }
0x7c: {  	_ =	shalt  }
0x7d: {  	_ =	shalt  }
0x7e: {  	_ =	shalt  }
0x7f: {  	_ =	shalt  }
0x80: {  	_ =	shalt  }
0x81: {  	_ =	shalt  }
0x82: {  	_ =	shalt  }
0x83: {  	_ =	shalt  }
0x84: {  	_ =	shalt  }
0x85: {  	_ =	shalt  }
0x86: {  	_ =	shalt  }
0x87: {  	_ =	shalt  }
.Lfunc_end0:
.L_simem_size_0:
called_computation.1_lowered:
.L_overlay_start_0:
0x88: {  	s2 =	sld [smem:$0x3FD9]  }
0x89: {  	s3 =	sld [smem:$0x3FFE];
	_ =	sdelay $0x1  }
0x8a: {  	s1 =	srdreg.scid  }
0x8b: {  	s0 =	sand.u32 $0x1, s1  }
0x8c: {  	s14 =	sshll.u32 s0, $0xA;
	s2 =	sadd.s32 s3, s2  }
0x8d: {  	s2 =	sadd.s32 s2, s14  }
0x8e: {  	[smem:$0x3FC3] =	sst s2  }
0x8f: {  	_ = 	snop  }
0x90: {  	s2 =	sld [smem:$0x3FD0];
	_ =	sdelay $0x2  }
0x91: {  	s15 =	simm.s32 $0xA;
	s4 =	simm.s32 $0x10  }
0x92: {  	[smem:s4], [sflag:s15] =	dma.local [hbm:s2], $0x1  }
0x93: {  	_ =	swait.eq [sflag:s15], $0x1  }
0x94: {  	[sflag:s15] =	ssyncset.done $0x0  }
0x95: {  	[sflag:s15] =	ssyncadd.s32 $0xFFFFFFFF  }
0x96: {  	s16 =	sld [smem:$0x10];
	(tm) =	ssettm $0x1  }
0x97: {  	s17 =	sld [smem:$0x3FFB];
	_ =	sdelay $0x3  }
0x98: {  	_ =	strace s17  }
0x99: {  	s3 =	sld [smem:$0x3FFC];
	_ =	sdelay $0x3  }
0x9a: {  	_ =	strace s3  }
0x9b: {  	s3 =	sld [smem:$0x3FFD];
	_ =	sdelay $0x3  }
0x9c: {  	_ =	strace s3  }
0x9d: {  	_ =	strace $0x8FFFFFFF  }
0x9e: {  	s18 =	sld [smem:$0x3FDB];
	_ =	sdelay $0x1  }
0x9f: {  	s19 =	simm.s32 $_scs_section_size  }
0xa0: {  	s5 =	simm.s32 $_size__tile_overlayer_lowered;
	s6 =	simm.s32 $_tile_overlayer_lowered  }
0xa1: {  	s22 =	simm.s32 $0x1BFF;
	s21 =	sshll.u32 s6, $0x1;
	s3 =	sadd.s32 s19, s18  }
0xa2: {  	s7 =	simm.s32 $0x0;
	s20 =	sshll.u32 s5, $0x1;
	s5 =	sadd.s32 s21, s3  }
0xa3: {  	[timem:s7], [sflag:s22] =	dma.local [hbm:s5], s20  }
0xa4: {  	_ =	swait.ge [sflag:s22], s20  }
0xa5: {  	s4 =	ssub.s32 $0x0, s20;
	[sflag:s22] =	ssyncset.done $0x0  }
0xa6: {  	[sflag:s22] =	ssyncadd.s32 s4;
	_ =	sdelay $0x1  }
0xa7: {  	s23 =	simm.s32 $0x1B8B  }
0xa8: {  	_ =	swait.ge [sflag:s23], $0x1  }
0xa9: {  	[sflag:s23] =	ssyncset.done $0x0  }
0xaa: {  	s25 =	simm.s32 $0x1B8E;
	s24 =	sld [smem:$0x3FFE];
	[sflag:s23] =	ssyncadd.s32 $0xFFFFFFFF  }
0xab: {  	s26 =	simm.s32 $execute0_lowered;
	[smem:$0x3FD2] =	sst s25  }
0xac: {  	s5 =	sshll.u32 s26, $0x1;
	_ =	strace $0x80000049;
	[dreg:$0x1] =	wrdreg $0xFFFFFFFF  }
0xad: {  	s28 =	simm.s32 $_size_execute0_lowered;
	s3 =	sadd.s32 s3, s5;
	[dreg:$0x0] =	wrdreg $0x0  }
0xae: {  	s5 =	sshll.u32 s28, $0x1;
	[dreg:$0x2] =	wrdreg s3  }
0xaf: {  	[dreg:$0x3] =	wrdreg s5  }
0xb0: {  	[dreg:$0x4] =	wrdreg $0xC0  }
0xb1: {  	_ =	task [dreg:s7], $0x5FFFF  }
0xb2: {  	[dreg:$0x1] =	wrdreg $0xFFFFFFFF  }
0xb3: {  	[dreg:$0x0] =	wrdreg $0x60  }
0xb4: {  	[dreg:$0x2] =	wrdreg s24  }
0xb5: {  	[dreg:$0x3] =	wrdreg s16  }
0xb6: {  	[dreg:$0x4] =	wrdreg $0x9  }
0xb7: {  	_ =	task.clear_ibuf [dreg:s7], $0x5FFFF;
	_ =	strace $0x90000049  }
0xb8: {  	s29 =	simm.s32 $0x9;
	_ =	strace $0x8000004B  }
0xb9: {  	_ =	swait.ge [sflag:s29], $0x1  }
0xba: {  	[sflag:s29] =	ssyncadd.s32 $0xFFFFFFFF  }
0xbb: {  	_ =	strace $0x9000004B  }
0xbc: {  	_ =	sfence  }
0xbd: {  	s30 =	sld [smem:$0x0];
	_ =	sdelay $0x2  }
0xbe: {  	s31 =	sshll.u32 s1, $0xD;
	s1 =	sshrl.u32 s1, $0x2  }
0xbf: {  	s3 =	sand.u32 $0x4000, s31;
	s1 =	sadd.s32 s1, s30  }
0xc0: {  	s0 =	sor.u32 s3, s0;
	s1 =	sshll.u32 s1, $0x11  }
0xc1: {  	s0 =	sor.u32 s1, s0  }
0xc2: {  	s0 =	sadd.s32 $0x8F2B, s0  }
0xc3: {  	[sflag:s0] =	ssyncadd.remote.s32 $0x1  }
0xc4: {  	_ =	sfence.sel $0xFFFF  }
0xc5: {  	[dreg:$0x0] =	wrdreg $0xFFFFFFFF;
	(pc) =	sbr.abs _section_cstart, $3  }
0xc6: {  	[dreg:$0x1] =	wrdreg $0xFFFFFFFF  }
0xc7: {  	_ =	task.clear_ibuf [dreg:s7], $0x2FFFF;
	_ =	strace $0x9FFFFFFF  }
0xc8: {  	(tm) =	ssettm $0x7FFFFFFF  }
0xc9: {  	_ =	shalt  }
tec
execute0_lowered:
.L_overlay_start_1:
0x0: {  	(tag) =	ssettag $0x1  }
0x1: {  	s0 =	rddreg [dreg:$0x0]  }
0x2: {  	s8 =	rddreg [dreg:$0x1];
	s3 =	srdreg.scid  }
0x3: {  	s1 =	stileid.u32;
	s2 =	simm.s32 $0x0;
	s13 =	simm.s32 $0x400  }
0x4: {  	s14 =	simm.s32 $0xC00;
	s15 =	simm.s32 $0x1400;
	s16 =	simm.s32 $0x1C00  }
0x5: {  	s17 =	simm.s32 $0x2400;
	s18 =	simm.s32 $0x2C00;
	s19 =	simm.s32 $0x3400  }
0x6: {  	s28 =	simm.s32 $0x6C00;
	s29 =	simm.s32 $0x7400;
	s30 =	simm.s32 $0x7C00  }
0x7: {  	s31 =	simm.s32 $0x2;
	s3 =	sand.u32 $0x1, s3;
	s4 =	sshll.u32 s1, $0x1  }
0x8: {  	[smem:$0x7FF] =	sst s2;
	s9 =	sadd.s32 $0x11800, s0;
	s4 =	sor.u32 s3, s4  }
0x9: {  	_ =	strace $0x8000004A;
	s6 =	ssub.s32 $0x2, s3;
	s3 =	sadd.s32 $0xD5200, s0  }
0xa: {  	s5 =	sshll.u32 s4, $0x6;
	s7 =	sshrl.u32 s6, $0x1;
	s11 =	sshll.u32 s4, $0xD  }
0xb: {  	s4 =	sadd.s32 $0xD5300, s0;
	s5 =	sadd.s32 s5, s0;
	s10 =	ssub.s32 s6, s7  }
0xc: {  	s21 =	sadd.s32 s8, s11;
	s22 =	sadd.s32 s9, s11;
	s23 =	sor.u32 $0x800, s11  }
0xd: {  	s12 =	sor.u32 $0x1000, s11;
	s6 =	sadd.s32 $0xD5500, s0;
	s26 =	sor.u32 $0x1800, s11  }
0xe: {  	s11 =	simm.s32 $0x4;
	s20 =	sadd.s32 $0xD3800, s5;
	[dreg:$0x5] =	wrdreg s21  }
0xf: {  	s5 =	sadd.s32 $0xD4000, s5;
	[dreg:$0x6] =	wrdreg s22;
	s24 =	sadd.s32 s8, s23  }
0x10: {  	s7 =	sadd.s32 s9, s23;
	s25 =	sadd.s32 s8, s12;
	[dreg:$0x3] =	wrdreg s20  }
0x11: {  	s8 =	sadd.s32 s8, s26;
	s10 =	smax.u32 s10, $0x1;
	[dreg:$0x4] =	wrdreg s5  }
0x12: {  	s21 =	simm.s32 $0x1;
	s22 =	simm.s32 $0x4400;
	[dreg:$0x7] =	wrdreg s24  }
0x13: {  	s23 =	simm.s32 $0x4C00;
	s5 =	sadd.s32 $0xD5400, s0;
	[dreg:$0x8] =	wrdreg s7  }
0x14: {  	v2 =	vlaneseq.u32;
	[dreg:$0x9] =	wrdreg s25;
	s7 =	sadd.s32 s9, s12;
	s9 =	sadd.s32 s9, s26  }
0x15: {  	vm0 =	vmmov $0xffff;
	v1 =	vshrl.u32 v2, $0x3;
	s12 =	simm.s32 $0x200;
	s20 =	simm.s32 $0x3C00;
	s24 =	simm.s32 $0x5400  }
0x16: {  	v0 =	vand.u32 $0x7, v2;
	v2 =	vor.u32 $0x8, v2;
	v1 =	vmul.u32 $0x8, v1;
	s25 =	simm.s32 $0x5C00;
	s26 =	simm.s32 $0x6400;
	s0 =	simm.s32 $0x3  }
.LBB2_1:
0x17: {  	s1 =	rddreg [dreg:$0x3]  }
0x18: {  	[tilespmem:s2], [sflag:$0x4] =	stream.linear.gather [hbm4b:s1+s2], $0x200, $0x38;
	[tilespmem:$0x8400] =	vst v63  }
0x19: {  	_ =	swait.ge [sflag:s11], $0x200  }
0x1a: {  	[sflag:s11] =	ssyncset.done $0x0  }
0x1b: {  	s1 =	rddreg [dreg:$0x4];
	[sflag:s11] =	ssyncadd.s32 $0xFFFFFE00  }
0x1c: {  	[tilespmem:s12], [sflag:$0x4] =	stream.linear.gather [hbm4b:s1+s2], $0x200, $0x38;
	[tilespmem:$0x8400] =	vst v63  }
0x1d: {  	_ =	swait.ge [sflag:s11], $0x200  }
0x1e: {  	[sflag:s11] =	ssyncset.done $0x0  }
0x1f: {  	[sflag:s11] =	ssyncadd.s32 $0xFFFFFE00  }
0x20: {  	v3 =	vld [tilespmem:$0x0];
	_ =	sdelay $0x4  }
0x21: {  	v4 =	vshll.u32 v3, $0x3  }
0x22: {  	v3 =	vand.u32 $0x7, v3;
	v4 =	vand.u32 $0xFFFFFFC0, v4  }
0x23: {  	v3 =	vor.u32 v3, v4  }
0x24: {  	v4 =	vperm.xlane v3, v0;
	_ =	sdelay $0x1  }
0x25: {  	v4 =	vadd.s32 v1, v4;
	_ =	sdelay $0x4  }
0x26: {  	[tilespmem:s13], [sflag:$0x1] =	stream.indirect_vreg.gather [hbm4b:s3+s2], $0x80, v4, vm0, $0xb8;
	[tilespmem:$0x8400] =	vst v63  }
0x27: {  	v3 =	vperm.xlane v3, v2  }
0x28: {  	[tilespmem:s14], [sflag:$0x1] =	stream.indirect_vreg.gather [hbm4b:s4+s2], $0x80, v4, vm0, $0xb8;
	[tilespmem:$0x8400] =	vst v63  }
0x29: {  	v3 =	vadd.s32 v1, v3  }
0x2a: {  	[tilespmem:s15], [sflag:$0x1] =	stream.indirect_vreg.gather [hbm4b:s5+s2], $0x80, v4, vm0, $0xb8;
	[tilespmem:$0x8400] =	vst v63  }
0x2b: {  	_ = 	snop  }
0x2c: {  	[tilespmem:s16], [sflag:$0x1] =	stream.indirect_vreg.gather [hbm4b:s6+s2], $0x80, v4, vm0, $0xb8;
	[tilespmem:$0x8400] =	vst v63  }
0x2d: {  	_ = 	snop  }
0x2e: {  	[tilespmem:s17], [sflag:$0x1] =	stream.indirect_vreg.gather [hbm4b:s3+s2], $0x80, v3, vm0, $0xb8;
	[tilespmem:$0x8400] =	vst v63  }
0x2f: {  	_ = 	snop  }
0x30: {  	[tilespmem:s18], [sflag:$0x1] =	stream.indirect_vreg.gather [hbm4b:s4+s2], $0x80, v3, vm0, $0xb8;
	[tilespmem:$0x8400] =	vst v63  }
0x31: {  	_ = 	snop  }
0x32: {  	[tilespmem:s19], [sflag:$0x1] =	stream.indirect_vreg.gather [hbm4b:s5+s2], $0x80, v3, vm0, $0xb8;
	[tilespmem:$0x8400] =	vst v63  }
0x33: {  	_ = 	snop  }
0x34: {  	[tilespmem:s20], [sflag:$0x1] =	stream.indirect_vreg.gather [hbm4b:s6+s2], $0x80, v3, vm0, $0xb8;
	[tilespmem:$0x8400] =	vst v63  }
0x35: {  	_ =	swait.ge [sflag:s21], $0x4000  }
0x36: {  	[sflag:s21] =	ssyncset.done $0x0  }
0x37: {  	s1 =	rddreg [dreg:$0x5];
	[sflag:s21] =	ssyncadd.s32 $0xFFFFC000  }
0x38: {  	[hbm4b:s1+s2] =	stream.linear.scatter [tilespmem:s13], [sflag:$0x2], $0x4000, $0x38;
	[tilespmem:$0x8400] =	vst v63  }
0x39: {  	v3 =	vld [tilespmem:$0x200];
	_ =	sdelay $0x4  }
0x3a: {  	v57 =	vshll.u32 v3, $0x3  }
0x3b: {  	v3 =	vand.u32 $0x7, v3;
	v4 =	vand.u32 $0xFFFFFFC0, v57  }
0x3c: {  	v3 =	vor.u32 v3, v4  }
0x3d: {  	v4 =	vperm.xlane v3, v0;
	_ =	sdelay $0x1  }
0x3e: {  	v4 =	vadd.s32 v1, v4;
	_ =	sdelay $0x4  }
0x3f: {  	[tilespmem:s22], [sflag:$0x1] =	stream.indirect_vreg.gather [hbm4b:s3+s2], $0x80, v4, vm0, $0xb8;
	[tilespmem:$0x8400] =	vst v63  }
0x40: {  	v3 =	vperm.xlane v3, v2  }
0x41: {  	[tilespmem:s23], [sflag:$0x1] =	stream.indirect_vreg.gather [hbm4b:s4+s2], $0x80, v4, vm0, $0xb8;
	[tilespmem:$0x8400] =	vst v63  }
0x42: {  	v3 =	vadd.s32 v1, v3  }
0x43: {  	[tilespmem:s24], [sflag:$0x1] =	stream.indirect_vreg.gather [hbm4b:s5+s2], $0x80, v4, vm0, $0xb8;
	[tilespmem:$0x8400] =	vst v63  }
0x44: {  	_ = 	snop  }
0x45: {  	[tilespmem:s25], [sflag:$0x1] =	stream.indirect_vreg.gather [hbm4b:s6+s2], $0x80, v4, vm0, $0xb8;
	[tilespmem:$0x8400] =	vst v63  }
0x46: {  	_ = 	snop  }
0x47: {  	[tilespmem:s26], [sflag:$0x1] =	stream.indirect_vreg.gather [hbm4b:s3+s2], $0x80, v3, vm0, $0xb8;
	[tilespmem:$0x8400] =	vst v63  }
0x48: {  	_ = 	snop  }
0x49: {  	[tilespmem:s28], [sflag:$0x1] =	stream.indirect_vreg.gather [hbm4b:s4+s2], $0x80, v3, vm0, $0xb8;
	[tilespmem:$0x8400] =	vst v63  }
0x4a: {  	_ = 	snop  }
0x4b: {  	[tilespmem:s29], [sflag:$0x1] =	stream.indirect_vreg.gather [hbm4b:s5+s2], $0x80, v3, vm0, $0xb8;
	[tilespmem:$0x8400] =	vst v63  }
0x4c: {  	_ = 	snop  }
0x4d: {  	[tilespmem:s30], [sflag:$0x1] =	stream.indirect_vreg.gather [hbm4b:s6+s2], $0x80, v3, vm0, $0xb8;
	[tilespmem:$0x8400] =	vst v63  }
0x4e: {  	_ =	swait.ge [sflag:s21], $0x4000  }
0x4f: {  	[sflag:s21] =	ssyncset.done $0x0  }
0x50: {  	s1 =	rddreg [dreg:$0x6];
	[sflag:s21] =	ssyncadd.s32 $0xFFFFC000  }
0x51: {  	[hbm4b:s1+s2] =	stream.linear.scatter [tilespmem:s22], [sflag:$0x3], $0x4000, $0x38;
	[tilespmem:$0x8400] =	vst v63  }
0x52: {  	_ =	swait.ge [sflag:s31], $0x4000  }
0x53: {  	[sflag:s31] =	ssyncset.done $0x0  }
0x54: {  	[sflag:s31] =	ssyncadd.s32 $0xFFFFC000  }
0x55: {  	v3 =	vld [tilespmem:$0x80];
	_ =	sdelay $0x4  }
0x56: {  	v58 =	vshll.u32 v3, $0x3  }
0x57: {  	v3 =	vand.u32 $0x7, v3;
	v4 =	vand.u32 $0xFFFFFFC0, v58  }
0x58: {  	v3 =	vor.u32 v3, v4  }
0x59: {  	v4 =	vperm.xlane v3, v0;
	_ =	sdelay $0x1  }
0x5a: {  	v4 =	vadd.s32 v1, v4;
	_ =	sdelay $0x4  }
0x5b: {  	[tilespmem:s13], [sflag:$0x1] =	stream.indirect_vreg.gather [hbm4b:s3+s2], $0x80, v4, vm0, $0xb8;
	[tilespmem:$0x8400] =	vst v63  }
0x5c: {  	v3 =	vperm.xlane v3, v2  }
0x5d: {  	[tilespmem:s14], [sflag:$0x1] =	stream.indirect_vreg.gather [hbm4b:s4+s2], $0x80, v4, vm0, $0xb8;
	[tilespmem:$0x8400] =	vst v63  }
0x5e: {  	v3 =	vadd.s32 v1, v3  }
0x5f: {  	[tilespmem:s15], [sflag:$0x1] =	stream.indirect_vreg.gather [hbm4b:s5+s2], $0x80, v4, vm0, $0xb8;
	[tilespmem:$0x8400] =	vst v63  }
0x60: {  	_ = 	snop  }
0x61: {  	[tilespmem:s16], [sflag:$0x1] =	stream.indirect_vreg.gather [hbm4b:s6+s2], $0x80, v4, vm0, $0xb8;
	[tilespmem:$0x8400] =	vst v63  }
0x62: {  	_ = 	snop  }
0x63: {  	[tilespmem:s17], [sflag:$0x1] =	stream.indirect_vreg.gather [hbm4b:s3+s2], $0x80, v3, vm0, $0xb8;
	[tilespmem:$0x8400] =	vst v63  }
0x64: {  	_ = 	snop  }
0x65: {  	[tilespmem:s18], [sflag:$0x1] =	stream.indirect_vreg.gather [hbm4b:s4+s2], $0x80, v3, vm0, $0xb8;
	[tilespmem:$0x8400] =	vst v63  }
0x66: {  	_ = 	snop  }
0x67: {  	[tilespmem:s19], [sflag:$0x1] =	stream.indirect_vreg.gather [hbm4b:s5+s2], $0x80, v3, vm0, $0xb8;
	[tilespmem:$0x8400] =	vst v63  }
0x68: {  	_ = 	snop  }
0x69: {  	[tilespmem:s20], [sflag:$0x1] =	stream.indirect_vreg.gather [hbm4b:s6+s2], $0x80, v3, vm0, $0xb8;
	[tilespmem:$0x8400] =	vst v63  }
0x6a: {  	_ =	swait.ge [sflag:s21], $0x4000  }
0x6b: {  	[sflag:s21] =	ssyncset.done $0x0  }
0x6c: {  	s1 =	rddreg [dreg:$0x7];
	[sflag:s21] =	ssyncadd.s32 $0xFFFFC000  }
0x6d: {  	[hbm4b:s1+s2] =	stream.linear.scatter [tilespmem:s13], [sflag:$0x2], $0x4000, $0x38;
	[tilespmem:$0x8400] =	vst v63  }
0x6e: {  	_ =	swait.ge [sflag:s0], $0x4000  }
0x6f: {  	[sflag:s0] =	ssyncset.done $0x0  }
0x70: {  	[sflag:s0] =	ssyncadd.s32 $0xFFFFC000  }
0x71: {  	v3 =	vld [tilespmem:$0x280];
	_ =	sdelay $0x4  }
0x72: {  	v59 =	vshll.u32 v3, $0x3  }
0x73: {  	v3 =	vand.u32 $0x7, v3;
	v4 =	vand.u32 $0xFFFFFFC0, v59  }
0x74: {  	v3 =	vor.u32 v3, v4  }
0x75: {  	v4 =	vperm.xlane v3, v0;
	_ =	sdelay $0x1  }
0x76: {  	v4 =	vadd.s32 v1, v4;
	_ =	sdelay $0x4  }
0x77: {  	[tilespmem:s22], [sflag:$0x1] =	stream.indirect_vreg.gather [hbm4b:s3+s2], $0x80, v4, vm0, $0xb8;
	[tilespmem:$0x8400] =	vst v63  }
0x78: {  	v3 =	vperm.xlane v3, v2  }
0x79: {  	[tilespmem:s23], [sflag:$0x1] =	stream.indirect_vreg.gather [hbm4b:s4+s2], $0x80, v4, vm0, $0xb8;
	[tilespmem:$0x8400] =	vst v63  }
0x7a: {  	v3 =	vadd.s32 v1, v3  }
0x7b: {  	[tilespmem:s24], [sflag:$0x1] =	stream.indirect_vreg.gather [hbm4b:s5+s2], $0x80, v4, vm0, $0xb8;
	[tilespmem:$0x8400] =	vst v63  }
0x7c: {  	_ = 	snop  }
0x7d: {  	[tilespmem:s25], [sflag:$0x1] =	stream.indirect_vreg.gather [hbm4b:s6+s2], $0x80, v4, vm0, $0xb8;
	[tilespmem:$0x8400] =	vst v63  }
0x7e: {  	_ = 	snop  }
0x7f: {  	[tilespmem:s26], [sflag:$0x1] =	stream.indirect_vreg.gather [hbm4b:s3+s2], $0x80, v3, vm0, $0xb8;
	[tilespmem:$0x8400] =	vst v63  }
0x80: {  	_ = 	snop  }
0x81: {  	[tilespmem:s28], [sflag:$0x1] =	stream.indirect_vreg.gather [hbm4b:s4+s2], $0x80, v3, vm0, $0xb8;
	[tilespmem:$0x8400] =	vst v63  }
0x82: {  	_ = 	snop  }
0x83: {  	[tilespmem:s29], [sflag:$0x1] =	stream.indirect_vreg.gather [hbm4b:s5+s2], $0x80, v3, vm0, $0xb8;
	[tilespmem:$0x8400] =	vst v63  }
0x84: {  	_ = 	snop  }
0x85: {  	[tilespmem:s30], [sflag:$0x1] =	stream.indirect_vreg.gather [hbm4b:s6+s2], $0x80, v3, vm0, $0xb8;
	[tilespmem:$0x8400] =	vst v63  }
0x86: {  	_ =	swait.ge [sflag:s21], $0x4000  }
0x87: {  	[sflag:s21] =	ssyncset.done $0x0  }
0x88: {  	s1 =	rddreg [dreg:$0x8];
	[sflag:s21] =	ssyncadd.s32 $0xFFFFC000  }
0x89: {  	[hbm4b:s1+s2] =	stream.linear.scatter [tilespmem:s22], [sflag:$0x3], $0x4000, $0x38;
	[tilespmem:$0x8400] =	vst v63  }
0x8a: {  	_ =	swait.ge [sflag:s31], $0x4000  }
0x8b: {  	[sflag:s31] =	ssyncset.done $0x0  }
0x8c: {  	[sflag:s31] =	ssyncadd.s32 $0xFFFFC000  }
0x8d: {  	v3 =	vld [tilespmem:$0x100];
	_ =	sdelay $0x4  }
0x8e: {  	v60 =	vshll.u32 v3, $0x3  }
0x8f: {  	v3 =	vand.u32 $0x7, v3;
	v4 =	vand.u32 $0xFFFFFFC0, v60  }
0x90: {  	v3 =	vor.u32 v3, v4  }
0x91: {  	v4 =	vperm.xlane v3, v0;
	_ =	sdelay $0x1  }
0x92: {  	v4 =	vadd.s32 v1, v4;
	_ =	sdelay $0x4  }
0x93: {  	[tilespmem:s13], [sflag:$0x1] =	stream.indirect_vreg.gather [hbm4b:s3+s2], $0x80, v4, vm0, $0xb8;
	[tilespmem:$0x8400] =	vst v63  }
0x94: {  	v3 =	vperm.xlane v3, v2  }
0x95: {  	[tilespmem:s14], [sflag:$0x1] =	stream.indirect_vreg.gather [hbm4b:s4+s2], $0x80, v4, vm0, $0xb8;
	[tilespmem:$0x8400] =	vst v63  }
0x96: {  	v3 =	vadd.s32 v1, v3  }
0x97: {  	[tilespmem:s15], [sflag:$0x1] =	stream.indirect_vreg.gather [hbm4b:s5+s2], $0x80, v4, vm0, $0xb8;
	[tilespmem:$0x8400] =	vst v63  }
0x98: {  	_ = 	snop  }
0x99: {  	[tilespmem:s16], [sflag:$0x1] =	stream.indirect_vreg.gather [hbm4b:s6+s2], $0x80, v4, vm0, $0xb8;
	[tilespmem:$0x8400] =	vst v63  }
0x9a: {  	_ = 	snop  }
0x9b: {  	[tilespmem:s17], [sflag:$0x1] =	stream.indirect_vreg.gather [hbm4b:s3+s2], $0x80, v3, vm0, $0xb8;
	[tilespmem:$0x8400] =	vst v63  }
0x9c: {  	_ = 	snop  }
0x9d: {  	[tilespmem:s18], [sflag:$0x1] =	stream.indirect_vreg.gather [hbm4b:s4+s2], $0x80, v3, vm0, $0xb8;
	[tilespmem:$0x8400] =	vst v63  }
0x9e: {  	_ = 	snop  }
0x9f: {  	[tilespmem:s19], [sflag:$0x1] =	stream.indirect_vreg.gather [hbm4b:s5+s2], $0x80, v3, vm0, $0xb8;
	[tilespmem:$0x8400] =	vst v63  }
0xa0: {  	_ = 	snop  }
0xa1: {  	[tilespmem:s20], [sflag:$0x1] =	stream.indirect_vreg.gather [hbm4b:s6+s2], $0x80, v3, vm0, $0xb8;
	[tilespmem:$0x8400] =	vst v63  }
0xa2: {  	_ =	swait.ge [sflag:s21], $0x4000  }
0xa3: {  	[sflag:s21] =	ssyncset.done $0x0  }
0xa4: {  	s1 =	rddreg [dreg:$0x9];
	[sflag:s21] =	ssyncadd.s32 $0xFFFFC000  }
0xa5: {  	[hbm4b:s1+s2] =	stream.linear.scatter [tilespmem:s13], [sflag:$0x2], $0x4000, $0x38;
	[tilespmem:$0x8400] =	vst v63  }
0xa6: {  	_ =	swait.ge [sflag:s0], $0x4000  }
0xa7: {  	[sflag:s0] =	ssyncset.done $0x0  }
0xa8: {  	[sflag:s0] =	ssyncadd.s32 $0xFFFFC000  }
0xa9: {  	v3 =	vld [tilespmem:$0x300];
	_ =	sdelay $0x4  }
0xaa: {  	v61 =	vshll.u32 v3, $0x3  }
0xab: {  	v3 =	vand.u32 $0x7, v3;
	v4 =	vand.u32 $0xFFFFFFC0, v61  }
0xac: {  	v3 =	vor.u32 v3, v4  }
0xad: {  	v4 =	vperm.xlane v3, v0;
	_ =	sdelay $0x1  }
0xae: {  	v4 =	vadd.s32 v1, v4;
	_ =	sdelay $0x4  }
0xaf: {  	[tilespmem:s22], [sflag:$0x1] =	stream.indirect_vreg.gather [hbm4b:s3+s2], $0x80, v4, vm0, $0xb8;
	[tilespmem:$0x8400] =	vst v63  }
0xb0: {  	v3 =	vperm.xlane v3, v2  }
0xb1: {  	[tilespmem:s23], [sflag:$0x1] =	stream.indirect_vreg.gather [hbm4b:s4+s2], $0x80, v4, vm0, $0xb8;
	[tilespmem:$0x8400] =	vst v63  }
0xb2: {  	v3 =	vadd.s32 v1, v3  }
0xb3: {  	[tilespmem:s24], [sflag:$0x1] =	stream.indirect_vreg.gather [hbm4b:s5+s2], $0x80, v4, vm0, $0xb8;
	[tilespmem:$0x8400] =	vst v63  }
0xb4: {  	_ = 	snop  }
0xb5: {  	[tilespmem:s25], [sflag:$0x1] =	stream.indirect_vreg.gather [hbm4b:s6+s2], $0x80, v4, vm0, $0xb8;
	[tilespmem:$0x8400] =	vst v63  }
0xb6: {  	_ = 	snop  }
0xb7: {  	[tilespmem:s26], [sflag:$0x1] =	stream.indirect_vreg.gather [hbm4b:s3+s2], $0x80, v3, vm0, $0xb8;
	[tilespmem:$0x8400] =	vst v63  }
0xb8: {  	_ = 	snop  }
0xb9: {  	[tilespmem:s28], [sflag:$0x1] =	stream.indirect_vreg.gather [hbm4b:s4+s2], $0x80, v3, vm0, $0xb8;
	[tilespmem:$0x8400] =	vst v63  }
0xba: {  	_ = 	snop  }
0xbb: {  	[tilespmem:s29], [sflag:$0x1] =	stream.indirect_vreg.gather [hbm4b:s5+s2], $0x80, v3, vm0, $0xb8;
	[tilespmem:$0x8400] =	vst v63  }
0xbc: {  	_ = 	snop  }
0xbd: {  	[tilespmem:s30], [sflag:$0x1] =	stream.indirect_vreg.gather [hbm4b:s6+s2], $0x80, v3, vm0, $0xb8;
	[tilespmem:$0x8400] =	vst v63  }
0xbe: {  	_ =	swait.ge [sflag:s21], $0x4000  }
0xbf: {  	[sflag:s21] =	ssyncset.done $0x0  }
0xc0: {  	[sflag:s21] =	ssyncadd.s32 $0xFFFFC000  }
0xc1: {  	[hbm4b:s7+s2] =	stream.linear.scatter [tilespmem:s22], [sflag:$0x3], $0x4000, $0x38;
	[tilespmem:$0x8400] =	vst v63  }
0xc2: {  	_ =	swait.ge [sflag:s31], $0x4000  }
0xc3: {  	[sflag:s31] =	ssyncset.done $0x0  }
0xc4: {  	[sflag:s31] =	ssyncadd.s32 $0xFFFFC000  }
0xc5: {  	v3 =	vld [tilespmem:$0x180];
	_ =	sdelay $0x4  }
0xc6: {  	v62 =	vshll.u32 v3, $0x3  }
0xc7: {  	v3 =	vand.u32 $0x7, v3;
	v4 =	vand.u32 $0xFFFFFFC0, v62  }
0xc8: {  	v3 =	vor.u32 v3, v4  }
0xc9: {  	v4 =	vperm.xlane v3, v0;
	_ =	sdelay $0x1  }
0xca: {  	v4 =	vadd.s32 v1, v4;
	_ =	sdelay $0x4  }
0xcb: {  	[tilespmem:s13], [sflag:$0x1] =	stream.indirect_vreg.gather [hbm4b:s3+s2], $0x80, v4, vm0, $0xb8;
	[tilespmem:$0x8400] =	vst v63  }
0xcc: {  	v3 =	vperm.xlane v3, v2  }
0xcd: {  	[tilespmem:s14], [sflag:$0x1] =	stream.indirect_vreg.gather [hbm4b:s4+s2], $0x80, v4, vm0, $0xb8;
	[tilespmem:$0x8400] =	vst v63  }
0xce: {  	v3 =	vadd.s32 v1, v3  }
0xcf: {  	[tilespmem:s15], [sflag:$0x1] =	stream.indirect_vreg.gather [hbm4b:s5+s2], $0x80, v4, vm0, $0xb8;
	[tilespmem:$0x8400] =	vst v63  }
0xd0: {  	_ = 	snop  }
0xd1: {  	[tilespmem:s16], [sflag:$0x1] =	stream.indirect_vreg.gather [hbm4b:s6+s2], $0x80, v4, vm0, $0xb8;
	[tilespmem:$0x8400] =	vst v63  }
0xd2: {  	_ = 	snop  }
0xd3: {  	[tilespmem:s17], [sflag:$0x1] =	stream.indirect_vreg.gather [hbm4b:s3+s2], $0x80, v3, vm0, $0xb8;
	[tilespmem:$0x8400] =	vst v63  }
0xd4: {  	_ = 	snop  }
0xd5: {  	[tilespmem:s18], [sflag:$0x1] =	stream.indirect_vreg.gather [hbm4b:s4+s2], $0x80, v3, vm0, $0xb8;
	[tilespmem:$0x8400] =	vst v63  }
0xd6: {  	_ = 	snop  }
0xd7: {  	[tilespmem:s19], [sflag:$0x1] =	stream.indirect_vreg.gather [hbm4b:s5+s2], $0x80, v3, vm0, $0xb8;
	[tilespmem:$0x8400] =	vst v63  }
0xd8: {  	_ = 	snop  }
0xd9: {  	[tilespmem:s20], [sflag:$0x1] =	stream.indirect_vreg.gather [hbm4b:s6+s2], $0x80, v3, vm0, $0xb8;
	[tilespmem:$0x8400] =	vst v63  }
0xda: {  	_ =	swait.ge [sflag:s21], $0x4000  }
0xdb: {  	[sflag:s21] =	ssyncset.done $0x0  }
0xdc: {  	[sflag:s21] =	ssyncadd.s32 $0xFFFFC000  }
0xdd: {  	[hbm4b:s8+s2] =	stream.linear.scatter [tilespmem:s13], [sflag:$0x2], $0x4000, $0x38;
	[tilespmem:$0x8400] =	vst v63  }
0xde: {  	_ =	swait.ge [sflag:s0], $0x4000  }
0xdf: {  	[sflag:s0] =	ssyncset.done $0x0  }
0xe0: {  	[sflag:s0] =	ssyncadd.s32 $0xFFFFC000  }
0xe1: {  	v3 =	vld [tilespmem:$0x380];
	_ =	sdelay $0x4  }
0xe2: {  	v63 =	vshll.u32 v3, $0x3  }
0xe3: {  	v3 =	vand.u32 $0x7, v3;
	v4 =	vand.u32 $0xFFFFFFC0, v63  }
0xe4: {  	v3 =	vor.u32 v3, v4  }
0xe5: {  	v4 =	vperm.xlane v3, v0;
	_ =	sdelay $0x1  }
0xe6: {  	v4 =	vadd.s32 v1, v4;
	_ =	sdelay $0x4  }
0xe7: {  	[tilespmem:s22], [sflag:$0x1] =	stream.indirect_vreg.gather [hbm4b:s3+s2], $0x80, v4, vm0, $0xb8;
	[tilespmem:$0x8400] =	vst v63  }
0xe8: {  	v3 =	vperm.xlane v3, v2  }
0xe9: {  	[tilespmem:s23], [sflag:$0x1] =	stream.indirect_vreg.gather [hbm4b:s4+s2], $0x80, v4, vm0, $0xb8;
	[tilespmem:$0x8400] =	vst v63  }
0xea: {  	v3 =	vadd.s32 v1, v3  }
0xeb: {  	[tilespmem:s24], [sflag:$0x1] =	stream.indirect_vreg.gather [hbm4b:s5+s2], $0x80, v4, vm0, $0xb8;
	[tilespmem:$0x8400] =	vst v63  }
0xec: {  	_ = 	snop  }
0xed: {  	[tilespmem:s25], [sflag:$0x1] =	stream.indirect_vreg.gather [hbm4b:s6+s2], $0x80, v4, vm0, $0xb8;
	[tilespmem:$0x8400] =	vst v63  }
0xee: {  	_ = 	snop  }
0xef: {  	[tilespmem:s26], [sflag:$0x1] =	stream.indirect_vreg.gather [hbm4b:s3+s2], $0x80, v3, vm0, $0xb8;
	[tilespmem:$0x8400] =	vst v63  }
0xf0: {  	_ = 	snop  }
0xf1: {  	[tilespmem:s28], [sflag:$0x1] =	stream.indirect_vreg.gather [hbm4b:s4+s2], $0x80, v3, vm0, $0xb8;
	[tilespmem:$0x8400] =	vst v63  }
0xf2: {  	_ = 	snop  }
0xf3: {  	[tilespmem:s29], [sflag:$0x1] =	stream.indirect_vreg.gather [hbm4b:s5+s2], $0x80, v3, vm0, $0xb8;
	[tilespmem:$0x8400] =	vst v63  }
0xf4: {  	_ = 	snop  }
0xf5: {  	[tilespmem:s30], [sflag:$0x1] =	stream.indirect_vreg.gather [hbm4b:s6+s2], $0x80, v3, vm0, $0xb8;
	[tilespmem:$0x8400] =	vst v63  }
0xf6: {  	_ =	swait.ge [sflag:s21], $0x4000  }
0xf7: {  	[sflag:s21] =	ssyncset.done $0x0  }
0xf8: {  	[sflag:s21] =	ssyncadd.s32 $0xFFFFC000  }
0xf9: {  	[hbm4b:s9+s2] =	stream.linear.scatter [tilespmem:s22], [sflag:$0x3], $0x4000, $0x38;
	[tilespmem:$0x8400] =	vst v63  }
0xfa: {  	p0 =	sne.s32 s10, $0x1;
	_ =	swait.ge [sflag:s31], $0x4000  }
.Ltmp0:
0xfb: {  	[sflag:s31] =	ssyncset.done $0x0;
	(pc) =	sbr.rel @p0 .LBB2_1-.Ltmp0, $4  }
0xfc: {  	[sflag:s31] =	ssyncadd.s32 $0xFFFFC000  }
0xfd: {  	_ =	swait.ge [sflag:s0], $0x4000  }
0xfe: {  	[sflag:s0] =	ssyncset.done $0x0  }
0xff: {  	s10 =	sadd.s32 $0xFFFFFFFF, s10;
	[sflag:s0] =	ssyncadd.s32 $0xFFFFC000  }
0x100: {  	_ =	sfence.sel $0x180000  }
0x101: {  	[bflag:$0x0] =	sbarrier.arrive $0xFFFF  }
0x102: {  	_ =	strace $0x9000004A  }
0x103: {  	s0 =	stileid.u32;
	[bflag:$0x2] =	sbarrier.arrive $0xFFFF  }
0x104: {  	p0 =	sne.s32 s0, $0x0;
	s0 =	rddreg [dreg:$0x2]  }
0x105: {  	s0 =	sadd.s32 @!p0 $0x100000, s0  }
0x106: {  	[sflag:s0] =	ssyncadd.tile.s32 @!p0 $0x1;
	_ =	shalt  }
.Lfunc_end2:
_tile_overlayer_lowered:
.L_overlay_start_2:
0x107: {  	(tag) =	ssettag $0x2  }
0x108: {  	s0 =	rddreg [dreg:$0x0];
	s2 =	stileid.u32  }
0x109: {  	s1 =	rddreg [dreg:$0x1];
	p0 =	sne.s32 s2, $0x0  }
0x10a: {  	s3 =	rddreg [dreg:$0x2];
	[bflag:$0x3] =	sbarrier.arrive $0xFFFF;
	s2 =	simm.s32 @!p0 $0x1C04  }
0x10b: {  	[timem:s3], [sflag:s2] =	dma.local @!p0 [hbm:s0], s1  }
0x10c: {  	s0 =	simm.s32 @!p0 $0x4  }
0x10d: {  	_ =	swait.ge @!p0 [sflag:s0], s1  }
0x10e: {  	s1 =	ssub.s32 @!p0 $0x0, s1;
	[sflag:s0] =	ssyncset.done @!p0 $0x0  }
0x10f: {  	[sflag:s0] =	ssyncadd.s32 @!p0 s1  }
0x110: {  	[bflag:$0x3] =	sbarrier.arrive $0xFFFF  }
0x111: {  	_ =	shalt  }

// kernel: kernel.8.cloned.1.call-start
scs
__scs_entry_jumppad:
0x0: {  	(pc) =	sbr.rel $0x88, $3  }
0x1: {  	(tag) =	ssettag $0x0;
	lr =	simm.s32 $0x1  }
0x2: {  	[smem:$0x3F9C] =	sst lr;
	_ =	strace $0xD0000000  }
0x3: {  	_ = 	snop  }
0x4: {  	_ = 	snop  }
0x5: {  	_ = 	snop  }
0x6: {  	_ = 	snop  }
0x7: {  	_ = 	snop  }
__scs_overlays_trampoline_lowered:
0x8: {  	[smem:$0x3FAB] =	sst s0  }
0x9: {  	[smem:$0x3FAC] =	sst s1  }
0xa: {  	[smem:$0x3FAD] =	sst s2  }
0xb: {  	[smem:$0x3FAE] =	sst s3  }
0xc: {  	[smem:$0x3FAF] =	sst s4  }
0xd: {  	[smem:$0x3FB0] =	sst s5  }
0xe: {  	[smem:$0x3FB1] =	sst s6  }
0xf: {  	[smem:$0x3FB2] =	sst s7  }
0x10: {  	[smem:$0x3FB3] =	sst s8  }
0x11: {  	[smem:$0x3FB4] =	sst s9;
	s0 =	simm.s32 @!p0 $0x0  }
0x12: {  	s1 =	sld [smem:$0x3F9A];
	s0 =	simm.s32 @p0 $0x1  }
0x13: {  	[smem:$0x3FB5] =	sst s0;
	s0 =	simm.s32 @!p1 $0x0  }
0x14: {  	s2 =	sld [smem:$0x3F99];
	s0 =	simm.s32 @p1 $0x1  }
0x15: {  	[smem:$0x3FB6] =	sst s0;
	s0 =	simm.s32 @!p2 $0x0  }
0x16: {  	s3 =	sld [smem:$0x3FDB];
	s0 =	simm.s32 @p2 $0x1  }
0x17: {  	s4 =	simm.s32 $0x1BF5;
	[smem:$0x3FB8] =	sst s0  }
0x18: {  	s0 =	sld [smem:$0x3F9B];
	_ =	swait.ge [sflag:s4], $0x0  }
0x19: {  	s7 =	sld [smem:$0x3F9C]  }
0x1a: {  	s8 =	sadd.s32 $0xFFFFE003, lr  }
0x1b: {  	s9 =	sadd.s32 $0xFFFFFEF7, lr;
	s5 =	simm.s32 $0xFFFFFFFF;
	p2 =	slt.u32 s8, $0xFFFFF086  }
0x1c: {  	p1 =	slt.u32 s9, $0xF7A;
	s5 =	simm.s32 @!p2 $0x0  }
0x1d: {  	s5 =	simm.s32 @p1 $0x1;
	p0 =	seq.s32 s7, s2  }
0x1e: {  	s7 =	smul.u32 @!p0 $0xF7A, s2;
	p2 =	seq.s32 @!p0 s5, $0x0  }
0x1f: {  	s9 =	smul.u32 $0xF7A, s1;
	s8 =	simm.s32 @!p0 $0x1BF5;
	p2 =	por !p2, p0  }
0x20: {  	[sflag:s8] =	ssyncset.s32 @!p0 $0xFFFFF086;
	s6 =	sadd.s32 @!p0 s3, s7;
	s7 =	simm.s32 @!p0 $0x108  }
0x21: {  	s3 =	sadd.s32 s3, s9;
	s6 =	sadd.s32 @!p0 $0x88, s6;
	s7 =	simm.s32 @p2 $0x1082  }
0x22: {  	[simem:s7], [sflag:s8] =	dma.local @!p0 [hbm:s6], $0xF7A  }
0x23: {  	s9 =	sor.u32 $0xD0000000, s2;
	s6 =	simm.s32 $0x108;
	_ =	swait.ge @!p0 [sflag:s8], $0x0  }
0x24: {  	s3 =	sadd.s32 $0x88, s3;
	s6 =	simm.s32 @!p1 $0x1082;
	[sflag:s4] =	ssyncset.s32 $0xFFFFF086  }
0x25: {  	[simem:s6], [sflag:s4] =	dma.local [hbm:s3], $0xF7A  }
0x26: {  	[smem:$0x3F9C] =	sst s1;
	(tag) =	ssettag s2;
	_ =	strace s9  }
0x27: {  	s1 =	sld [smem:$0x3FAC]  }
0x28: {  	s2 =	sld [smem:$0x3FAD]  }
0x29: {  	s4 =	sld [smem:$0x3FAF]  }
0x2a: {  	p0 =	seq.s32 s5, $0x0;
	s5 =	sld [smem:$0x3FB0]  }
0x2b: {  	s6 =	sld [smem:$0x3FB1]  }
0x2c: {  	s7 =	sld [smem:$0x3FB2]  }
0x2d: {  	s3 =	simm.s32 $0x108;
	s8 =	sld [smem:$0x3FB3]  }
0x2e: {  	s3 =	simm.s32 @!p0 $0x1082;
	s9 =	sld [smem:$0x3FB4]  }
0x2f: {  	lr =	sadd.s32 s0, s3;
	s0 =	sld [smem:$0x3FAB]  }
0x30: {  	s3 =	sld [smem:$0x3FAE]  }
0x31: {  	[smem:$0x3FB7] =	sst s10  }
0x32: {  	s10 =	sld [smem:$0x3FB5];
	_ =	sdelay $0x3  }
0x33: {  	p0 =	seq.s32 s10, $0x1;
	s10 =	sld [smem:$0x3FB7];
	_ =	sdelay $0x3  }
0x34: {  	[smem:$0x3FB7] =	sst s10  }
0x35: {  	s10 =	sld [smem:$0x3FB6];
	_ =	sdelay $0x3  }
0x36: {  	p1 =	seq.s32 s10, $0x1;
	s10 =	sld [smem:$0x3FB7];
	_ =	sdelay $0x3  }
0x37: {  	[smem:$0x3FB7] =	sst s10  }
0x38: {  	s10 =	sld [smem:$0x3FB8]  }
0x39: {  	_ = 	snop;
	(pc) =	sbr.ind lr, $3  }
0x3a: {  	_ = 	snop  }
0x3b: {  	_ = 	snop  }
0x3c: {  	p2 =	seq.s32 s10, $0x1;
	s10 =	sld [smem:$0x3FB7]  }
0x3d: {  	_ =	shalt  }
0x3e: {  	_ =	shalt  }
0x3f: {  	_ =	shalt  }
0x40: {  	_ =	shalt  }
0x41: {  	_ =	shalt  }
0x42: {  	_ =	shalt  }
0x43: {  	_ =	shalt  }
0x44: {  	_ =	shalt  }
0x45: {  	_ =	shalt  }
0x46: {  	_ =	shalt  }
0x47: {  	_ =	shalt  }
0x48: {  	_ =	shalt  }
0x49: {  	_ =	shalt  }
0x4a: {  	_ =	shalt  }
0x4b: {  	_ =	shalt  }
0x4c: {  	_ =	shalt  }
0x4d: {  	_ =	shalt  }
0x4e: {  	_ =	shalt  }
0x4f: {  	_ =	shalt  }
0x50: {  	_ =	shalt  }
0x51: {  	_ =	shalt  }
0x52: {  	_ =	shalt  }
0x53: {  	_ =	shalt  }
0x54: {  	_ =	shalt  }
0x55: {  	_ =	shalt  }
0x56: {  	_ =	shalt  }
0x57: {  	_ =	shalt  }
0x58: {  	_ =	shalt  }
0x59: {  	_ =	shalt  }
0x5a: {  	_ =	shalt  }
0x5b: {  	_ =	shalt  }
0x5c: {  	_ =	shalt  }
0x5d: {  	_ =	shalt  }
0x5e: {  	_ =	shalt  }
0x5f: {  	_ =	shalt  }
0x60: {  	_ =	shalt  }
0x61: {  	_ =	shalt  }
0x62: {  	_ =	shalt  }
0x63: {  	_ =	shalt  }
0x64: {  	_ =	shalt  }
0x65: {  	_ =	shalt  }
0x66: {  	_ =	shalt  }
0x67: {  	_ =	shalt  }
0x68: {  	_ =	shalt  }
0x69: {  	_ =	shalt  }
0x6a: {  	_ =	shalt  }
0x6b: {  	_ =	shalt  }
0x6c: {  	_ =	shalt  }
0x6d: {  	_ =	shalt  }
0x6e: {  	_ =	shalt  }
0x6f: {  	_ =	shalt  }
0x70: {  	_ =	shalt  }
0x71: {  	_ =	shalt  }
0x72: {  	_ =	shalt  }
0x73: {  	_ =	shalt  }
0x74: {  	_ =	shalt  }
0x75: {  	_ =	shalt  }
0x76: {  	_ =	shalt  }
0x77: {  	_ =	shalt  }
0x78: {  	_ =	shalt  }
0x79: {  	_ =	shalt  }
0x7a: {  	_ =	shalt  }
0x7b: {  	_ =	shalt  }
0x7c: {  	_ =	shalt  }
0x7d: {  	_ =	shalt  }
0x7e: {  	_ =	shalt  }
0x7f: {  	_ =	shalt  }
0x80: {  	_ =	shalt  }
0x81: {  	_ =	shalt  }
0x82: {  	_ =	shalt  }
0x83: {  	_ =	shalt  }
0x84: {  	_ =	shalt  }
0x85: {  	_ =	shalt  }
0x86: {  	_ =	shalt  }
0x87: {  	_ =	shalt  }
.Lfunc_end0:
.L_simem_size_0:
called_computation_lowered:
.L_overlay_start_0:
0x88: {  	s2 =	sld [smem:$0x3FD9]  }
0x89: {  	s3 =	sld [smem:$0x3FFE];
	_ =	sdelay $0x1  }
0x8a: {  	s1 =	srdreg.scid  }
0x8b: {  	s0 =	sand.u32 $0x1, s1  }
0x8c: {  	s14 =	sshll.u32 s0, $0xA;
	s2 =	sadd.s32 s3, s2  }
0x8d: {  	s2 =	sadd.s32 s2, s14  }
0x8e: {  	[smem:$0x3FC3] =	sst s2  }
0x8f: {  	_ = 	snop  }
0x90: {  	s2 =	sld [smem:$0x3FD0];
	_ =	sdelay $0x2  }
0x91: {  	s15 =	simm.s32 $0xA;
	s4 =	simm.s32 $0x10  }
0x92: {  	[smem:s4], [sflag:s15] =	dma.local [hbm:s2], $0x1  }
0x93: {  	_ =	swait.eq [sflag:s15], $0x1  }
0x94: {  	[sflag:s15] =	ssyncset.done $0x0  }
0x95: {  	[sflag:s15] =	ssyncadd.s32 $0xFFFFFFFF  }
0x96: {  	s16 =	sld [smem:$0x10];
	(tm) =	ssettm $0x1  }
0x97: {  	s17 =	sld [smem:$0x3FFB];
	_ =	sdelay $0x3  }
0x98: {  	_ =	strace s17  }
0x99: {  	s3 =	sld [smem:$0x3FFC];
	_ =	sdelay $0x3  }
0x9a: {  	_ =	strace s3  }
0x9b: {  	s3 =	sld [smem:$0x3FFD];
	_ =	sdelay $0x3  }
0x9c: {  	_ =	strace s3  }
0x9d: {  	_ =	strace $0x8FFFFFFF  }
0x9e: {  	s18 =	sld [smem:$0x3FDB];
	_ =	sdelay $0x1  }
0x9f: {  	s19 =	simm.s32 $_scs_section_size  }
0xa0: {  	s5 =	simm.s32 $_size__tile_overlayer_lowered;
	s6 =	simm.s32 $_tile_overlayer_lowered  }
0xa1: {  	s22 =	simm.s32 $0x1BFF;
	s21 =	sshll.u32 s6, $0x1;
	s3 =	sadd.s32 s19, s18  }
0xa2: {  	s7 =	simm.s32 $0x0;
	s20 =	sshll.u32 s5, $0x1;
	s5 =	sadd.s32 s21, s3  }
0xa3: {  	[timem:s7], [sflag:s22] =	dma.local [hbm:s5], s20  }
0xa4: {  	_ =	swait.ge [sflag:s22], s20  }
0xa5: {  	s4 =	ssub.s32 $0x0, s20;
	[sflag:s22] =	ssyncset.done $0x0  }
0xa6: {  	[sflag:s22] =	ssyncadd.s32 s4;
	_ =	sdelay $0x1  }
0xa7: {  	s23 =	simm.s32 $0x1B8B  }
0xa8: {  	_ =	swait.ge [sflag:s23], $0x1  }
0xa9: {  	[sflag:s23] =	ssyncset.done $0x0  }
0xaa: {  	s25 =	simm.s32 $0x1B8E;
	s24 =	sld [smem:$0x3FFE];
	[sflag:s23] =	ssyncadd.s32 $0xFFFFFFFF  }
0xab: {  	s26 =	simm.s32 $execute0_lowered;
	[smem:$0x3FD2] =	sst s25  }
0xac: {  	s5 =	sshll.u32 s26, $0x1;
	_ =	strace $0x80000046;
	[dreg:$0x1] =	wrdreg $0xFFFFFFFF  }
0xad: {  	s28 =	simm.s32 $_size_execute0_lowered;
	s3 =	sadd.s32 s3, s5;
	[dreg:$0x0] =	wrdreg $0x0  }
0xae: {  	s5 =	sshll.u32 s28, $0x1;
	[dreg:$0x2] =	wrdreg s3  }
0xaf: {  	[dreg:$0x3] =	wrdreg s5  }
0xb0: {  	[dreg:$0x4] =	wrdreg $0xC0  }
0xb1: {  	_ =	task [dreg:s7], $0x5FFFF  }
0xb2: {  	[dreg:$0x1] =	wrdreg $0xFFFFFFFF  }
0xb3: {  	[dreg:$0x0] =	wrdreg $0x60  }
0xb4: {  	[dreg:$0x2] =	wrdreg s16  }
0xb5: {  	[dreg:$0x3] =	wrdreg s24  }
0xb6: {  	[dreg:$0x4] =	wrdreg $0x9  }
0xb7: {  	_ =	task.clear_ibuf [dreg:s7], $0x5FFFF;
	_ =	strace $0x90000046  }
0xb8: {  	s29 =	simm.s32 $0x9;
	_ =	strace $0x80000048  }
0xb9: {  	_ =	swait.ge [sflag:s29], $0x1  }
0xba: {  	[sflag:s29] =	ssyncadd.s32 $0xFFFFFFFF  }
0xbb: {  	_ =	strace $0x90000048  }
0xbc: {  	_ =	sfence  }
0xbd: {  	s30 =	sld [smem:$0x0];
	_ =	sdelay $0x2  }
0xbe: {  	s31 =	sshll.u32 s1, $0xD;
	s1 =	sshrl.u32 s1, $0x2  }
0xbf: {  	s3 =	sand.u32 $0x4000, s31;
	s1 =	sadd.s32 s1, s30  }
0xc0: {  	s0 =	sor.u32 s3, s0;
	s1 =	sshll.u32 s1, $0x11  }
0xc1: {  	s0 =	sor.u32 s1, s0  }
0xc2: {  	s0 =	sadd.s32 $0x8F2B, s0  }
0xc3: {  	[sflag:s0] =	ssyncadd.remote.s32 $0x1  }
0xc4: {  	_ =	sfence.sel $0xFFFF  }
0xc5: {  	[dreg:$0x0] =	wrdreg $0xFFFFFFFF;
	(pc) =	sbr.abs _section_cstart, $3  }
0xc6: {  	[dreg:$0x1] =	wrdreg $0xFFFFFFFF  }
0xc7: {  	_ =	task.clear_ibuf [dreg:s7], $0x2FFFF;
	_ =	strace $0x9FFFFFFF  }
0xc8: {  	(tm) =	ssettm $0x7FFFFFFF  }
0xc9: {  	_ =	shalt  }
tec
execute0_lowered:
.L_overlay_start_1:
0x0: {  	(tag) =	ssettag $0x1  }
0x1: {  	s2 =	rddreg [dreg:$0x0]  }
0x2: {  	s0 =	rddreg [dreg:$0x1];
	s3 =	srdreg.scid  }
0x3: {  	s1 =	stileid.u32;
	s26 =	simm.s32 $0x400;
	s14 =	simm.s32 $0x1000  }
0x4: {  	s15 =	simm.s32 $0x1800;
	s16 =	simm.s32 $0x2000;
	s17 =	simm.s32 $0x2800  }
0x5: {  	s18 =	simm.s32 $0x3000;
	s19 =	simm.s32 $0x3800;
	s20 =	simm.s32 $0x4000  }
0x6: {  	s21 =	simm.s32 $0x1;
	s22 =	simm.s32 $0x4800;
	s23 =	simm.s32 $0x5000  }
0x7: {  	s24 =	simm.s32 $0x5800;
	s28 =	simm.s32 $0x7000;
	s29 =	simm.s32 $0x7800  }
0x8: {  	s30 =	simm.s32 $0x8000;
	s31 =	simm.s32 $0x2;
	s13 =	simm.s32 $0x4  }
0x9: {  	s4 =	sand.u32 $0x1, s3;
	s3 =	simm.s32 $0x0;
	s5 =	sshll.u32 s1, $0x8  }
0xa: {  	s9 =	sadd.s32 $0x13A00, s0;
	s10 =	sadd.s32 $0x13B00, s0;
	s6 =	sshll.u32 s4, $0x7  }
0xb: {  	[smem:$0x7FF] =	sst s3;
	s25 =	ssub.s32 $0x2, s4;
	s4 =	sadd.s32 $0x13800, s0  }
0xc: {  	s5 =	sor.u32 s6, s5;
	_ =	strace $0x80000047;
	s7 =	sshrl.u32 s25, $0x1  }
0xd: {  	s6 =	sadd.s32 $0x200, s2;
	[dreg:$0x5] =	wrdreg s26;
	s5 =	sadd.s32 s5, s0  }
0xe: {  	s26 =	simm.s32 $0x6800;
	s11 =	ssub.s32 s25, s7;
	s8 =	sadd.s32 $0x12800, s5  }
0xf: {  	v2 =	vlaneseq.u32;
	s7 =	sadd.s32 $0x300, s2;
	s5 =	sadd.s32 $0x11800, s5;
	[dreg:$0x3] =	wrdreg s8  }
0x10: {  	vm0 =	vmmov $0xffff;
	v1 =	vshrl.u32 v2, $0x3;
	s25 =	simm.s32 $0x6000;
	s11 =	smax.u32 s11, $0x1;
	[dreg:$0x4] =	wrdreg s5  }
0x11: {  	v0 =	vand.u32 $0x7, v2;
	v2 =	vor.u32 $0x8, v2;
	v1 =	vmul.u32 $0x8, v1;
	s5 =	sadd.s32 $0x100, s2;
	s8 =	sadd.s32 $0x13900, s0;
	s0 =	simm.s32 $0x3  }
.LBB2_1:
0x12: {  	s1 =	rddreg [dreg:$0x3]  }
0x13: {  	[tilespmem:s3], [sflag:$0x4] =	stream.linear.gather [hbm4b:s1+s3], $0x400, $0x38;
	[tilespmem:$0x8800] =	vst v63  }
0x14: {  	_ =	swait.ge [sflag:s13], $0x400  }
0x15: {  	s1 =	rddreg [dreg:$0x4];
	[sflag:s13] =	ssyncset.done $0x0  }
0x16: {  	s12 =	rddreg [dreg:$0x5];
	[sflag:s13] =	ssyncadd.s32 $0xFFFFFC00  }
0x17: {  	[tilespmem:s12], [sflag:$0x4] =	stream.linear.gather [hbm4b:s1+s3], $0x400, $0x38;
	[tilespmem:$0x8800] =	vst v63  }
0x18: {  	_ =	swait.ge [sflag:s13], $0x400  }
0x19: {  	[sflag:s13] =	ssyncset.done $0x0  }
0x1a: {  	[sflag:s13] =	ssyncadd.s32 $0xFFFFFC00  }
0x1b: {  	v3 =	vld [tilespmem:$0x0];
	_ =	sdelay $0x4  }
0x1c: {  	v4 =	vshll.u32 v3, $0x3  }
0x1d: {  	v3 =	vand.u32 $0x7, v3;
	v4 =	vand.u32 $0xFFFFFFC0, v4  }
0x1e: {  	v3 =	vor.u32 v3, v4  }
0x1f: {  	v4 =	vperm.xlane v3, v0;
	_ =	sdelay $0x1  }
0x20: {  	v4 =	vadd.s32 v1, v4;
	_ =	sdelay $0x3  }
0x21: {  	s12 =	simm.s32 $0x800  }
0x22: {  	[tilespmem:s12], [sflag:$0x1] =	stream.indirect_vreg.gather [hbm4b:s2+s3], $0x80, v4, vm0, $0xb8;
	[tilespmem:$0x8800] =	vst v63  }
0x23: {  	v3 =	vperm.xlane v3, v2  }
0x24: {  	[tilespmem:s14], [sflag:$0x1] =	stream.indirect_vreg.gather [hbm4b:s5+s3], $0x80, v4, vm0, $0xb8;
	[tilespmem:$0x8800] =	vst v63  }
0x25: {  	v3 =	vadd.s32 v1, v3  }
0x26: {  	[tilespmem:s15], [sflag:$0x1] =	stream.indirect_vreg.gather [hbm4b:s6+s3], $0x80, v4, vm0, $0xb8;
	[tilespmem:$0x8800] =	vst v63  }
0x27: {  	_ = 	snop  }
0x28: {  	[tilespmem:s16], [sflag:$0x1] =	stream.indirect_vreg.gather [hbm4b:s7+s3], $0x80, v4, vm0, $0xb8;
	[tilespmem:$0x8800] =	vst v63  }
0x29: {  	_ = 	snop  }
0x2a: {  	[tilespmem:s17], [sflag:$0x1] =	stream.indirect_vreg.gather [hbm4b:s2+s3], $0x80, v3, vm0, $0xb8;
	[tilespmem:$0x8800] =	vst v63  }
0x2b: {  	_ = 	snop  }
0x2c: {  	[tilespmem:s18], [sflag:$0x1] =	stream.indirect_vreg.gather [hbm4b:s5+s3], $0x80, v3, vm0, $0xb8;
	[tilespmem:$0x8800] =	vst v63  }
0x2d: {  	_ = 	snop  }
0x2e: {  	[tilespmem:s19], [sflag:$0x1] =	stream.indirect_vreg.gather [hbm4b:s6+s3], $0x80, v3, vm0, $0xb8;
	[tilespmem:$0x8800] =	vst v63  }
0x2f: {  	_ = 	snop  }
0x30: {  	[tilespmem:s20], [sflag:$0x1] =	stream.indirect_vreg.gather [hbm4b:s7+s3], $0x80, v3, vm0, $0xb8;
	[tilespmem:$0x8800] =	vst v63  }
0x31: {  	_ =	swait.ge [sflag:s21], $0x4000  }
0x32: {  	[sflag:s21] =	ssyncset.done $0x0  }
0x33: {  	[sflag:s21] =	ssyncadd.s32 $0xFFFFC000  }
0x34: {  	v3 =	vld [tilespmem:$0x400];
	_ =	sdelay $0x4  }
0x35: {  	v49 =	vshll.u32 v3, $0x3  }
0x36: {  	v3 =	vand.u32 $0x7, v3;
	v4 =	vand.u32 $0xFFFFFFC0, v49  }
0x37: {  	v3 =	vor.u32 v3, v4  }
0x38: {  	v4 =	vperm.xlane v3, v0;
	_ =	sdelay $0x1  }
0x39: {  	v4 =	vadd.s32 v1, v4;
	_ =	sdelay $0x4  }
0x3a: {  	[hbm4b:s4+s3] =	stream.indirect_vreg.scatter [tilespmem:s12], [sflag:$0x2], $0x80, v4, vm0, $0xb8;
	[tilespmem:$0x8800] =	vst v63  }
0x3b: {  	v3 =	vperm.xlane v3, v2  }
0x3c: {  	[hbm4b:s8+s3] =	stream.indirect_vreg.scatter [tilespmem:s14], [sflag:$0x2], $0x80, v4, vm0, $0xb8;
	[tilespmem:$0x8800] =	vst v63  }
0x3d: {  	v3 =	vadd.s32 v1, v3  }
0x3e: {  	[hbm4b:s9+s3] =	stream.indirect_vreg.scatter [tilespmem:s15], [sflag:$0x2], $0x80, v4, vm0, $0xb8;
	[tilespmem:$0x8800] =	vst v63  }
0x3f: {  	_ = 	snop  }
0x40: {  	[hbm4b:s10+s3] =	stream.indirect_vreg.scatter [tilespmem:s16], [sflag:$0x2], $0x80, v4, vm0, $0xb8;
	[tilespmem:$0x8800] =	vst v63  }
0x41: {  	_ = 	snop  }
0x42: {  	[hbm4b:s4+s3] =	stream.indirect_vreg.scatter [tilespmem:s17], [sflag:$0x2], $0x80, v3, vm0, $0xb8;
	[tilespmem:$0x8800] =	vst v63  }
0x43: {  	_ = 	snop  }
0x44: {  	[hbm4b:s8+s3] =	stream.indirect_vreg.scatter [tilespmem:s18], [sflag:$0x2], $0x80, v3, vm0, $0xb8;
	[tilespmem:$0x8800] =	vst v63  }
0x45: {  	_ = 	snop  }
0x46: {  	[hbm4b:s9+s3] =	stream.indirect_vreg.scatter [tilespmem:s19], [sflag:$0x2], $0x80, v3, vm0, $0xb8;
	[tilespmem:$0x8800] =	vst v63  }
0x47: {  	_ = 	snop  }
0x48: {  	[hbm4b:s10+s3] =	stream.indirect_vreg.scatter [tilespmem:s20], [sflag:$0x2], $0x80, v3, vm0, $0xb8;
	[tilespmem:$0x8800] =	vst v63  }
0x49: {  	v3 =	vld [tilespmem:$0x80];
	_ =	sdelay $0x4  }
0x4a: {  	v50 =	vshll.u32 v3, $0x3  }
0x4b: {  	v3 =	vand.u32 $0x7, v3;
	v4 =	vand.u32 $0xFFFFFFC0, v50  }
0x4c: {  	v3 =	vor.u32 v3, v4  }
0x4d: {  	v4 =	vperm.xlane v3, v0;
	_ =	sdelay $0x1  }
0x4e: {  	v4 =	vadd.s32 v1, v4;
	_ =	sdelay $0x4  }
0x4f: {  	[tilespmem:s22], [sflag:$0x1] =	stream.indirect_vreg.gather [hbm4b:s2+s3], $0x80, v4, vm0, $0xb8;
	[tilespmem:$0x8800] =	vst v63  }
0x50: {  	v3 =	vperm.xlane v3, v2  }
0x51: {  	[tilespmem:s23], [sflag:$0x1] =	stream.indirect_vreg.gather [hbm4b:s5+s3], $0x80, v4, vm0, $0xb8;
	[tilespmem:$0x8800] =	vst v63  }
0x52: {  	v3 =	vadd.s32 v1, v3  }
0x53: {  	[tilespmem:s24], [sflag:$0x1] =	stream.indirect_vreg.gather [hbm4b:s6+s3], $0x80, v4, vm0, $0xb8;
	[tilespmem:$0x8800] =	vst v63  }
0x54: {  	_ = 	snop  }
0x55: {  	[tilespmem:s25], [sflag:$0x1] =	stream.indirect_vreg.gather [hbm4b:s7+s3], $0x80, v4, vm0, $0xb8;
	[tilespmem:$0x8800] =	vst v63  }
0x56: {  	_ = 	snop  }
0x57: {  	[tilespmem:s26], [sflag:$0x1] =	stream.indirect_vreg.gather [hbm4b:s2+s3], $0x80, v3, vm0, $0xb8;
	[tilespmem:$0x8800] =	vst v63  }
0x58: {  	_ = 	snop  }
0x59: {  	[tilespmem:s28], [sflag:$0x1] =	stream.indirect_vreg.gather [hbm4b:s5+s3], $0x80, v3, vm0, $0xb8;
	[tilespmem:$0x8800] =	vst v63  }
0x5a: {  	_ = 	snop  }
0x5b: {  	[tilespmem:s29], [sflag:$0x1] =	stream.indirect_vreg.gather [hbm4b:s6+s3], $0x80, v3, vm0, $0xb8;
	[tilespmem:$0x8800] =	vst v63  }
0x5c: {  	_ = 	snop  }
0x5d: {  	[tilespmem:s30], [sflag:$0x1] =	stream.indirect_vreg.gather [hbm4b:s7+s3], $0x80, v3, vm0, $0xb8;
	[tilespmem:$0x8800] =	vst v63  }
0x5e: {  	_ =	swait.ge [sflag:s21], $0x4000  }
0x5f: {  	[sflag:s21] =	ssyncset.done $0x0  }
0x60: {  	[sflag:s21] =	ssyncadd.s32 $0xFFFFC000  }
0x61: {  	v3 =	vld [tilespmem:$0x480];
	_ =	sdelay $0x4  }
0x62: {  	v51 =	vshll.u32 v3, $0x3  }
0x63: {  	v3 =	vand.u32 $0x7, v3;
	v4 =	vand.u32 $0xFFFFFFC0, v51  }
0x64: {  	v3 =	vor.u32 v3, v4  }
0x65: {  	v4 =	vperm.xlane v3, v0;
	_ =	sdelay $0x1  }
0x66: {  	v4 =	vadd.s32 v1, v4;
	_ =	sdelay $0x4  }
0x67: {  	[hbm4b:s4+s3] =	stream.indirect_vreg.scatter [tilespmem:s22], [sflag:$0x3], $0x80, v4, vm0, $0xb8;
	[tilespmem:$0x8800] =	vst v63  }
0x68: {  	v3 =	vperm.xlane v3, v2  }
0x69: {  	[hbm4b:s8+s3] =	stream.indirect_vreg.scatter [tilespmem:s23], [sflag:$0x3], $0x80, v4, vm0, $0xb8;
	[tilespmem:$0x8800] =	vst v63  }
0x6a: {  	v3 =	vadd.s32 v1, v3  }
0x6b: {  	[hbm4b:s9+s3] =	stream.indirect_vreg.scatter [tilespmem:s24], [sflag:$0x3], $0x80, v4, vm0, $0xb8;
	[tilespmem:$0x8800] =	vst v63  }
0x6c: {  	_ = 	snop  }
0x6d: {  	[hbm4b:s10+s3] =	stream.indirect_vreg.scatter [tilespmem:s25], [sflag:$0x3], $0x80, v4, vm0, $0xb8;
	[tilespmem:$0x8800] =	vst v63  }
0x6e: {  	_ = 	snop  }
0x6f: {  	[hbm4b:s4+s3] =	stream.indirect_vreg.scatter [tilespmem:s26], [sflag:$0x3], $0x80, v3, vm0, $0xb8;
	[tilespmem:$0x8800] =	vst v63  }
0x70: {  	_ = 	snop  }
0x71: {  	[hbm4b:s8+s3] =	stream.indirect_vreg.scatter [tilespmem:s28], [sflag:$0x3], $0x80, v3, vm0, $0xb8;
	[tilespmem:$0x8800] =	vst v63  }
0x72: {  	_ = 	snop  }
0x73: {  	[hbm4b:s9+s3] =	stream.indirect_vreg.scatter [tilespmem:s29], [sflag:$0x3], $0x80, v3, vm0, $0xb8;
	[tilespmem:$0x8800] =	vst v63  }
0x74: {  	_ = 	snop  }
0x75: {  	[hbm4b:s10+s3] =	stream.indirect_vreg.scatter [tilespmem:s30], [sflag:$0x3], $0x80, v3, vm0, $0xb8;
	[tilespmem:$0x8800] =	vst v63  }
0x76: {  	_ =	swait.ge [sflag:s31], $0x4000  }
0x77: {  	[sflag:s31] =	ssyncset.done $0x0  }
0x78: {  	[sflag:s31] =	ssyncadd.s32 $0xFFFFC000  }
0x79: {  	v3 =	vld [tilespmem:$0x100];
	_ =	sdelay $0x4  }
0x7a: {  	v52 =	vshll.u32 v3, $0x3  }
0x7b: {  	v3 =	vand.u32 $0x7, v3;
	v4 =	vand.u32 $0xFFFFFFC0, v52  }
0x7c: {  	v3 =	vor.u32 v3, v4  }
0x7d: {  	v4 =	vperm.xlane v3, v0;
	_ =	sdelay $0x1  }
0x7e: {  	v4 =	vadd.s32 v1, v4;
	_ =	sdelay $0x4  }
0x7f: {  	[tilespmem:s12], [sflag:$0x1] =	stream.indirect_vreg.gather [hbm4b:s2+s3], $0x80, v4, vm0, $0xb8;
	[tilespmem:$0x8800] =	vst v63  }
0x80: {  	v3 =	vperm.xlane v3, v2  }
0x81: {  	[tilespmem:s14], [sflag:$0x1] =	stream.indirect_vreg.gather [hbm4b:s5+s3], $0x80, v4, vm0, $0xb8;
	[tilespmem:$0x8800] =	vst v63  }
0x82: {  	v3 =	vadd.s32 v1, v3  }
0x83: {  	[tilespmem:s15], [sflag:$0x1] =	stream.indirect_vreg.gather [hbm4b:s6+s3], $0x80, v4, vm0, $0xb8;
	[tilespmem:$0x8800] =	vst v63  }
0x84: {  	_ = 	snop  }
0x85: {  	[tilespmem:s16], [sflag:$0x1] =	stream.indirect_vreg.gather [hbm4b:s7+s3], $0x80, v4, vm0, $0xb8;
	[tilespmem:$0x8800] =	vst v63  }
0x86: {  	_ = 	snop  }
0x87: {  	[tilespmem:s17], [sflag:$0x1] =	stream.indirect_vreg.gather [hbm4b:s2+s3], $0x80, v3, vm0, $0xb8;
	[tilespmem:$0x8800] =	vst v63  }
0x88: {  	_ = 	snop  }
0x89: {  	[tilespmem:s18], [sflag:$0x1] =	stream.indirect_vreg.gather [hbm4b:s5+s3], $0x80, v3, vm0, $0xb8;
	[tilespmem:$0x8800] =	vst v63  }
0x8a: {  	_ = 	snop  }
0x8b: {  	[tilespmem:s19], [sflag:$0x1] =	stream.indirect_vreg.gather [hbm4b:s6+s3], $0x80, v3, vm0, $0xb8;
	[tilespmem:$0x8800] =	vst v63  }
0x8c: {  	_ = 	snop  }
0x8d: {  	[tilespmem:s20], [sflag:$0x1] =	stream.indirect_vreg.gather [hbm4b:s7+s3], $0x80, v3, vm0, $0xb8;
	[tilespmem:$0x8800] =	vst v63  }
0x8e: {  	_ =	swait.ge [sflag:s21], $0x4000  }
0x8f: {  	[sflag:s21] =	ssyncset.done $0x0  }
0x90: {  	[sflag:s21] =	ssyncadd.s32 $0xFFFFC000  }
0x91: {  	v3 =	vld [tilespmem:$0x500];
	_ =	sdelay $0x4  }
0x92: {  	v53 =	vshll.u32 v3, $0x3  }
0x93: {  	v3 =	vand.u32 $0x7, v3;
	v4 =	vand.u32 $0xFFFFFFC0, v53  }
0x94: {  	v3 =	vor.u32 v3, v4  }
0x95: {  	v4 =	vperm.xlane v3, v0;
	_ =	sdelay $0x1  }
0x96: {  	v4 =	vadd.s32 v1, v4;
	_ =	sdelay $0x4  }
0x97: {  	[hbm4b:s4+s3] =	stream.indirect_vreg.scatter [tilespmem:s12], [sflag:$0x2], $0x80, v4, vm0, $0xb8;
	[tilespmem:$0x8800] =	vst v63  }
0x98: {  	v3 =	vperm.xlane v3, v2  }
0x99: {  	[hbm4b:s8+s3] =	stream.indirect_vreg.scatter [tilespmem:s14], [sflag:$0x2], $0x80, v4, vm0, $0xb8;
	[tilespmem:$0x8800] =	vst v63  }
0x9a: {  	v3 =	vadd.s32 v1, v3  }
0x9b: {  	[hbm4b:s9+s3] =	stream.indirect_vreg.scatter [tilespmem:s15], [sflag:$0x2], $0x80, v4, vm0, $0xb8;
	[tilespmem:$0x8800] =	vst v63  }
0x9c: {  	_ = 	snop  }
0x9d: {  	[hbm4b:s10+s3] =	stream.indirect_vreg.scatter [tilespmem:s16], [sflag:$0x2], $0x80, v4, vm0, $0xb8;
	[tilespmem:$0x8800] =	vst v63  }
0x9e: {  	_ = 	snop  }
0x9f: {  	[hbm4b:s4+s3] =	stream.indirect_vreg.scatter [tilespmem:s17], [sflag:$0x2], $0x80, v3, vm0, $0xb8;
	[tilespmem:$0x8800] =	vst v63  }
0xa0: {  	_ = 	snop  }
0xa1: {  	[hbm4b:s8+s3] =	stream.indirect_vreg.scatter [tilespmem:s18], [sflag:$0x2], $0x80, v3, vm0, $0xb8;
	[tilespmem:$0x8800] =	vst v63  }
0xa2: {  	_ = 	snop  }
0xa3: {  	[hbm4b:s9+s3] =	stream.indirect_vreg.scatter [tilespmem:s19], [sflag:$0x2], $0x80, v3, vm0, $0xb8;
	[tilespmem:$0x8800] =	vst v63  }
0xa4: {  	_ = 	snop  }
0xa5: {  	[hbm4b:s10+s3] =	stream.indirect_vreg.scatter [tilespmem:s20], [sflag:$0x2], $0x80, v3, vm0, $0xb8;
	[tilespmem:$0x8800] =	vst v63  }
0xa6: {  	_ =	swait.ge [sflag:s0], $0x4000  }
0xa7: {  	[sflag:s0] =	ssyncset.done $0x0  }
0xa8: {  	[sflag:s0] =	ssyncadd.s32 $0xFFFFC000  }
0xa9: {  	v3 =	vld [tilespmem:$0x180];
	_ =	sdelay $0x4  }
0xaa: {  	v54 =	vshll.u32 v3, $0x3  }
0xab: {  	v3 =	vand.u32 $0x7, v3;
	v4 =	vand.u32 $0xFFFFFFC0, v54  }
0xac: {  	v3 =	vor.u32 v3, v4  }
0xad: {  	v4 =	vperm.xlane v3, v0;
	_ =	sdelay $0x1  }
0xae: {  	v4 =	vadd.s32 v1, v4;
	_ =	sdelay $0x4  }
0xaf: {  	[tilespmem:s22], [sflag:$0x1] =	stream.indirect_vreg.gather [hbm4b:s2+s3], $0x80, v4, vm0, $0xb8;
	[tilespmem:$0x8800] =	vst v63  }
0xb0: {  	v3 =	vperm.xlane v3, v2  }
0xb1: {  	[tilespmem:s23], [sflag:$0x1] =	stream.indirect_vreg.gather [hbm4b:s5+s3], $0x80, v4, vm0, $0xb8;
	[tilespmem:$0x8800] =	vst v63  }
0xb2: {  	v3 =	vadd.s32 v1, v3  }
0xb3: {  	[tilespmem:s24], [sflag:$0x1] =	stream.indirect_vreg.gather [hbm4b:s6+s3], $0x80, v4, vm0, $0xb8;
	[tilespmem:$0x8800] =	vst v63  }
0xb4: {  	_ = 	snop  }
0xb5: {  	[tilespmem:s25], [sflag:$0x1] =	stream.indirect_vreg.gather [hbm4b:s7+s3], $0x80, v4, vm0, $0xb8;
	[tilespmem:$0x8800] =	vst v63  }
0xb6: {  	_ = 	snop  }
0xb7: {  	[tilespmem:s26], [sflag:$0x1] =	stream.indirect_vreg.gather [hbm4b:s2+s3], $0x80, v3, vm0, $0xb8;
	[tilespmem:$0x8800] =	vst v63  }
0xb8: {  	_ = 	snop  }
0xb9: {  	[tilespmem:s28], [sflag:$0x1] =	stream.indirect_vreg.gather [hbm4b:s5+s3], $0x80, v3, vm0, $0xb8;
	[tilespmem:$0x8800] =	vst v63  }
0xba: {  	_ = 	snop  }
0xbb: {  	[tilespmem:s29], [sflag:$0x1] =	stream.indirect_vreg.gather [hbm4b:s6+s3], $0x80, v3, vm0, $0xb8;
	[tilespmem:$0x8800] =	vst v63  }
0xbc: {  	_ = 	snop  }
0xbd: {  	[tilespmem:s30], [sflag:$0x1] =	stream.indirect_vreg.gather [hbm4b:s7+s3], $0x80, v3, vm0, $0xb8;
	[tilespmem:$0x8800] =	vst v63  }
0xbe: {  	_ =	swait.ge [sflag:s21], $0x4000  }
0xbf: {  	[sflag:s21] =	ssyncset.done $0x0  }
0xc0: {  	[sflag:s21] =	ssyncadd.s32 $0xFFFFC000  }
0xc1: {  	v3 =	vld [tilespmem:$0x580];
	_ =	sdelay $0x4  }
0xc2: {  	v55 =	vshll.u32 v3, $0x3  }
0xc3: {  	v3 =	vand.u32 $0x7, v3;
	v4 =	vand.u32 $0xFFFFFFC0, v55  }
0xc4: {  	v3 =	vor.u32 v3, v4  }
0xc5: {  	v4 =	vperm.xlane v3, v0;
	_ =	sdelay $0x1  }
0xc6: {  	v4 =	vadd.s32 v1, v4;
	_ =	sdelay $0x4  }
0xc7: {  	[hbm4b:s4+s3] =	stream.indirect_vreg.scatter [tilespmem:s22], [sflag:$0x3], $0x80, v4, vm0, $0xb8;
	[tilespmem:$0x8800] =	vst v63  }
0xc8: {  	v3 =	vperm.xlane v3, v2  }
0xc9: {  	[hbm4b:s8+s3] =	stream.indirect_vreg.scatter [tilespmem:s23], [sflag:$0x3], $0x80, v4, vm0, $0xb8;
	[tilespmem:$0x8800] =	vst v63  }
0xca: {  	v3 =	vadd.s32 v1, v3  }
0xcb: {  	[hbm4b:s9+s3] =	stream.indirect_vreg.scatter [tilespmem:s24], [sflag:$0x3], $0x80, v4, vm0, $0xb8;
	[tilespmem:$0x8800] =	vst v63  }
0xcc: {  	_ = 	snop  }
0xcd: {  	[hbm4b:s10+s3] =	stream.indirect_vreg.scatter [tilespmem:s25], [sflag:$0x3], $0x80, v4, vm0, $0xb8;
	[tilespmem:$0x8800] =	vst v63  }
0xce: {  	_ = 	snop  }
0xcf: {  	[hbm4b:s4+s3] =	stream.indirect_vreg.scatter [tilespmem:s26], [sflag:$0x3], $0x80, v3, vm0, $0xb8;
	[tilespmem:$0x8800] =	vst v63  }
0xd0: {  	_ = 	snop  }
0xd1: {  	[hbm4b:s8+s3] =	stream.indirect_vreg.scatter [tilespmem:s28], [sflag:$0x3], $0x80, v3, vm0, $0xb8;
	[tilespmem:$0x8800] =	vst v63  }
0xd2: {  	_ = 	snop  }
0xd3: {  	[hbm4b:s9+s3] =	stream.indirect_vreg.scatter [tilespmem:s29], [sflag:$0x3], $0x80, v3, vm0, $0xb8;
	[tilespmem:$0x8800] =	vst v63  }
0xd4: {  	_ = 	snop  }
0xd5: {  	[hbm4b:s10+s3] =	stream.indirect_vreg.scatter [tilespmem:s30], [sflag:$0x3], $0x80, v3, vm0, $0xb8;
	[tilespmem:$0x8800] =	vst v63  }
0xd6: {  	_ =	swait.ge [sflag:s31], $0x4000  }
0xd7: {  	[sflag:s31] =	ssyncset.done $0x0  }
0xd8: {  	[sflag:s31] =	ssyncadd.s32 $0xFFFFC000  }
0xd9: {  	v3 =	vld [tilespmem:$0x200];
	_ =	sdelay $0x4  }
0xda: {  	v56 =	vshll.u32 v3, $0x3  }
0xdb: {  	v3 =	vand.u32 $0x7, v3;
	v4 =	vand.u32 $0xFFFFFFC0, v56  }
0xdc: {  	v3 =	vor.u32 v3, v4  }
0xdd: {  	v4 =	vperm.xlane v3, v0;
	_ =	sdelay $0x1  }
0xde: {  	v4 =	vadd.s32 v1, v4;
	_ =	sdelay $0x4  }
0xdf: {  	[tilespmem:s12], [sflag:$0x1] =	stream.indirect_vreg.gather [hbm4b:s2+s3], $0x80, v4, vm0, $0xb8;
	[tilespmem:$0x8800] =	vst v63  }
0xe0: {  	v3 =	vperm.xlane v3, v2  }
0xe1: {  	[tilespmem:s14], [sflag:$0x1] =	stream.indirect_vreg.gather [hbm4b:s5+s3], $0x80, v4, vm0, $0xb8;
	[tilespmem:$0x8800] =	vst v63  }
0xe2: {  	v3 =	vadd.s32 v1, v3  }
0xe3: {  	[tilespmem:s15], [sflag:$0x1] =	stream.indirect_vreg.gather [hbm4b:s6+s3], $0x80, v4, vm0, $0xb8;
	[tilespmem:$0x8800] =	vst v63  }
0xe4: {  	_ = 	snop  }
0xe5: {  	[tilespmem:s16], [sflag:$0x1] =	stream.indirect_vreg.gather [hbm4b:s7+s3], $0x80, v4, vm0, $0xb8;
	[tilespmem:$0x8800] =	vst v63  }
0xe6: {  	_ = 	snop  }
0xe7: {  	[tilespmem:s17], [sflag:$0x1] =	stream.indirect_vreg.gather [hbm4b:s2+s3], $0x80, v3, vm0, $0xb8;
	[tilespmem:$0x8800] =	vst v63  }
0xe8: {  	_ = 	snop  }
0xe9: {  	[tilespmem:s18], [sflag:$0x1] =	stream.indirect_vreg.gather [hbm4b:s5+s3], $0x80, v3, vm0, $0xb8;
	[tilespmem:$0x8800] =	vst v63  }
0xea: {  	_ = 	snop  }
0xeb: {  	[tilespmem:s19], [sflag:$0x1] =	stream.indirect_vreg.gather [hbm4b:s6+s3], $0x80, v3, vm0, $0xb8;
	[tilespmem:$0x8800] =	vst v63  }
0xec: {  	_ = 	snop  }
0xed: {  	[tilespmem:s20], [sflag:$0x1] =	stream.indirect_vreg.gather [hbm4b:s7+s3], $0x80, v3, vm0, $0xb8;
	[tilespmem:$0x8800] =	vst v63  }
0xee: {  	_ =	swait.ge [sflag:s21], $0x4000  }
0xef: {  	[sflag:s21] =	ssyncset.done $0x0  }
0xf0: {  	[sflag:s21] =	ssyncadd.s32 $0xFFFFC000  }
0xf1: {  	v3 =	vld [tilespmem:$0x600];
	_ =	sdelay $0x4  }
0xf2: {  	v57 =	vshll.u32 v3, $0x3  }
0xf3: {  	v3 =	vand.u32 $0x7, v3;
	v4 =	vand.u32 $0xFFFFFFC0, v57  }
0xf4: {  	v3 =	vor.u32 v3, v4  }
0xf5: {  	v4 =	vperm.xlane v3, v0;
	_ =	sdelay $0x1  }
0xf6: {  	v4 =	vadd.s32 v1, v4;
	_ =	sdelay $0x4  }
0xf7: {  	[hbm4b:s4+s3] =	stream.indirect_vreg.scatter [tilespmem:s12], [sflag:$0x2], $0x80, v4, vm0, $0xb8;
	[tilespmem:$0x8800] =	vst v63  }
0xf8: {  	v3 =	vperm.xlane v3, v2  }
0xf9: {  	[hbm4b:s8+s3] =	stream.indirect_vreg.scatter [tilespmem:s14], [sflag:$0x2], $0x80, v4, vm0, $0xb8;
	[tilespmem:$0x8800] =	vst v63  }
0xfa: {  	v3 =	vadd.s32 v1, v3  }
0xfb: {  	[hbm4b:s9+s3] =	stream.indirect_vreg.scatter [tilespmem:s15], [sflag:$0x2], $0x80, v4, vm0, $0xb8;
	[tilespmem:$0x8800] =	vst v63  }
0xfc: {  	_ = 	snop  }
0xfd: {  	[hbm4b:s10+s3] =	stream.indirect_vreg.scatter [tilespmem:s16], [sflag:$0x2], $0x80, v4, vm0, $0xb8;
	[tilespmem:$0x8800] =	vst v63  }
0xfe: {  	_ = 	snop  }
0xff: {  	[hbm4b:s4+s3] =	stream.indirect_vreg.scatter [tilespmem:s17], [sflag:$0x2], $0x80, v3, vm0, $0xb8;
	[tilespmem:$0x8800] =	vst v63  }
0x100: {  	_ = 	snop  }
0x101: {  	[hbm4b:s8+s3] =	stream.indirect_vreg.scatter [tilespmem:s18], [sflag:$0x2], $0x80, v3, vm0, $0xb8;
	[tilespmem:$0x8800] =	vst v63  }
0x102: {  	_ = 	snop  }
0x103: {  	[hbm4b:s9+s3] =	stream.indirect_vreg.scatter [tilespmem:s19], [sflag:$0x2], $0x80, v3, vm0, $0xb8;
	[tilespmem:$0x8800] =	vst v63  }
0x104: {  	_ = 	snop  }
0x105: {  	[hbm4b:s10+s3] =	stream.indirect_vreg.scatter [tilespmem:s20], [sflag:$0x2], $0x80, v3, vm0, $0xb8;
	[tilespmem:$0x8800] =	vst v63  }
0x106: {  	_ =	swait.ge [sflag:s0], $0x4000  }
0x107: {  	[sflag:s0] =	ssyncset.done $0x0  }
0x108: {  	[sflag:s0] =	ssyncadd.s32 $0xFFFFC000  }
0x109: {  	v3 =	vld [tilespmem:$0x280];
	_ =	sdelay $0x4  }
0x10a: {  	v58 =	vshll.u32 v3, $0x3  }
0x10b: {  	v3 =	vand.u32 $0x7, v3;
	v4 =	vand.u32 $0xFFFFFFC0, v58  }
0x10c: {  	v3 =	vor.u32 v3, v4  }
0x10d: {  	v4 =	vperm.xlane v3, v0;
	_ =	sdelay $0x1  }
0x10e: {  	v4 =	vadd.s32 v1, v4;
	_ =	sdelay $0x4  }
0x10f: {  	[tilespmem:s22], [sflag:$0x1] =	stream.indirect_vreg.gather [hbm4b:s2+s3], $0x80, v4, vm0, $0xb8;
	[tilespmem:$0x8800] =	vst v63  }
0x110: {  	v3 =	vperm.xlane v3, v2  }
0x111: {  	[tilespmem:s23], [sflag:$0x1] =	stream.indirect_vreg.gather [hbm4b:s5+s3], $0x80, v4, vm0, $0xb8;
	[tilespmem:$0x8800] =	vst v63  }
0x112: {  	v3 =	vadd.s32 v1, v3  }
0x113: {  	[tilespmem:s24], [sflag:$0x1] =	stream.indirect_vreg.gather [hbm4b:s6+s3], $0x80, v4, vm0, $0xb8;
	[tilespmem:$0x8800] =	vst v63  }
0x114: {  	_ = 	snop  }
0x115: {  	[tilespmem:s25], [sflag:$0x1] =	stream.indirect_vreg.gather [hbm4b:s7+s3], $0x80, v4, vm0, $0xb8;
	[tilespmem:$0x8800] =	vst v63  }
0x116: {  	_ = 	snop  }
0x117: {  	[tilespmem:s26], [sflag:$0x1] =	stream.indirect_vreg.gather [hbm4b:s2+s3], $0x80, v3, vm0, $0xb8;
	[tilespmem:$0x8800] =	vst v63  }
0x118: {  	_ = 	snop  }
0x119: {  	[tilespmem:s28], [sflag:$0x1] =	stream.indirect_vreg.gather [hbm4b:s5+s3], $0x80, v3, vm0, $0xb8;
	[tilespmem:$0x8800] =	vst v63  }
0x11a: {  	_ = 	snop  }
0x11b: {  	[tilespmem:s29], [sflag:$0x1] =	stream.indirect_vreg.gather [hbm4b:s6+s3], $0x80, v3, vm0, $0xb8;
	[tilespmem:$0x8800] =	vst v63  }
0x11c: {  	_ = 	snop  }
0x11d: {  	[tilespmem:s30], [sflag:$0x1] =	stream.indirect_vreg.gather [hbm4b:s7+s3], $0x80, v3, vm0, $0xb8;
	[tilespmem:$0x8800] =	vst v63  }
0x11e: {  	_ =	swait.ge [sflag:s21], $0x4000  }
0x11f: {  	[sflag:s21] =	ssyncset.done $0x0  }
0x120: {  	[sflag:s21] =	ssyncadd.s32 $0xFFFFC000  }
0x121: {  	v3 =	vld [tilespmem:$0x680];
	_ =	sdelay $0x4  }
0x122: {  	v59 =	vshll.u32 v3, $0x3  }
0x123: {  	v3 =	vand.u32 $0x7, v3;
	v4 =	vand.u32 $0xFFFFFFC0, v59  }
0x124: {  	v3 =	vor.u32 v3, v4  }
0x125: {  	v4 =	vperm.xlane v3, v0;
	_ =	sdelay $0x1  }
0x126: {  	v4 =	vadd.s32 v1, v4;
	_ =	sdelay $0x4  }
0x127: {  	[hbm4b:s4+s3] =	stream.indirect_vreg.scatter [tilespmem:s22], [sflag:$0x3], $0x80, v4, vm0, $0xb8;
	[tilespmem:$0x8800] =	vst v63  }
0x128: {  	v3 =	vperm.xlane v3, v2  }
0x129: {  	[hbm4b:s8+s3] =	stream.indirect_vreg.scatter [tilespmem:s23], [sflag:$0x3], $0x80, v4, vm0, $0xb8;
	[tilespmem:$0x8800] =	vst v63  }
0x12a: {  	v3 =	vadd.s32 v1, v3  }
0x12b: {  	[hbm4b:s9+s3] =	stream.indirect_vreg.scatter [tilespmem:s24], [sflag:$0x3], $0x80, v4, vm0, $0xb8;
	[tilespmem:$0x8800] =	vst v63  }
0x12c: {  	_ = 	snop  }
0x12d: {  	[hbm4b:s10+s3] =	stream.indirect_vreg.scatter [tilespmem:s25], [sflag:$0x3], $0x80, v4, vm0, $0xb8;
	[tilespmem:$0x8800] =	vst v63  }
0x12e: {  	_ = 	snop  }
0x12f: {  	[hbm4b:s4+s3] =	stream.indirect_vreg.scatter [tilespmem:s26], [sflag:$0x3], $0x80, v3, vm0, $0xb8;
	[tilespmem:$0x8800] =	vst v63  }
0x130: {  	_ = 	snop  }
0x131: {  	[hbm4b:s8+s3] =	stream.indirect_vreg.scatter [tilespmem:s28], [sflag:$0x3], $0x80, v3, vm0, $0xb8;
	[tilespmem:$0x8800] =	vst v63  }
0x132: {  	_ = 	snop  }
0x133: {  	[hbm4b:s9+s3] =	stream.indirect_vreg.scatter [tilespmem:s29], [sflag:$0x3], $0x80, v3, vm0, $0xb8;
	[tilespmem:$0x8800] =	vst v63  }
0x134: {  	_ = 	snop  }
0x135: {  	[hbm4b:s10+s3] =	stream.indirect_vreg.scatter [tilespmem:s30], [sflag:$0x3], $0x80, v3, vm0, $0xb8;
	[tilespmem:$0x8800] =	vst v63  }
0x136: {  	_ =	swait.ge [sflag:s31], $0x4000  }
0x137: {  	[sflag:s31] =	ssyncset.done $0x0  }
0x138: {  	[sflag:s31] =	ssyncadd.s32 $0xFFFFC000  }
0x139: {  	v3 =	vld [tilespmem:$0x300];
	_ =	sdelay $0x4  }
0x13a: {  	v60 =	vshll.u32 v3, $0x3  }
0x13b: {  	v3 =	vand.u32 $0x7, v3;
	v4 =	vand.u32 $0xFFFFFFC0, v60  }
0x13c: {  	v3 =	vor.u32 v3, v4  }
0x13d: {  	v4 =	vperm.xlane v3, v0;
	_ =	sdelay $0x1  }
0x13e: {  	v4 =	vadd.s32 v1, v4;
	_ =	sdelay $0x4  }
0x13f: {  	[tilespmem:s12], [sflag:$0x1] =	stream.indirect_vreg.gather [hbm4b:s2+s3], $0x80, v4, vm0, $0xb8;
	[tilespmem:$0x8800] =	vst v63  }
0x140: {  	v3 =	vperm.xlane v3, v2  }
0x141: {  	[tilespmem:s14], [sflag:$0x1] =	stream.indirect_vreg.gather [hbm4b:s5+s3], $0x80, v4, vm0, $0xb8;
	[tilespmem:$0x8800] =	vst v63  }
0x142: {  	v3 =	vadd.s32 v1, v3  }
0x143: {  	[tilespmem:s15], [sflag:$0x1] =	stream.indirect_vreg.gather [hbm4b:s6+s3], $0x80, v4, vm0, $0xb8;
	[tilespmem:$0x8800] =	vst v63  }
0x144: {  	_ = 	snop  }
0x145: {  	[tilespmem:s16], [sflag:$0x1] =	stream.indirect_vreg.gather [hbm4b:s7+s3], $0x80, v4, vm0, $0xb8;
	[tilespmem:$0x8800] =	vst v63  }
0x146: {  	_ = 	snop  }
0x147: {  	[tilespmem:s17], [sflag:$0x1] =	stream.indirect_vreg.gather [hbm4b:s2+s3], $0x80, v3, vm0, $0xb8;
	[tilespmem:$0x8800] =	vst v63  }
0x148: {  	_ = 	snop  }
0x149: {  	[tilespmem:s18], [sflag:$0x1] =	stream.indirect_vreg.gather [hbm4b:s5+s3], $0x80, v3, vm0, $0xb8;
	[tilespmem:$0x8800] =	vst v63  }
0x14a: {  	_ = 	snop  }
0x14b: {  	[tilespmem:s19], [sflag:$0x1] =	stream.indirect_vreg.gather [hbm4b:s6+s3], $0x80, v3, vm0, $0xb8;
	[tilespmem:$0x8800] =	vst v63  }
0x14c: {  	_ = 	snop  }
0x14d: {  	[tilespmem:s20], [sflag:$0x1] =	stream.indirect_vreg.gather [hbm4b:s7+s3], $0x80, v3, vm0, $0xb8;
	[tilespmem:$0x8800] =	vst v63  }
0x14e: {  	_ =	swait.ge [sflag:s21], $0x4000  }
0x14f: {  	[sflag:s21] =	ssyncset.done $0x0  }
0x150: {  	[sflag:s21] =	ssyncadd.s32 $0xFFFFC000  }
0x151: {  	v3 =	vld [tilespmem:$0x700];
	_ =	sdelay $0x4  }
0x152: {  	v61 =	vshll.u32 v3, $0x3  }
0x153: {  	v3 =	vand.u32 $0x7, v3;
	v4 =	vand.u32 $0xFFFFFFC0, v61  }
0x154: {  	v3 =	vor.u32 v3, v4  }
0x155: {  	v4 =	vperm.xlane v3, v0;
	_ =	sdelay $0x1  }
0x156: {  	v4 =	vadd.s32 v1, v4;
	_ =	sdelay $0x4  }
0x157: {  	[hbm4b:s4+s3] =	stream.indirect_vreg.scatter [tilespmem:s12], [sflag:$0x2], $0x80, v4, vm0, $0xb8;
	[tilespmem:$0x8800] =	vst v63  }
0x158: {  	v3 =	vperm.xlane v3, v2  }
0x159: {  	[hbm4b:s8+s3] =	stream.indirect_vreg.scatter [tilespmem:s14], [sflag:$0x2], $0x80, v4, vm0, $0xb8;
	[tilespmem:$0x8800] =	vst v63  }
0x15a: {  	v3 =	vadd.s32 v1, v3  }
0x15b: {  	[hbm4b:s9+s3] =	stream.indirect_vreg.scatter [tilespmem:s15], [sflag:$0x2], $0x80, v4, vm0, $0xb8;
	[tilespmem:$0x8800] =	vst v63  }
0x15c: {  	_ = 	snop  }
0x15d: {  	[hbm4b:s10+s3] =	stream.indirect_vreg.scatter [tilespmem:s16], [sflag:$0x2], $0x80, v4, vm0, $0xb8;
	[tilespmem:$0x8800] =	vst v63  }
0x15e: {  	_ = 	snop  }
0x15f: {  	[hbm4b:s4+s3] =	stream.indirect_vreg.scatter [tilespmem:s17], [sflag:$0x2], $0x80, v3, vm0, $0xb8;
	[tilespmem:$0x8800] =	vst v63  }
0x160: {  	_ = 	snop  }
0x161: {  	[hbm4b:s8+s3] =	stream.indirect_vreg.scatter [tilespmem:s18], [sflag:$0x2], $0x80, v3, vm0, $0xb8;
	[tilespmem:$0x8800] =	vst v63  }
0x162: {  	_ = 	snop  }
0x163: {  	[hbm4b:s9+s3] =	stream.indirect_vreg.scatter [tilespmem:s19], [sflag:$0x2], $0x80, v3, vm0, $0xb8;
	[tilespmem:$0x8800] =	vst v63  }
0x164: {  	_ = 	snop  }
0x165: {  	[hbm4b:s10+s3] =	stream.indirect_vreg.scatter [tilespmem:s20], [sflag:$0x2], $0x80, v3, vm0, $0xb8;
	[tilespmem:$0x8800] =	vst v63  }
0x166: {  	_ =	swait.ge [sflag:s0], $0x4000  }
0x167: {  	[sflag:s0] =	ssyncset.done $0x0  }
0x168: {  	[sflag:s0] =	ssyncadd.s32 $0xFFFFC000  }
0x169: {  	v3 =	vld [tilespmem:$0x380];
	_ =	sdelay $0x4  }
0x16a: {  	v62 =	vshll.u32 v3, $0x3  }
0x16b: {  	v3 =	vand.u32 $0x7, v3;
	v4 =	vand.u32 $0xFFFFFFC0, v62  }
0x16c: {  	v3 =	vor.u32 v3, v4  }
0x16d: {  	v4 =	vperm.xlane v3, v0;
	_ =	sdelay $0x1  }
0x16e: {  	v4 =	vadd.s32 v1, v4;
	_ =	sdelay $0x4  }
0x16f: {  	[tilespmem:s22], [sflag:$0x1] =	stream.indirect_vreg.gather [hbm4b:s2+s3], $0x80, v4, vm0, $0xb8;
	[tilespmem:$0x8800] =	vst v63  }
0x170: {  	v3 =	vperm.xlane v3, v2  }
0x171: {  	[tilespmem:s23], [sflag:$0x1] =	stream.indirect_vreg.gather [hbm4b:s5+s3], $0x80, v4, vm0, $0xb8;
	[tilespmem:$0x8800] =	vst v63  }
0x172: {  	v3 =	vadd.s32 v1, v3  }
0x173: {  	[tilespmem:s24], [sflag:$0x1] =	stream.indirect_vreg.gather [hbm4b:s6+s3], $0x80, v4, vm0, $0xb8;
	[tilespmem:$0x8800] =	vst v63  }
0x174: {  	_ = 	snop  }
0x175: {  	[tilespmem:s25], [sflag:$0x1] =	stream.indirect_vreg.gather [hbm4b:s7+s3], $0x80, v4, vm0, $0xb8;
	[tilespmem:$0x8800] =	vst v63  }
0x176: {  	_ = 	snop  }
0x177: {  	[tilespmem:s26], [sflag:$0x1] =	stream.indirect_vreg.gather [hbm4b:s2+s3], $0x80, v3, vm0, $0xb8;
	[tilespmem:$0x8800] =	vst v63  }
0x178: {  	_ = 	snop  }
0x179: {  	[tilespmem:s28], [sflag:$0x1] =	stream.indirect_vreg.gather [hbm4b:s5+s3], $0x80, v3, vm0, $0xb8;
	[tilespmem:$0x8800] =	vst v63  }
0x17a: {  	_ = 	snop  }
0x17b: {  	[tilespmem:s29], [sflag:$0x1] =	stream.indirect_vreg.gather [hbm4b:s6+s3], $0x80, v3, vm0, $0xb8;
	[tilespmem:$0x8800] =	vst v63  }
0x17c: {  	_ = 	snop  }
0x17d: {  	[tilespmem:s30], [sflag:$0x1] =	stream.indirect_vreg.gather [hbm4b:s7+s3], $0x80, v3, vm0, $0xb8;
	[tilespmem:$0x8800] =	vst v63  }
0x17e: {  	_ =	swait.ge [sflag:s21], $0x4000  }
0x17f: {  	[sflag:s21] =	ssyncset.done $0x0  }
0x180: {  	[sflag:s21] =	ssyncadd.s32 $0xFFFFC000  }
0x181: {  	v3 =	vld [tilespmem:$0x780];
	_ =	sdelay $0x4  }
0x182: {  	v63 =	vshll.u32 v3, $0x3  }
0x183: {  	v3 =	vand.u32 $0x7, v3;
	v4 =	vand.u32 $0xFFFFFFC0, v63  }
0x184: {  	v3 =	vor.u32 v3, v4  }
0x185: {  	v4 =	vperm.xlane v3, v0;
	_ =	sdelay $0x1  }
0x186: {  	v4 =	vadd.s32 v1, v4;
	_ =	sdelay $0x4  }
0x187: {  	[hbm4b:s4+s3] =	stream.indirect_vreg.scatter [tilespmem:s22], [sflag:$0x3], $0x80, v4, vm0, $0xb8;
	[tilespmem:$0x8800] =	vst v63  }
0x188: {  	v3 =	vperm.xlane v3, v2  }
0x189: {  	[hbm4b:s8+s3] =	stream.indirect_vreg.scatter [tilespmem:s23], [sflag:$0x3], $0x80, v4, vm0, $0xb8;
	[tilespmem:$0x8800] =	vst v63  }
0x18a: {  	v3 =	vadd.s32 v1, v3  }
0x18b: {  	[hbm4b:s9+s3] =	stream.indirect_vreg.scatter [tilespmem:s24], [sflag:$0x3], $0x80, v4, vm0, $0xb8;
	[tilespmem:$0x8800] =	vst v63  }
0x18c: {  	_ = 	snop  }
0x18d: {  	[hbm4b:s10+s3] =	stream.indirect_vreg.scatter [tilespmem:s25], [sflag:$0x3], $0x80, v4, vm0, $0xb8;
	[tilespmem:$0x8800] =	vst v63  }
0x18e: {  	_ = 	snop  }
0x18f: {  	[hbm4b:s4+s3] =	stream.indirect_vreg.scatter [tilespmem:s26], [sflag:$0x3], $0x80, v3, vm0, $0xb8;
	[tilespmem:$0x8800] =	vst v63  }
0x190: {  	_ = 	snop  }
0x191: {  	[hbm4b:s8+s3] =	stream.indirect_vreg.scatter [tilespmem:s28], [sflag:$0x3], $0x80, v3, vm0, $0xb8;
	[tilespmem:$0x8800] =	vst v63  }
0x192: {  	_ = 	snop  }
0x193: {  	[hbm4b:s9+s3] =	stream.indirect_vreg.scatter [tilespmem:s29], [sflag:$0x3], $0x80, v3, vm0, $0xb8;
	[tilespmem:$0x8800] =	vst v63  }
0x194: {  	_ = 	snop  }
0x195: {  	[hbm4b:s10+s3] =	stream.indirect_vreg.scatter [tilespmem:s30], [sflag:$0x3], $0x80, v3, vm0, $0xb8;
	[tilespmem:$0x8800] =	vst v63  }
0x196: {  	p0 =	sne.s32 s11, $0x1;
	_ =	swait.ge [sflag:s31], $0x4000  }
.Ltmp0:
0x197: {  	[sflag:s31] =	ssyncset.done $0x0;
	(pc) =	sbr.rel @p0 .LBB2_1-.Ltmp0, $4  }
0x198: {  	[sflag:s31] =	ssyncadd.s32 $0xFFFFC000  }
0x199: {  	_ =	swait.ge [sflag:s0], $0x4000  }
0x19a: {  	[sflag:s0] =	ssyncset.done $0x0  }
0x19b: {  	s11 =	sadd.s32 $0xFFFFFFFF, s11;
	[sflag:s0] =	ssyncadd.s32 $0xFFFFC000  }
0x19c: {  	_ =	sfence.sel $0x180000  }
0x19d: {  	[bflag:$0x0] =	sbarrier.arrive $0xFFFF  }
0x19e: {  	_ =	strace $0x90000047  }
0x19f: {  	s0 =	stileid.u32;
	[bflag:$0x2] =	sbarrier.arrive $0xFFFF  }
0x1a0: {  	p0 =	sne.s32 s0, $0x0;
	s0 =	rddreg [dreg:$0x2]  }
0x1a1: {  	s0 =	sadd.s32 @!p0 $0x100000, s0  }
0x1a2: {  	[sflag:s0] =	ssyncadd.tile.s32 @!p0 $0x1;
	_ =	shalt  }
.Lfunc_end2:
_tile_overlayer_lowered:
.L_overlay_start_2:
0x1a3: {  	(tag) =	ssettag $0x2  }
0x1a4: {  	s0 =	rddreg [dreg:$0x0];
	s2 =	stileid.u32  }
0x1a5: {  	s1 =	rddreg [dreg:$0x1];
	p0 =	sne.s32 s2, $0x0  }
0x1a6: {  	s3 =	rddreg [dreg:$0x2];
	[bflag:$0x3] =	sbarrier.arrive $0xFFFF;
	s2 =	simm.s32 @!p0 $0x1C04  }
0x1a7: {  	[timem:s3], [sflag:s2] =	dma.local @!p0 [hbm:s0], s1  }
0x1a8: {  	s0 =	simm.s32 @!p0 $0x4  }
0x1a9: {  	_ =	swait.ge @!p0 [sflag:s0], s1  }
0x1aa: {  	s1 =	ssub.s32 @!p0 $0x0, s1;
	[sflag:s0] =	ssyncset.done @!p0 $0x0  }
0x1ab: {  	[sflag:s0] =	ssyncadd.s32 @!p0 s1  }
0x1ac: {  	[bflag:$0x3] =	sbarrier.arrive $0xFFFF  }
0x1ad: {  	_ =	shalt  }

</sc_bundles>
